<compile_context>
chip_gen: v7x
topology: tpu7x:2x2x1
jax: 0.10.2.dev20260603
libtpu: 0.0.44.dev20260713+nightly
codegen_flags: <defaults>
</compile_context>

<pallas_src>
import functools

import jax
import jax.numpy as jnp
from jax import lax
from jax.experimental import pallas as pl
from jax.experimental.pallas import tpu as pltpu
from jax.experimental.pallas import tpu_sc as plsc

N = 10000
E = 320000
DIM = 128
B = 8
NPG = N // B
EPG = E // B
DELTA = 0.1

NC, NS = 2, 16
NSC_NODES = N // NC
NSC_EDGES = E // NC
TILE_EDGES = NSC_EDGES // NS
CH = 128
NBUF = 4
NCHUNK = 80
TILE_EDGES_PAD = NCHUNK * CH
DUMP = NSC_NODES
ACC_ROWS = NSC_NODES + 8


def _zero_acc(z128, acc, s, extra=None):
    r0 = pl.multiple_of(s * 312, 8)
    pltpu.sync_copy(z128.at[pl.ds(r0, 312)], acc.at[pl.ds(r0, 312)])

    @pl.when(s == 0)
    def _():
        pltpu.sync_copy(z128.at[pl.ds(4992, 8)], acc.at[pl.ds(4992, 8)])
    return r0


def _copy_out(acc, out, s, node0, r0):
    g0 = pl.multiple_of(node0 + r0, 8)
    pltpu.sync_copy(acc.at[pl.ds(r0, 312)], out.at[pl.ds(g0, 312)])

    @pl.when(s == 0)
    def _():
        t0 = pl.multiple_of(node0 + 4992, 8)
        pltpu.sync_copy(acc.at[pl.ds(4992, 8)], out.at[pl.ds(t0, 8)])


def _sc_agg_body(h, src_h, dst_h, z128, agg_out, acc, srcv, dstv, *rest):
    gbuf = rest[:NBUF]
    semg = rest[NBUF:2 * NBUF]
    c = lax.axis_index("c")
    s = lax.axis_index("s")
    t = c * NS + s
    node0 = c * NSC_NODES

    pltpu.sync_copy(src_h.at[t], srcv)
    pltpu.sync_copy(dst_h.at[t], dstv)
    r0 = _zero_acc(z128, acc, s)
    plsc.subcore_barrier()

    def fire_gather(b, j):
        pltpu.async_copy(h.at[srcv.at[j]], gbuf[b], semg[b])

    def wait_gather(b, j):
        pltpu.make_async_copy(h.at[srcv.at[j]], gbuf[b], semg[b]).wait()

    for b in range(NBUF):
        fire_gather(b, b)

    def round_(i, carry):
        for b in range(NBUF):
            j = i * NBUF + b
            wait_gather(b, j)
            pltpu.sync_copy(gbuf[b], acc.at[dstv.at[j]], add=True)
            j2 = (i + 1) * NBUF + b

            def refill(b=b, j2=j2):
                fire_gather(b, j2)
            pl.when(j2 < NCHUNK)(refill)
        return carry
    lax.fori_loop(0, NCHUNK // NBUF, round_, 0)
    plsc.subcore_barrier()
    _copy_out(acc, agg_out, s, node0, r0)


def _sc_cnt_body(dst_h, z128, ones_h, cnt_out, cntacc, dstv, onesv, sem):
    c = lax.axis_index("c")
    s = lax.axis_index("s")
    t = c * NS + s
    node0 = c * NSC_NODES

    pltpu.sync_copy(dst_h.at[t], dstv)
    pltpu.sync_copy(ones_h, onesv)
    r0 = _zero_acc(z128, cntacc, s)
    plsc.subcore_barrier()

    K = 8

    def round_(i, carry):
        for b in range(K):
            pltpu.async_copy(onesv, cntacc.at[dstv.at[i * K + b]], sem,
                             add=True)
        for b in range(K):
            pltpu.make_async_copy(onesv, cntacc.at[dstv.at[i * K + b]],
                                  sem).wait()
        return carry
    lax.fori_loop(0, NCHUNK // K, round_, 0)
    plsc.subcore_barrier()
    _copy_out(cntacc, cnt_out, s, node0, r0)


@functools.lru_cache(maxsize=None)
def _sc_kernels():
    mesh = plsc.VectorSubcoreMesh(core_axis_name="c", subcore_axis_name="s",
                                  num_cores=NC, num_subcores=NS)
    cnt_k = functools.partial(
        pl.kernel,
        out_type=jax.ShapeDtypeStruct((N, DIM), jnp.float32),
        mesh=mesh,
        scratch_types=[
            pltpu.VMEM_SHARED((ACC_ROWS, DIM), jnp.float32),
            pltpu.VMEM((NCHUNK, CH), jnp.int32),
            pltpu.VMEM((CH, DIM), jnp.float32),
            pltpu.SemaphoreType.DMA,
        ],
    )(_sc_cnt_body)
    agg = functools.partial(
        pl.kernel,
        out_type=jax.ShapeDtypeStruct((N, DIM), jnp.float32),
        mesh=mesh,
        scratch_types=[
            pltpu.VMEM_SHARED((ACC_ROWS, DIM), jnp.float32),
            pltpu.VMEM((NCHUNK, CH), jnp.int32),
            pltpu.VMEM((NCHUNK, CH), jnp.int32),
        ] + [pltpu.VMEM((CH, DIM), jnp.float32) for _ in range(NBUF)]
        + [pltpu.SemaphoreType.DMA for _ in range(NBUF)],
    )(_sc_agg_body)
    return cnt_k, agg



def _bf(x):
    return x.astype(jnp.bfloat16)


def _h0_body(cx, cy, w0, w1, bz, out):
    px = _bf(cx[...]).astype(jnp.float32) * _bf(w0[...]).astype(jnp.float32)
    py = _bf(cy[...]).astype(jnp.float32) * _bf(w1[...]).astype(jnp.float32)
    out[...] = px + py + bz[...]


def _upd_body(h_ref, agg_ref, cnt_ref, w_ref, b_ref, out_ref):
    cnt = jnp.max(cnt_ref[...], axis=1, keepdims=True)
    cnt = jnp.maximum(cnt, 1.0)
    a = agg_ref[...] / cnt
    out_ref[...] = h_ref[...] + DELTA * jnp.maximum(
        jnp.dot(_bf(a), _bf(w_ref[...]), preferred_element_type=jnp.float32)
        + b_ref[...], 0.0)


def _head_body(h_ref, m0w, m0b, m1w, m1b, m2w, m2b, tgt, out_ref):
    hh = h_ref[...]
    rows = lax.broadcasted_iota(jnp.int32, (B, N), 0)
    cols = lax.broadcasted_iota(jnp.int32, (B, N), 1)
    sel = jnp.where(cols // NPG == rows, 1.0 / NPG, 0.0)
    g = jnp.dot(sel, hh, preferred_element_type=jnp.float32)
    y = jnp.maximum(jnp.dot(_bf(g), _bf(m0w[...]),
                            preferred_element_type=jnp.float32) + m0b[...], 0.0)
    y = jnp.maximum(jnp.dot(_bf(y), _bf(m1w[...]),
                            preferred_element_type=jnp.float32) + m1b[...], 0.0)
    y = jnp.dot(_bf(y), _bf(m2w[...]),
                preferred_element_type=jnp.float32) + m2b[...]
    pr = lax.broadcasted_iota(jnp.int32, (B // 2, B), 0)
    pc = lax.broadcasted_iota(jnp.int32, (B // 2, B), 1)
    pair = (jnp.where(pc == 2 * pr, 1.0, 0.0)
            - jnp.where(pc == 2 * pr + 1, 1.0, 0.0))
    d = jnp.dot(pair, y, preferred_element_type=jnp.float32)
    lossv = jnp.maximum(0.0, -tgt[...] * d)
    out_ref[...] = jnp.mean(lossv).reshape(1, 1)


_RB = 2000


def _tc_h0(cx, cy, w0, w1, bz):
    return pl.pallas_call(
        _h0_body,
        grid=(N // _RB,),
        in_specs=[
            pl.BlockSpec((_RB, 1), lambda i: (i, 0)),
            pl.BlockSpec((_RB, 1), lambda i: (i, 0)),
            pl.BlockSpec((1, DIM), lambda i: (0, 0)),
            pl.BlockSpec((1, DIM), lambda i: (0, 0)),
            pl.BlockSpec((1, DIM), lambda i: (0, 0)),
        ],
        out_specs=pl.BlockSpec((_RB, DIM), lambda i: (i, 0)),
        out_shape=jax.ShapeDtypeStruct((N, DIM), jnp.float32),
    )(cx, cy, w0, w1, bz)


def _tc_upd(h, agg, cnt, w, b):
    return pl.pallas_call(
        _upd_body,
        grid=(N // _RB,),
        in_specs=[
            pl.BlockSpec((_RB, DIM), lambda i: (i, 0)),
            pl.BlockSpec((_RB, DIM), lambda i: (i, 0)),
            pl.BlockSpec((_RB, DIM), lambda i: (i, 0)),
            pl.BlockSpec((DIM, DIM), lambda i: (0, 0)),
            pl.BlockSpec((1, DIM), lambda i: (0, 0)),
        ],
        out_specs=pl.BlockSpec((_RB, DIM), lambda i: (i, 0)),
        out_shape=jax.ShapeDtypeStruct((N, DIM), jnp.float32),
    )(h, agg, cnt, w, b)


def _tc_head(h, m0w, m0b, m1w, m1b, m2w, m2b, tgt):
    return pl.pallas_call(
        _head_body,
        out_shape=jax.ShapeDtypeStruct((1, 1), jnp.float32),
    )(h, m0w, m0b, m1w, m1b, m2w, m2b, tgt)


def kernel(coord, edge_index, target, Wzz_w, Wzz_b, W0, b0, W1, b1, W2, b2,
           M0w, M0b, M1w, M1b, M2w, M2b):
    src = edge_index[0]
    dst = edge_index[1]
    sc_base = (jnp.arange(E, dtype=jnp.int32) // NSC_EDGES) * NSC_NODES
    dstl = dst - sc_base
    pad = TILE_EDGES_PAD - TILE_EDGES
    src_p = jnp.pad(src.reshape(NC * NS, TILE_EDGES),
                    ((0, 0), (0, pad))).reshape(NC * NS, NCHUNK, CH)
    dst_p = jnp.pad(dstl.reshape(NC * NS, TILE_EDGES),
                    ((0, 0), (0, pad)),
                    constant_values=DUMP).reshape(NC * NS, NCHUNK, CH)
    z128 = jnp.zeros((NSC_NODES, DIM), jnp.float32)
    ones128 = jnp.ones((CH, DIM), jnp.float32)

    sc_cnt, sc_agg = _sc_kernels()
    h = _tc_h0(coord[:, 0:1], coord[:, 1:2],
               Wzz_w[0:1, :], Wzz_w[1:2, :], Wzz_b.reshape(1, DIM))
    cnt = sc_cnt(dst_p, z128, ones128)
    agg = sc_agg(h, src_p, dst_p, z128)
    h = _tc_upd(h, agg, cnt, W0, b0.reshape(1, DIM))
    agg = sc_agg(h, src_p, dst_p, z128)
    h = _tc_upd(h, agg, cnt, W1, b1.reshape(1, DIM))
    agg = sc_agg(h, src_p, dst_p, z128)
    h = _tc_upd(h, agg, cnt, W2, b2.reshape(1, DIM))
    loss = _tc_head(h, M0w, M0b.reshape(1, -1), M1w, M1b.reshape(1, -1),
                    M2w, M2b.reshape(1, 1), target.reshape(B // 2, 1))
    return loss[0, 0]

# --- scband reference (transcript-rebuilt; emitter-appended) ---
"""Pipeline reference for scband-destroy-38293928411556 (READ-ONLY COPY).

The authoritative reference and input builder live on the scoring server;
editing this copy changes nothing except your own understanding.
"""

import jax, jax.numpy as jnp
import numpy as np

N = 10000
E = 320000
DIM = 128
B = 8
NPG = N // B
EPG = E // B
DELTA = 0.1


def setup_inputs(seed: int = 0):
    key = jax.random.key(seed)
    ks = jax.random.split(key, 16)
    s = 0.05
    coord = jax.random.normal(ks[0], (N, 2), dtype=jnp.float32)
    base = (jnp.arange(E, dtype=jnp.int32) // EPG) * NPG
    src = base + jax.random.randint(ks[1], (E,), 0, NPG, dtype=jnp.int32)
    dst = base + jax.random.randint(ks[2], (E,), 0, NPG, dtype=jnp.int32)
    edge_index = jnp.stack([src, dst])
    target = jnp.ones((B // 2,), dtype=jnp.float32)
    Wzz_w = jax.random.normal(ks[3], (2, DIM), dtype=jnp.float32) * s
    Wzz_b = jnp.zeros((DIM,), dtype=jnp.float32)
    W0 = jax.random.normal(ks[4], (DIM, DIM), dtype=jnp.float32) * s
    b0 = jnp.zeros((DIM,), dtype=jnp.float32)
    W1 = jax.random.normal(ks[5], (DIM, DIM), dtype=jnp.float32) * s
    b1 = jnp.zeros((DIM,), dtype=jnp.float32)
    W2 = jax.random.normal(ks[6], (DIM, DIM), dtype=jnp.float32) * s
    b2 = jnp.zeros((DIM,), dtype=jnp.float32)
    M0w = jax.random.normal(ks[7], (DIM, DIM // 2), dtype=jnp.float32) * s
    M0b = jnp.zeros((DIM // 2,), dtype=jnp.float32)
    M1w = jax.random.normal(ks[8], (DIM // 2, DIM // 2), dtype=jnp.float32) * s
    M1b = jnp.zeros((DIM // 2,), dtype=jnp.float32)
    M2w = jax.random.normal(ks[9], (DIM // 2, 1), dtype=jnp.float32) * s
    M2b = jnp.zeros((1,), dtype=jnp.float32)
    return {"coord": coord, "edge_index": edge_index, "target": target,
            "Wzz_w": Wzz_w, "Wzz_b": Wzz_b,
            "W0": W0, "b0": b0, "W1": W1, "b1": b1, "W2": W2, "b2": b2,
            "M0w": M0w, "M0b": M0b, "M1w": M1w, "M1b": M1b, "M2w": M2w, "M2b": M2b}


def reference(coord, edge_index, target, Wzz_w, Wzz_b, W0, b0, W1, b1, W2, b2,
              M0w, M0b, M1w, M1b, M2w, M2b):
    src = edge_index[0]
    dst = edge_index[1]
    # z = Wzz(coord)
    h = coord @ Wzz_w + Wzz_b
    # MPNN: n_layers of mean-aggregated message passing with residual, delta-scaled update
    cnt = jnp.zeros((N,), jnp.float32).at[dst].add(1.0)
    cnt = jnp.maximum(cnt, 1.0)[:, None]
    for W, bb in ((W0, b0), (W1, b1), (W2, b2)):
        agg = jnp.zeros((N, DIM), jnp.float32).at[dst].add(h[src]) / cnt
        h = h + DELTA * jax.nn.relu(agg @ W + bb)
    # readout per graph (torch.mean over node axis)
    ge = h.reshape(B, -1, DIM)
    g = jnp.mean(ge, axis=1).reshape(-1, 2, DIM)
    # mlp head
    y = jax.nn.relu(g @ M0w + M0b)
    y = jax.nn.relu(y @ M1w + M1b)
    y = (y @ M2w + M2b).reshape(-1, 2)
    # MarginRankingLoss (margin=0, mean reduction)
    loss = jnp.mean(jnp.maximum(0.0, -target * (y[:, 0] - y[:, 1])))
    return loss

if __name__ == "__main__":
    import jax
    _d = setup_inputs()
    print(jax.jit(kernel)(*tuple(_d.values())))

</pallas_src>

<mosaic_0001>
#map = affine_map<(d0, d1) -> (0, 0)>
#map1 = affine_map<(d0, d1) -> (0, 0, 0)>
module attributes {stable_mosaic.version = 14 : i64} {
  func.func @_sc_agg_body(%arg0: i32, %arg1: i32, %arg2: memref<10000x128xf32, #tpu.memory_space<hbm>>, %arg3: memref<32x80x128xi32, #tpu.memory_space<hbm>>, %arg4: memref<32x80x128xi32, #tpu.memory_space<hbm>>, %arg5: memref<5000x128xf32, #tpu.memory_space<hbm>>, %arg6: memref<10000x128xf32, #tpu.memory_space<hbm>>, %arg7: memref<5008x128xf32, #tpu.memory_space<vmem_shared>>, %arg8: memref<80x128xi32, #tpu.memory_space<vmem>>, %arg9: memref<80x128xi32, #tpu.memory_space<vmem>>, %arg10: memref<128x128xf32, #tpu.memory_space<vmem>>, %arg11: memref<128x128xf32, #tpu.memory_space<vmem>>, %arg12: memref<128x128xf32, #tpu.memory_space<vmem>>, %arg13: memref<128x128xf32, #tpu.memory_space<vmem>>, %arg14: memref<!tpu.dma_semaphore, #tpu.memory_space<semaphore_mem>>, %arg15: memref<!tpu.dma_semaphore, #tpu.memory_space<semaphore_mem>>, %arg16: memref<!tpu.dma_semaphore, #tpu.memory_space<semaphore_mem>>, %arg17: memref<!tpu.dma_semaphore, #tpu.memory_space<semaphore_mem>>) attributes {dimension_semantics = [#tpu.dimension_semantics<core_parallel>, #tpu.dimension_semantics<subcore_parallel>], iteration_bounds = array<i64: 2, 16>, scalar_prefetch = 0 : i64, scratch_operands = 11 : i64, tpu.core_type = #tpu.core_type<sc_vector_subcore>, window_params = [{transform_indices = #map}, {transform_indices = #map1}, {transform_indices = #map1}, {transform_indices = #map}, {transform_indices = #map}]} {
    %mul3A = arith.constant 16 : i32
    %mul3A_0 = arith.muli %arg0, %mul3A : i32
    %add3A = arith.addi %mul3A_0, %arg1 : i32
    %mul3A_1 = arith.constant 5000 : i32
    %mul3A_2 = arith.muli %arg0, %mul3A_1 : i32
    "tpu.region"() ({
      %run_scoped3A = tpu.sem_alloc : memref<!tpu.dma_semaphore, #tpu.memory_space<semaphore_mem>>
      %dma_start3A_47 = arith.constant 0 : i32
      %dma_start3A_48 = arith.constant 0 : i32
      %dma_start3A_49 = tpu.memref_slice %arg3[%add3A, %dma_start3A_47, %dma_start3A_48] : memref<32x80x128xi32, #tpu.memory_space<hbm>> -> memref<1x80x128xi32, #tpu.memory_space<hbm>>
      %dma_start3A_50 = tpu.memref_squeeze %dma_start3A_49 : memref<1x80x128xi32, #tpu.memory_space<hbm>> -> memref<80x128xi32, #tpu.memory_space<hbm>>
      %dma_start3A_51 = arith.constant 0 : i32
      %dma_start3A_52 = arith.constant 0 : i32
      %dma_start3A_53 = tpu.memref_slice %arg3[%add3A, %dma_start3A_51, %dma_start3A_52] : memref<32x80x128xi32, #tpu.memory_space<hbm>> -> memref<1x80x128xi32, #tpu.memory_space<hbm>>
      %dma_start3A_54 = tpu.memref_squeeze %dma_start3A_53 : memref<1x80x128xi32, #tpu.memory_space<hbm>> -> memref<80x128xi32, #tpu.memory_space<hbm>>
      tpu.enqueue_dma source(%dma_start3A_54 : memref<80x128xi32, #tpu.memory_space<hbm>>) target(%arg8 : memref<80x128xi32, #tpu.memory_space<vmem>>) target_semaphore(%run_scoped3A : memref<!tpu.dma_semaphore, #tpu.memory_space<semaphore_mem>>)
      %dma_wait3A = arith.constant 0 : i32
      %dma_wait3A_55 = arith.constant 0 : i32
      %dma_wait3A_56 = tpu.memref_slice %arg3[%add3A, %dma_wait3A, %dma_wait3A_55] : memref<32x80x128xi32, #tpu.memory_space<hbm>> -> memref<1x80x128xi32, #tpu.memory_space<hbm>>
      %dma_wait3A_57 = tpu.memref_squeeze %dma_wait3A_56 : memref<1x80x128xi32, #tpu.memory_space<hbm>> -> memref<80x128xi32, #tpu.memory_space<hbm>>
      %dma_wait3A_58 = arith.constant 0 : i32
      %dma_wait3A_59 = arith.constant 0 : i32
      %dma_wait3A_60 = tpu.memref_slice %arg3[%add3A, %dma_wait3A_58, %dma_wait3A_59] : memref<32x80x128xi32, #tpu.memory_space<hbm>> -> memref<1x80x128xi32, #tpu.memory_space<hbm>>
      %dma_wait3A_61 = tpu.memref_squeeze %dma_wait3A_60 : memref<1x80x128xi32, #tpu.memory_space<hbm>> -> memref<80x128xi32, #tpu.memory_space<hbm>>
      tpu.wait_dma2 semaphore(%run_scoped3A : memref<!tpu.dma_semaphore, #tpu.memory_space<semaphore_mem>>) src(%dma_wait3A_61 : memref<80x128xi32, #tpu.memory_space<hbm>>) dst(%arg8 : memref<80x128xi32, #tpu.memory_space<vmem>>)
      tpu.yield
    }) : () -> ()
    "tpu.region"() ({
      %run_scoped3A = tpu.sem_alloc : memref<!tpu.dma_semaphore, #tpu.memory_space<semaphore_mem>>
      %dma_start3A_47 = arith.constant 0 : i32
      %dma_start3A_48 = arith.constant 0 : i32
      %dma_start3A_49 = tpu.memref_slice %arg4[%add3A, %dma_start3A_47, %dma_start3A_48] : memref<32x80x128xi32, #tpu.memory_space<hbm>> -> memref<1x80x128xi32, #tpu.memory_space<hbm>>
      %dma_start3A_50 = tpu.memref_squeeze %dma_start3A_49 : memref<1x80x128xi32, #tpu.memory_space<hbm>> -> memref<80x128xi32, #tpu.memory_space<hbm>>
      %dma_start3A_51 = arith.constant 0 : i32
      %dma_start3A_52 = arith.constant 0 : i32
      %dma_start3A_53 = tpu.memref_slice %arg4[%add3A, %dma_start3A_51, %dma_start3A_52] : memref<32x80x128xi32, #tpu.memory_space<hbm>> -> memref<1x80x128xi32, #tpu.memory_space<hbm>>
      %dma_start3A_54 = tpu.memref_squeeze %dma_start3A_53 : memref<1x80x128xi32, #tpu.memory_space<hbm>> -> memref<80x128xi32, #tpu.memory_space<hbm>>
      tpu.enqueue_dma source(%dma_start3A_54 : memref<80x128xi32, #tpu.memory_space<hbm>>) target(%arg9 : memref<80x128xi32, #tpu.memory_space<vmem>>) target_semaphore(%run_scoped3A : memref<!tpu.dma_semaphore, #tpu.memory_space<semaphore_mem>>)
      %dma_wait3A = arith.constant 0 : i32
      %dma_wait3A_55 = arith.constant 0 : i32
      %dma_wait3A_56 = tpu.memref_slice %arg4[%add3A, %dma_wait3A, %dma_wait3A_55] : memref<32x80x128xi32, #tpu.memory_space<hbm>> -> memref<1x80x128xi32, #tpu.memory_space<hbm>>
      %dma_wait3A_57 = tpu.memref_squeeze %dma_wait3A_56 : memref<1x80x128xi32, #tpu.memory_space<hbm>> -> memref<80x128xi32, #tpu.memory_space<hbm>>
      %dma_wait3A_58 = arith.constant 0 : i32
      %dma_wait3A_59 = arith.constant 0 : i32
      %dma_wait3A_60 = tpu.memref_slice %arg4[%add3A, %dma_wait3A_58, %dma_wait3A_59] : memref<32x80x128xi32, #tpu.memory_space<hbm>> -> memref<1x80x128xi32, #tpu.memory_space<hbm>>
      %dma_wait3A_61 = tpu.memref_squeeze %dma_wait3A_60 : memref<1x80x128xi32, #tpu.memory_space<hbm>> -> memref<80x128xi32, #tpu.memory_space<hbm>>
      tpu.wait_dma2 semaphore(%run_scoped3A : memref<!tpu.dma_semaphore, #tpu.memory_space<semaphore_mem>>) src(%dma_wait3A_61 : memref<80x128xi32, #tpu.memory_space<hbm>>) dst(%arg9 : memref<80x128xi32, #tpu.memory_space<vmem>>)
      tpu.yield
    }) : () -> ()
    %mul3A_3 = arith.constant 312 : i32
    %mul3A_4 = arith.muli %arg1, %mul3A_3 : i32
    %multiple_of3A = tpu.assume_multiple %mul3A_4, 8 : i32
    "tpu.region"() ({
      %run_scoped3A = tpu.sem_alloc : memref<!tpu.dma_semaphore, #tpu.memory_space<semaphore_mem>>
      %dma_start3A_47 = arith.constant 0 : i32
      %dma_start3A_48 = tpu.memref_slice %arg7[%multiple_of3A, %dma_start3A_47] : memref<5008x128xf32, #tpu.memory_space<vmem_shared>> -> memref<312x128xf32, #tpu.memory_space<vmem_shared>>
      %dma_start3A_49 = arith.constant 0 : i32
      %dma_start3A_50 = tpu.memref_slice %arg5[%multiple_of3A, %dma_start3A_49] : memref<5000x128xf32, #tpu.memory_space<hbm>> -> memref<312x128xf32, #tpu.memory_space<hbm>>
      tpu.enqueue_dma source(%dma_start3A_50 : memref<312x128xf32, #tpu.memory_space<hbm>>) target(%dma_start3A_48 : memref<312x128xf32, #tpu.memory_space<vmem_shared>>) target_semaphore(%run_scoped3A : memref<!tpu.dma_semaphore, #tpu.memory_space<semaphore_mem>>)
      %dma_wait3A = arith.constant 0 : i32
      %dma_wait3A_51 = tpu.memref_slice %arg7[%multiple_of3A, %dma_wait3A] : memref<5008x128xf32, #tpu.memory_space<vmem_shared>> -> memref<312x128xf32, #tpu.memory_space<vmem_shared>>
      %dma_wait3A_52 = arith.constant 0 : i32
      %dma_wait3A_53 = tpu.memref_slice %arg5[%multiple_of3A, %dma_wait3A_52] : memref<5000x128xf32, #tpu.memory_space<hbm>> -> memref<312x128xf32, #tpu.memory_space<hbm>>
      tpu.wait_dma2 semaphore(%run_scoped3A : memref<!tpu.dma_semaphore, #tpu.memory_space<semaphore_mem>>) src(%dma_wait3A_53 : memref<312x128xf32, #tpu.memory_space<hbm>>) dst(%dma_wait3A_51 : memref<312x128xf32, #tpu.memory_space<vmem_shared>>)
      tpu.yield
    }) : () -> ()
    %eq3A = arith.constant 0 : i32
    %eq3A_5 = arith.cmpi eq, %arg1, %eq3A : i32
    %convert_element_type3A = arith.extui %eq3A_5 : i1 to i32
    %cond3A = arith.constant 0 : i32
    %cond3A_6 = arith.cmpi ne, %convert_element_type3A, %cond3A : i32
    scf.if %cond3A_6 {
      "tpu.region"() ({
        %run_scoped3A = tpu.sem_alloc : memref<!tpu.dma_semaphore, #tpu.memory_space<semaphore_mem>>
        %dma_start3A_47 = arith.constant 4992 : i32
        %dma_start3A_48 = arith.constant 0 : i32
        %dma_start3A_49 = tpu.memref_slice %arg7[%dma_start3A_47, %dma_start3A_48] : memref<5008x128xf32, #tpu.memory_space<vmem_shared>> -> memref<8x128xf32, #tpu.memory_space<vmem_shared>>
        %dma_start3A_50 = arith.constant 4992 : i32
        %dma_start3A_51 = arith.constant 0 : i32
        %dma_start3A_52 = tpu.memref_slice %arg5[%dma_start3A_50, %dma_start3A_51] : memref<5000x128xf32, #tpu.memory_space<hbm>> -> memref<8x128xf32, #tpu.memory_space<hbm>>
        tpu.enqueue_dma source(%dma_start3A_52 : memref<8x128xf32, #tpu.memory_space<hbm>>) target(%dma_start3A_49 : memref<8x128xf32, #tpu.memory_space<vmem_shared>>) target_semaphore(%run_scoped3A : memref<!tpu.dma_semaphore, #tpu.memory_space<semaphore_mem>>)
        %dma_wait3A = arith.constant 4992 : i32
        %dma_wait3A_53 = arith.constant 0 : i32
        %dma_wait3A_54 = tpu.memref_slice %arg7[%dma_wait3A, %dma_wait3A_53] : memref<5008x128xf32, #tpu.memory_space<vmem_shared>> -> memref<8x128xf32, #tpu.memory_space<vmem_shared>>
        %dma_wait3A_55 = arith.constant 4992 : i32
        %dma_wait3A_56 = arith.constant 0 : i32
        %dma_wait3A_57 = tpu.memref_slice %arg5[%dma_wait3A_55, %dma_wait3A_56] : memref<5000x128xf32, #tpu.memory_space<hbm>> -> memref<8x128xf32, #tpu.memory_space<hbm>>
        tpu.wait_dma2 semaphore(%run_scoped3A : memref<!tpu.dma_semaphore, #tpu.memory_space<semaphore_mem>>) src(%dma_wait3A_57 : memref<8x128xf32, #tpu.memory_space<hbm>>) dst(%dma_wait3A_54 : memref<8x128xf32, #tpu.memory_space<vmem_shared>>)
        tpu.yield
      }) : () -> ()
    } else {
    }
    %barrier3A = arith.constant 0 : index
    tpu.barrier barrier_id(%barrier3A)
    %dma_start3A = arith.constant 0 : i32
    %dma_start3A_7 = arith.constant 0 : i32
    %dma_start3A_8 = tpu.memref_slice %arg8[%dma_start3A, %dma_start3A_7] : memref<80x128xi32, #tpu.memory_space<vmem>> -> memref<1x128xi32, #tpu.memory_space<vmem>>
    %dma_start3A_9 = tpu.memref_squeeze %dma_start3A_8 : memref<1x128xi32, #tpu.memory_space<vmem>> -> memref<128xi32, #tpu.memory_space<vmem>>
    %dma_start3A_10 = arith.constant 0 : i32
    %dma_start3A_11 = arith.constant 0 : i32
    %dma_start3A_12 = tpu.memref_slice %arg2[%dma_start3A_10, %dma_start3A_11] : memref<10000x128xf32, #tpu.memory_space<hbm>> -> memref<10000x128xf32, #tpu.memory_space<hbm>>
    tpu.enqueue_indirect_dma source(%dma_start3A_12 : memref<10000x128xf32, #tpu.memory_space<hbm>>) target(%arg10 : memref<128x128xf32, #tpu.memory_space<vmem>>) offsets(%dma_start3A_9 : memref<128xi32, #tpu.memory_space<vmem>>) semaphore(%arg14 : memref<!tpu.dma_semaphore, #tpu.memory_space<semaphore_mem>>)
    %dma_start3A_13 = arith.constant 1 : i32
    %dma_start3A_14 = arith.constant 0 : i32
    %dma_start3A_15 = tpu.memref_slice %arg8[%dma_start3A_13, %dma_start3A_14] : memref<80x128xi32, #tpu.memory_space<vmem>> -> memref<1x128xi32, #tpu.memory_space<vmem>>
    %dma_start3A_16 = tpu.memref_squeeze %dma_start3A_15 : memref<1x128xi32, #tpu.memory_space<vmem>> -> memref<128xi32, #tpu.memory_space<vmem>>
    %dma_start3A_17 = arith.constant 0 : i32
    %dma_start3A_18 = arith.constant 0 : i32
    %dma_start3A_19 = tpu.memref_slice %arg2[%dma_start3A_17, %dma_start3A_18] : memref<10000x128xf32, #tpu.memory_space<hbm>> -> memref<10000x128xf32, #tpu.memory_space<hbm>>
    tpu.enqueue_indirect_dma source(%dma_start3A_19 : memref<10000x128xf32, #tpu.memory_space<hbm>>) target(%arg11 : memref<128x128xf32, #tpu.memory_space<vmem>>) offsets(%dma_start3A_16 : memref<128xi32, #tpu.memory_space<vmem>>) semaphore(%arg15 : memref<!tpu.dma_semaphore, #tpu.memory_space<semaphore_mem>>)
    %dma_start3A_20 = arith.constant 2 : i32
    %dma_start3A_21 = arith.constant 0 : i32
    %dma_start3A_22 = tpu.memref_slice %arg8[%dma_start3A_20, %dma_start3A_21] : memref<80x128xi32, #tpu.memory_space<vmem>> -> memref<1x128xi32, #tpu.memory_space<vmem>>
    %dma_start3A_23 = tpu.memref_squeeze %dma_start3A_22 : memref<1x128xi32, #tpu.memory_space<vmem>> -> memref<128xi32, #tpu.memory_space<vmem>>
    %dma_start3A_24 = arith.constant 0 : i32
    %dma_start3A_25 = arith.constant 0 : i32
    %dma_start3A_26 = tpu.memref_slice %arg2[%dma_start3A_24, %dma_start3A_25] : memref<10000x128xf32, #tpu.memory_space<hbm>> -> memref<10000x128xf32, #tpu.memory_space<hbm>>
    tpu.enqueue_indirect_dma source(%dma_start3A_26 : memref<10000x128xf32, #tpu.memory_space<hbm>>) target(%arg12 : memref<128x128xf32, #tpu.memory_space<vmem>>) offsets(%dma_start3A_23 : memref<128xi32, #tpu.memory_space<vmem>>) semaphore(%arg16 : memref<!tpu.dma_semaphore, #tpu.memory_space<semaphore_mem>>)
    %dma_start3A_27 = arith.constant 3 : i32
    %dma_start3A_28 = arith.constant 0 : i32
    %dma_start3A_29 = tpu.memref_slice %arg8[%dma_start3A_27, %dma_start3A_28] : memref<80x128xi32, #tpu.memory_space<vmem>> -> memref<1x128xi32, #tpu.memory_space<vmem>>
    %dma_start3A_30 = tpu.memref_squeeze %dma_start3A_29 : memref<1x128xi32, #tpu.memory_space<vmem>> -> memref<128xi32, #tpu.memory_space<vmem>>
    %dma_start3A_31 = arith.constant 0 : i32
    %dma_start3A_32 = arith.constant 0 : i32
    %dma_start3A_33 = tpu.memref_slice %arg2[%dma_start3A_31, %dma_start3A_32] : memref<10000x128xf32, #tpu.memory_space<hbm>> -> memref<10000x128xf32, #tpu.memory_space<hbm>>
    tpu.enqueue_indirect_dma source(%dma_start3A_33 : memref<10000x128xf32, #tpu.memory_space<hbm>>) target(%arg13 : memref<128x128xf32, #tpu.memory_space<vmem>>) offsets(%dma_start3A_30 : memref<128xi32, #tpu.memory_space<vmem>>) semaphore(%arg17 : memref<!tpu.dma_semaphore, #tpu.memory_space<semaphore_mem>>)
    %scan3A = arith.constant 0 : i32
    %scan3A_34 = arith.constant 0 : i32
    %scan3A_35 = arith.constant 20 : i32
    %scan3A_36 = arith.addi %scan3A_34, %scan3A_35 : i32
    %scan3A_37 = arith.constant 1 : i32
    scf.for %scan3A_47 = %scan3A_34 to %scan3A_36 step %scan3A_37  : i32 {
      %mul3A_48 = arith.constant 4 : i32
      %mul3A_49 = arith.muli %scan3A_47, %mul3A_48 : i32
      %add3A_50 = arith.constant 0 : i32
      %add3A_51 = arith.addi %mul3A_49, %add3A_50 : i32
      %dma_wait3A = arith.constant 0 : i32
      %dma_wait3A_52 = tpu.memref_slice %arg8[%add3A_51, %dma_wait3A] : memref<80x128xi32, #tpu.memory_space<vmem>> -> memref<1x128xi32, #tpu.memory_space<vmem>>
      %dma_wait3A_53 = tpu.memref_squeeze %dma_wait3A_52 : memref<1x128xi32, #tpu.memory_space<vmem>> -> memref<128xi32, #tpu.memory_space<vmem>>
      %dma_wait3A_54 = arith.constant 0 : i32
      %dma_wait3A_55 = arith.constant 0 : i32
      %dma_wait3A_56 = tpu.memref_slice %arg2[%dma_wait3A_54, %dma_wait3A_55] : memref<10000x128xf32, #tpu.memory_space<hbm>> -> memref<10000x128xf32, #tpu.memory_space<hbm>>
      tpu.wait_indirect_dma semaphore(%arg14 : memref<!tpu.dma_semaphore, #tpu.memory_space<semaphore_mem>>) src(%dma_wait3A_56 : memref<10000x128xf32, #tpu.memory_space<hbm>>) dst(%arg10 : memref<128x128xf32, #tpu.memory_space<vmem>>)
      "tpu.region"() ({
        %run_scoped3A = tpu.sem_alloc : memref<!tpu.dma_semaphore, #tpu.memory_space<semaphore_mem>>
        %dma_start3A_130 = arith.constant 0 : i32
        %dma_start3A_131 = tpu.memref_slice %arg9[%add3A_51, %dma_start3A_130] : memref<80x128xi32, #tpu.memory_space<vmem>> -> memref<1x128xi32, #tpu.memory_space<vmem>>
        %dma_start3A_132 = tpu.memref_squeeze %dma_start3A_131 : memref<1x128xi32, #tpu.memory_space<vmem>> -> memref<128xi32, #tpu.memory_space<vmem>>
        %dma_start3A_133 = arith.constant 0 : i32
        %dma_start3A_134 = arith.constant 0 : i32
        %dma_start3A_135 = tpu.memref_slice %arg7[%dma_start3A_133, %dma_start3A_134] : memref<5008x128xf32, #tpu.memory_space<vmem_shared>> -> memref<5008x128xf32, #tpu.memory_space<vmem_shared>>
        tpu.enqueue_indirect_dma source(%arg10 : memref<128x128xf32, #tpu.memory_space<vmem>>) target(%dma_start3A_135 : memref<5008x128xf32, #tpu.memory_space<vmem_shared>>) offsets(%dma_start3A_132 : memref<128xi32, #tpu.memory_space<vmem>>) semaphore(%run_scoped3A : memref<!tpu.dma_semaphore, #tpu.memory_space<semaphore_mem>>) {add = true}
        %dma_wait3A_136 = arith.constant 0 : i32
        %dma_wait3A_137 = tpu.memref_slice %arg9[%add3A_51, %dma_wait3A_136] : memref<80x128xi32, #tpu.memory_space<vmem>> -> memref<1x128xi32, #tpu.memory_space<vmem>>
        %dma_wait3A_138 = tpu.memref_squeeze %dma_wait3A_137 : memref<1x128xi32, #tpu.memory_space<vmem>> -> memref<128xi32, #tpu.memory_space<vmem>>
        %dma_wait3A_139 = arith.constant 0 : i32
        %dma_wait3A_140 = arith.constant 0 : i32
        %dma_wait3A_141 = tpu.memref_slice %arg7[%dma_wait3A_139, %dma_wait3A_140] : memref<5008x128xf32, #tpu.memory_space<vmem_shared>> -> memref<5008x128xf32, #tpu.memory_space<vmem_shared>>
        tpu.wait_indirect_dma semaphore(%run_scoped3A : memref<!tpu.dma_semaphore, #tpu.memory_space<semaphore_mem>>) src(%arg10 : memref<128x128xf32, #tpu.memory_space<vmem>>) dst(%dma_wait3A_141 : memref<5008x128xf32, #tpu.memory_space<vmem_shared>>)
        tpu.yield
      }) : () -> ()
      %add3A_57 = arith.constant 1 : i32
      %add3A_58 = arith.addi %scan3A_47, %add3A_57 : i32
      %mul3A_59 = arith.constant 4 : i32
      %mul3A_60 = arith.muli %add3A_58, %mul3A_59 : i32
      %add3A_61 = arith.constant 0 : i32
      %add3A_62 = arith.addi %mul3A_60, %add3A_61 : i32
      %lt3A = arith.constant 80 : i32
      %lt3A_63 = arith.cmpi slt, %add3A_62, %lt3A : i32
      %convert_element_type3A_64 = arith.extui %lt3A_63 : i1 to i32
      %cond3A_65 = arith.constant 0 : i32
      %cond3A_66 = arith.cmpi ne, %convert_element_type3A_64, %cond3A_65 : i32
      scf.if %cond3A_66 {
        %dma_start3A_130 = arith.constant 0 : i32
        %dma_start3A_131 = tpu.memref_slice %arg8[%add3A_62, %dma_start3A_130] : memref<80x128xi32, #tpu.memory_space<vmem>> -> memref<1x128xi32, #tpu.memory_space<vmem>>
        %dma_start3A_132 = tpu.memref_squeeze %dma_start3A_131 : memref<1x128xi32, #tpu.memory_space<vmem>> -> memref<128xi32, #tpu.memory_space<vmem>>
        %dma_start3A_133 = arith.constant 0 : i32
        %dma_start3A_134 = arith.constant 0 : i32
        %dma_start3A_135 = tpu.memref_slice %arg2[%dma_start3A_133, %dma_start3A_134] : memref<10000x128xf32, #tpu.memory_space<hbm>> -> memref<10000x128xf32, #tpu.memory_space<hbm>>
        tpu.enqueue_indirect_dma source(%dma_start3A_135 : memref<10000x128xf32, #tpu.memory_space<hbm>>) target(%arg10 : memref<128x128xf32, #tpu.memory_space<vmem>>) offsets(%dma_start3A_132 : memref<128xi32, #tpu.memory_space<vmem>>) semaphore(%arg14 : memref<!tpu.dma_semaphore, #tpu.memory_space<semaphore_mem>>)
      } else {
      }
      %mul3A_67 = arith.constant 4 : i32
      %mul3A_68 = arith.muli %scan3A_47, %mul3A_67 : i32
      %add3A_69 = arith.constant 1 : i32
      %add3A_70 = arith.addi %mul3A_68, %add3A_69 : i32
      %dma_wait3A_71 = arith.constant 0 : i32
      %dma_wait3A_72 = tpu.memref_slice %arg8[%add3A_70, %dma_wait3A_71] : memref<80x128xi32, #tpu.memory_space<vmem>> -> memref<1x128xi32, #tpu.memory_space<vmem>>
      %dma_wait3A_73 = tpu.memref_squeeze %dma_wait3A_72 : memref<1x128xi32, #tpu.memory_space<vmem>> -> memref<128xi32, #tpu.memory_space<vmem>>
      %dma_wait3A_74 = arith.constant 0 : i32
      %dma_wait3A_75 = arith.constant 0 : i32
      %dma_wait3A_76 = tpu.memref_slice %arg2[%dma_wait3A_74, %dma_wait3A_75] : memref<10000x128xf32, #tpu.memory_space<hbm>> -> memref<10000x128xf32, #tpu.memory_space<hbm>>
      tpu.wait_indirect_dma semaphore(%arg15 : memref<!tpu.dma_semaphore, #tpu.memory_space<semaphore_mem>>) src(%dma_wait3A_76 : memref<10000x128xf32, #tpu.memory_space<hbm>>) dst(%arg11 : memref<128x128xf32, #tpu.memory_space<vmem>>)
      "tpu.region"() ({
        %run_scoped3A = tpu.sem_alloc : memref<!tpu.dma_semaphore, #tpu.memory_space<semaphore_mem>>
        %dma_start3A_130 = arith.constant 0 : i32
        %dma_start3A_131 = tpu.memref_slice %arg9[%add3A_70, %dma_start3A_130] : memref<80x128xi32, #tpu.memory_space<vmem>> -> memref<1x128xi32, #tpu.memory_space<vmem>>
        %dma_start3A_132 = tpu.memref_squeeze %dma_start3A_131 : memref<1x128xi32, #tpu.memory_space<vmem>> -> memref<128xi32, #tpu.memory_space<vmem>>
        %dma_start3A_133 = arith.constant 0 : i32
        %dma_start3A_134 = arith.constant 0 : i32
        %dma_start3A_135 = tpu.memref_slice %arg7[%dma_start3A_133, %dma_start3A_134] : memref<5008x128xf32, #tpu.memory_space<vmem_shared>> -> memref<5008x128xf32, #tpu.memory_space<vmem_shared>>
        tpu.enqueue_indirect_dma source(%arg11 : memref<128x128xf32, #tpu.memory_space<vmem>>) target(%dma_start3A_135 : memref<5008x128xf32, #tpu.memory_space<vmem_shared>>) offsets(%dma_start3A_132 : memref<128xi32, #tpu.memory_space<vmem>>) semaphore(%run_scoped3A : memref<!tpu.dma_semaphore, #tpu.memory_space<semaphore_mem>>) {add = true}
        %dma_wait3A_136 = arith.constant 0 : i32
        %dma_wait3A_137 = tpu.memref_slice %arg9[%add3A_70, %dma_wait3A_136] : memref<80x128xi32, #tpu.memory_space<vmem>> -> memref<1x128xi32, #tpu.memory_space<vmem>>
        %dma_wait3A_138 = tpu.memref_squeeze %dma_wait3A_137 : memref<1x128xi32, #tpu.memory_space<vmem>> -> memref<128xi32, #tpu.memory_space<vmem>>
        %dma_wait3A_139 = arith.constant 0 : i32
        %dma_wait3A_140 = arith.constant 0 : i32
        %dma_wait3A_141 = tpu.memref_slice %arg7[%dma_wait3A_139, %dma_wait3A_140] : memref<5008x128xf32, #tpu.memory_space<vmem_shared>> -> memref<5008x128xf32, #tpu.memory_space<vmem_shared>>
        tpu.wait_indirect_dma semaphore(%run_scoped3A : memref<!tpu.dma_semaphore, #tpu.memory_space<semaphore_mem>>) src(%arg11 : memref<128x128xf32, #tpu.memory_space<vmem>>) dst(%dma_wait3A_141 : memref<5008x128xf32, #tpu.memory_space<vmem_shared>>)
        tpu.yield
      }) : () -> ()
      %add3A_77 = arith.constant 1 : i32
      %add3A_78 = arith.addi %scan3A_47, %add3A_77 : i32
      %mul3A_79 = arith.constant 4 : i32
      %mul3A_80 = arith.muli %add3A_78, %mul3A_79 : i32
      %add3A_81 = arith.constant 1 : i32
      %add3A_82 = arith.addi %mul3A_80, %add3A_81 : i32
      %lt3A_83 = arith.constant 80 : i32
      %lt3A_84 = arith.cmpi slt, %add3A_82, %lt3A_83 : i32
      %convert_element_type3A_85 = arith.extui %lt3A_84 : i1 to i32
      %cond3A_86 = arith.constant 0 : i32
      %cond3A_87 = arith.cmpi ne, %convert_element_type3A_85, %cond3A_86 : i32
      scf.if %cond3A_87 {
        %dma_start3A_130 = arith.constant 0 : i32
        %dma_start3A_131 = tpu.memref_slice %arg8[%add3A_82, %dma_start3A_130] : memref<80x128xi32, #tpu.memory_space<vmem>> -> memref<1x128xi32, #tpu.memory_space<vmem>>
        %dma_start3A_132 = tpu.memref_squeeze %dma_start3A_131 : memref<1x128xi32, #tpu.memory_space<vmem>> -> memref<128xi32, #tpu.memory_space<vmem>>
        %dma_start3A_133 = arith.constant 0 : i32
        %dma_start3A_134 = arith.constant 0 : i32
        %dma_start3A_135 = tpu.memref_slice %arg2[%dma_start3A_133, %dma_start3A_134] : memref<10000x128xf32, #tpu.memory_space<hbm>> -> memref<10000x128xf32, #tpu.memory_space<hbm>>
        tpu.enqueue_indirect_dma source(%dma_start3A_135 : memref<10000x128xf32, #tpu.memory_space<hbm>>) target(%arg11 : memref<128x128xf32, #tpu.memory_space<vmem>>) offsets(%dma_start3A_132 : memref<128xi32, #tpu.memory_space<vmem>>) semaphore(%arg15 : memref<!tpu.dma_semaphore, #tpu.memory_space<semaphore_mem>>)
      } else {
      }
      %mul3A_88 = arith.constant 4 : i32
      %mul3A_89 = arith.muli %scan3A_47, %mul3A_88 : i32
      %add3A_90 = arith.constant 2 : i32
      %add3A_91 = arith.addi %mul3A_89, %add3A_90 : i32
      %dma_wait3A_92 = arith.constant 0 : i32
      %dma_wait3A_93 = tpu.memref_slice %arg8[%add3A_91, %dma_wait3A_92] : memref<80x128xi32, #tpu.memory_space<vmem>> -> memref<1x128xi32, #tpu.memory_space<vmem>>
      %dma_wait3A_94 = tpu.memref_squeeze %dma_wait3A_93 : memref<1x128xi32, #tpu.memory_space<vmem>> -> memref<128xi32, #tpu.memory_space<vmem>>
      %dma_wait3A_95 = arith.constant 0 : i32
      %dma_wait3A_96 = arith.constant 0 : i32
      %dma_wait3A_97 = tpu.memref_slice %arg2[%dma_wait3A_95, %dma_wait3A_96] : memref<10000x128xf32, #tpu.memory_space<hbm>> -> memref<10000x128xf32, #tpu.memory_space<hbm>>
      tpu.wait_indirect_dma semaphore(%arg16 : memref<!tpu.dma_semaphore, #tpu.memory_space<semaphore_mem>>) src(%dma_wait3A_97 : memref<10000x128xf32, #tpu.memory_space<hbm>>) dst(%arg12 : memref<128x128xf32, #tpu.memory_space<vmem>>)
      "tpu.region"() ({
        %run_scoped3A = tpu.sem_alloc : memref<!tpu.dma_semaphore, #tpu.memory_space<semaphore_mem>>
        %dma_start3A_130 = arith.constant 0 : i32
        %dma_start3A_131 = tpu.memref_slice %arg9[%add3A_91, %dma_start3A_130] : memref<80x128xi32, #tpu.memory_space<vmem>> -> memref<1x128xi32, #tpu.memory_space<vmem>>
        %dma_start3A_132 = tpu.memref_squeeze %dma_start3A_131 : memref<1x128xi32, #tpu.memory_space<vmem>> -> memref<128xi32, #tpu.memory_space<vmem>>
        %dma_start3A_133 = arith.constant 0 : i32
        %dma_start3A_134 = arith.constant 0 : i32
        %dma_start3A_135 = tpu.memref_slice %arg7[%dma_start3A_133, %dma_start3A_134] : memref<5008x128xf32, #tpu.memory_space<vmem_shared>> -> memref<5008x128xf32, #tpu.memory_space<vmem_shared>>
        tpu.enqueue_indirect_dma source(%arg12 : memref<128x128xf32, #tpu.memory_space<vmem>>) target(%dma_start3A_135 : memref<5008x128xf32, #tpu.memory_space<vmem_shared>>) offsets(%dma_start3A_132 : memref<128xi32, #tpu.memory_space<vmem>>) semaphore(%run_scoped3A : memref<!tpu.dma_semaphore, #tpu.memory_space<semaphore_mem>>) {add = true}
        %dma_wait3A_136 = arith.constant 0 : i32
        %dma_wait3A_137 = tpu.memref_slice %arg9[%add3A_91, %dma_wait3A_136] : memref<80x128xi32, #tpu.memory_space<vmem>> -> memref<1x128xi32, #tpu.memory_space<vmem>>
        %dma_wait3A_138 = tpu.memref_squeeze %dma_wait3A_137 : memref<1x128xi32, #tpu.memory_space<vmem>> -> memref<128xi32, #tpu.memory_space<vmem>>
        %dma_wait3A_139 = arith.constant 0 : i32
        %dma_wait3A_140 = arith.constant 0 : i32
        %dma_wait3A_141 = tpu.memref_slice %arg7[%dma_wait3A_139, %dma_wait3A_140] : memref<5008x128xf32, #tpu.memory_space<vmem_shared>> -> memref<5008x128xf32, #tpu.memory_space<vmem_shared>>
        tpu.wait_indirect_dma semaphore(%run_scoped3A : memref<!tpu.dma_semaphore, #tpu.memory_space<semaphore_mem>>) src(%arg12 : memref<128x128xf32, #tpu.memory_space<vmem>>) dst(%dma_wait3A_141 : memref<5008x128xf32, #tpu.memory_space<vmem_shared>>)
        tpu.yield
      }) : () -> ()
      %add3A_98 = arith.constant 1 : i32
      %add3A_99 = arith.addi %scan3A_47, %add3A_98 : i32
      %mul3A_100 = arith.constant 4 : i32
      %mul3A_101 = arith.muli %add3A_99, %mul3A_100 : i32
      %add3A_102 = arith.constant 2 : i32
      %add3A_103 = arith.addi %mul3A_101, %add3A_102 : i32
      %lt3A_104 = arith.constant 80 : i32
      %lt3A_105 = arith.cmpi slt, %add3A_103, %lt3A_104 : i32
      %convert_element_type3A_106 = arith.extui %lt3A_105 : i1 to i32
      %cond3A_107 = arith.constant 0 : i32
      %cond3A_108 = arith.cmpi ne, %convert_element_type3A_106, %cond3A_107 : i32
      scf.if %cond3A_108 {
        %dma_start3A_130 = arith.constant 0 : i32
        %dma_start3A_131 = tpu.memref_slice %arg8[%add3A_103, %dma_start3A_130] : memref<80x128xi32, #tpu.memory_space<vmem>> -> memref<1x128xi32, #tpu.memory_space<vmem>>
        %dma_start3A_132 = tpu.memref_squeeze %dma_start3A_131 : memref<1x128xi32, #tpu.memory_space<vmem>> -> memref<128xi32, #tpu.memory_space<vmem>>
        %dma_start3A_133 = arith.constant 0 : i32
        %dma_start3A_134 = arith.constant 0 : i32
        %dma_start3A_135 = tpu.memref_slice %arg2[%dma_start3A_133, %dma_start3A_134] : memref<10000x128xf32, #tpu.memory_space<hbm>> -> memref<10000x128xf32, #tpu.memory_space<hbm>>
        tpu.enqueue_indirect_dma source(%dma_start3A_135 : memref<10000x128xf32, #tpu.memory_space<hbm>>) target(%arg12 : memref<128x128xf32, #tpu.memory_space<vmem>>) offsets(%dma_start3A_132 : memref<128xi32, #tpu.memory_space<vmem>>) semaphore(%arg16 : memref<!tpu.dma_semaphore, #tpu.memory_space<semaphore_mem>>)
      } else {
      }
      %mul3A_109 = arith.constant 4 : i32
      %mul3A_110 = arith.muli %scan3A_47, %mul3A_109 : i32
      %add3A_111 = arith.constant 3 : i32
      %add3A_112 = arith.addi %mul3A_110, %add3A_111 : i32
      %dma_wait3A_113 = arith.constant 0 : i32
      %dma_wait3A_114 = tpu.memref_slice %arg8[%add3A_112, %dma_wait3A_113] : memref<80x128xi32, #tpu.memory_space<vmem>> -> memref<1x128xi32, #tpu.memory_space<vmem>>
      %dma_wait3A_115 = tpu.memref_squeeze %dma_wait3A_114 : memref<1x128xi32, #tpu.memory_space<vmem>> -> memref<128xi32, #tpu.memory_space<vmem>>
      %dma_wait3A_116 = arith.constant 0 : i32
      %dma_wait3A_117 = arith.constant 0 : i32
      %dma_wait3A_118 = tpu.memref_slice %arg2[%dma_wait3A_116, %dma_wait3A_117] : memref<10000x128xf32, #tpu.memory_space<hbm>> -> memref<10000x128xf32, #tpu.memory_space<hbm>>
      tpu.wait_indirect_dma semaphore(%arg17 : memref<!tpu.dma_semaphore, #tpu.memory_space<semaphore_mem>>) src(%dma_wait3A_118 : memref<10000x128xf32, #tpu.memory_space<hbm>>) dst(%arg13 : memref<128x128xf32, #tpu.memory_space<vmem>>)
      "tpu.region"() ({
        %run_scoped3A = tpu.sem_alloc : memref<!tpu.dma_semaphore, #tpu.memory_space<semaphore_mem>>
        %dma_start3A_130 = arith.constant 0 : i32
        %dma_start3A_131 = tpu.memref_slice %arg9[%add3A_112, %dma_start3A_130] : memref<80x128xi32, #tpu.memory_space<vmem>> -> memref<1x128xi32, #tpu.memory_space<vmem>>
        %dma_start3A_132 = tpu.memref_squeeze %dma_start3A_131 : memref<1x128xi32, #tpu.memory_space<vmem>> -> memref<128xi32, #tpu.memory_space<vmem>>
        %dma_start3A_133 = arith.constant 0 : i32
        %dma_start3A_134 = arith.constant 0 : i32
        %dma_start3A_135 = tpu.memref_slice %arg7[%dma_start3A_133, %dma_start3A_134] : memref<5008x128xf32, #tpu.memory_space<vmem_shared>> -> memref<5008x128xf32, #tpu.memory_space<vmem_shared>>
        tpu.enqueue_indirect_dma source(%arg13 : memref<128x128xf32, #tpu.memory_space<vmem>>) target(%dma_start3A_135 : memref<5008x128xf32, #tpu.memory_space<vmem_shared>>) offsets(%dma_start3A_132 : memref<128xi32, #tpu.memory_space<vmem>>) semaphore(%run_scoped3A : memref<!tpu.dma_semaphore, #tpu.memory_space<semaphore_mem>>) {add = true}
        %dma_wait3A_136 = arith.constant 0 : i32
        %dma_wait3A_137 = tpu.memref_slice %arg9[%add3A_112, %dma_wait3A_136] : memref<80x128xi32, #tpu.memory_space<vmem>> -> memref<1x128xi32, #tpu.memory_space<vmem>>
        %dma_wait3A_138 = tpu.memref_squeeze %dma_wait3A_137 : memref<1x128xi32, #tpu.memory_space<vmem>> -> memref<128xi32, #tpu.memory_space<vmem>>
        %dma_wait3A_139 = arith.constant 0 : i32
        %dma_wait3A_140 = arith.constant 0 : i32
        %dma_wait3A_141 = tpu.memref_slice %arg7[%dma_wait3A_139, %dma_wait3A_140] : memref<5008x128xf32, #tpu.memory_space<vmem_shared>> -> memref<5008x128xf32, #tpu.memory_space<vmem_shared>>
        tpu.wait_indirect_dma semaphore(%run_scoped3A : memref<!tpu.dma_semaphore, #tpu.memory_space<semaphore_mem>>) src(%arg13 : memref<128x128xf32, #tpu.memory_space<vmem>>) dst(%dma_wait3A_141 : memref<5008x128xf32, #tpu.memory_space<vmem_shared>>)
        tpu.yield
      }) : () -> ()
      %add3A_119 = arith.constant 1 : i32
      %add3A_120 = arith.addi %scan3A_47, %add3A_119 : i32
      %mul3A_121 = arith.constant 4 : i32
      %mul3A_122 = arith.muli %add3A_120, %mul3A_121 : i32
      %add3A_123 = arith.constant 3 : i32
      %add3A_124 = arith.addi %mul3A_122, %add3A_123 : i32
      %lt3A_125 = arith.constant 80 : i32
      %lt3A_126 = arith.cmpi slt, %add3A_124, %lt3A_125 : i32
      %convert_element_type3A_127 = arith.extui %lt3A_126 : i1 to i32
      %cond3A_128 = arith.constant 0 : i32
      %cond3A_129 = arith.cmpi ne, %convert_element_type3A_127, %cond3A_128 : i32
      scf.if %cond3A_129 {
        %dma_start3A_130 = arith.constant 0 : i32
        %dma_start3A_131 = tpu.memref_slice %arg8[%add3A_124, %dma_start3A_130] : memref<80x128xi32, #tpu.memory_space<vmem>> -> memref<1x128xi32, #tpu.memory_space<vmem>>
        %dma_start3A_132 = tpu.memref_squeeze %dma_start3A_131 : memref<1x128xi32, #tpu.memory_space<vmem>> -> memref<128xi32, #tpu.memory_space<vmem>>
        %dma_start3A_133 = arith.constant 0 : i32
        %dma_start3A_134 = arith.constant 0 : i32
        %dma_start3A_135 = tpu.memref_slice %arg2[%dma_start3A_133, %dma_start3A_134] : memref<10000x128xf32, #tpu.memory_space<hbm>> -> memref<10000x128xf32, #tpu.memory_space<hbm>>
        tpu.enqueue_indirect_dma source(%dma_start3A_135 : memref<10000x128xf32, #tpu.memory_space<hbm>>) target(%arg13 : memref<128x128xf32, #tpu.memory_space<vmem>>) offsets(%dma_start3A_132 : memref<128xi32, #tpu.memory_space<vmem>>) semaphore(%arg17 : memref<!tpu.dma_semaphore, #tpu.memory_space<semaphore_mem>>)
      } else {
      }
    }
    %scan3A_38 = arith.constant 20 : i32
    %barrier3A_39 = arith.constant 0 : index
    tpu.barrier barrier_id(%barrier3A_39)
    %add3A_40 = arith.addi %mul3A_2, %multiple_of3A : i32
    %multiple_of3A_41 = tpu.assume_multiple %add3A_40, 8 : i32
    "tpu.region"() ({
      %run_scoped3A = tpu.sem_alloc : memref<!tpu.dma_semaphore, #tpu.memory_space<semaphore_mem>>
      %dma_start3A_47 = arith.constant 0 : i32
      %dma_start3A_48 = tpu.memref_slice %arg6[%multiple_of3A_41, %dma_start3A_47] : memref<10000x128xf32, #tpu.memory_space<hbm>> -> memref<312x128xf32, #tpu.memory_space<hbm>>
      %dma_start3A_49 = arith.constant 0 : i32
      %dma_start3A_50 = tpu.memref_slice %arg7[%multiple_of3A, %dma_start3A_49] : memref<5008x128xf32, #tpu.memory_space<vmem_shared>> -> memref<312x128xf32, #tpu.memory_space<vmem_shared>>
      tpu.enqueue_dma source(%dma_start3A_50 : memref<312x128xf32, #tpu.memory_space<vmem_shared>>) target(%dma_start3A_48 : memref<312x128xf32, #tpu.memory_space<hbm>>) target_semaphore(%run_scoped3A : memref<!tpu.dma_semaphore, #tpu.memory_space<semaphore_mem>>)
      %dma_wait3A = arith.constant 0 : i32
      %dma_wait3A_51 = tpu.memref_slice %arg6[%multiple_of3A_41, %dma_wait3A] : memref<10000x128xf32, #tpu.memory_space<hbm>> -> memref<312x128xf32, #tpu.memory_space<hbm>>
      %dma_wait3A_52 = arith.constant 0 : i32
      %dma_wait3A_53 = tpu.memref_slice %arg7[%multiple_of3A, %dma_wait3A_52] : memref<5008x128xf32, #tpu.memory_space<vmem_shared>> -> memref<312x128xf32, #tpu.memory_space<vmem_shared>>
      tpu.wait_dma2 semaphore(%run_scoped3A : memref<!tpu.dma_semaphore, #tpu.memory_space<semaphore_mem>>) src(%dma_wait3A_53 : memref<312x128xf32, #tpu.memory_space<vmem_shared>>) dst(%dma_wait3A_51 : memref<312x128xf32, #tpu.memory_space<hbm>>)
      tpu.yield
    }) : () -> ()
    %eq3A_42 = arith.constant 0 : i32
    %eq3A_43 = arith.cmpi eq, %arg1, %eq3A_42 : i32
    %convert_element_type3A_44 = arith.extui %eq3A_43 : i1 to i32
    %cond3A_45 = arith.constant 0 : i32
    %cond3A_46 = arith.cmpi ne, %convert_element_type3A_44, %cond3A_45 : i32
    scf.if %cond3A_46 {
      %add3A_47 = arith.constant 4992 : i32
      %add3A_48 = arith.addi %mul3A_2, %add3A_47 : i32
      %multiple_of3A_49 = tpu.assume_multiple %add3A_48, 8 : i32
      "tpu.region"() ({
        %run_scoped3A = tpu.sem_alloc : memref<!tpu.dma_semaphore, #tpu.memory_space<semaphore_mem>>
        %dma_start3A_50 = arith.constant 0 : i32
        %dma_start3A_51 = tpu.memref_slice %arg6[%multiple_of3A_49, %dma_start3A_50] : memref<10000x128xf32, #tpu.memory_space<hbm>> -> memref<8x128xf32, #tpu.memory_space<hbm>>
        %dma_start3A_52 = arith.constant 4992 : i32
        %dma_start3A_53 = arith.constant 0 : i32
        %dma_start3A_54 = tpu.memref_slice %arg7[%dma_start3A_52, %dma_start3A_53] : memref<5008x128xf32, #tpu.memory_space<vmem_shared>> -> memref<8x128xf32, #tpu.memory_space<vmem_shared>>
        tpu.enqueue_dma source(%dma_start3A_54 : memref<8x128xf32, #tpu.memory_space<vmem_shared>>) target(%dma_start3A_51 : memref<8x128xf32, #tpu.memory_space<hbm>>) target_semaphore(%run_scoped3A : memref<!tpu.dma_semaphore, #tpu.memory_space<semaphore_mem>>)
        %dma_wait3A = arith.constant 0 : i32
        %dma_wait3A_55 = tpu.memref_slice %arg6[%multiple_of3A_49, %dma_wait3A] : memref<10000x128xf32, #tpu.memory_space<hbm>> -> memref<8x128xf32, #tpu.memory_space<hbm>>
        %dma_wait3A_56 = arith.constant 4992 : i32
        %dma_wait3A_57 = arith.constant 0 : i32
        %dma_wait3A_58 = tpu.memref_slice %arg7[%dma_wait3A_56, %dma_wait3A_57] : memref<5008x128xf32, #tpu.memory_space<vmem_shared>> -> memref<8x128xf32, #tpu.memory_space<vmem_shared>>
        tpu.wait_dma2 semaphore(%run_scoped3A : memref<!tpu.dma_semaphore, #tpu.memory_space<semaphore_mem>>) src(%dma_wait3A_58 : memref<8x128xf32, #tpu.memory_space<vmem_shared>>) dst(%dma_wait3A_55 : memref<8x128xf32, #tpu.memory_space<hbm>>)
        tpu.yield
      }) : () -> ()
    } else {
    }
    return
  }
}

#map = affine_map<(d0, d1) -> (0, 0)>
#map1 = affine_map<(d0, d1) -> (0, 0, 0)>
module attributes {stable_mosaic.version = 14 : i64} {
  func.func @_sc_agg_body(%arg0: i32, %arg1: i32, %arg2: memref<10000x128xf32, #tpu.memory_space<hbm>>, %arg3: memref<32x80x128xi32, #tpu.memory_space<hbm>>, %arg4: memref<32x80x128xi32, #tpu.memory_space<hbm>>, %arg5: memref<5000x128xf32, #tpu.memory_space<hbm>>, %arg6: memref<10000x128xf32, #tpu.memory_space<hbm>>, %arg7: memref<5008x128xf32, #tpu.memory_space<vmem_shared>>, %arg8: memref<80x128xi32, #tpu.memory_space<vmem>>, %arg9: memref<80x128xi32, #tpu.memory_space<vmem>>, %arg10: memref<128x128xf32, #tpu.memory_space<vmem>>, %arg11: memref<128x128xf32, #tpu.memory_space<vmem>>, %arg12: memref<128x128xf32, #tpu.memory_space<vmem>>, %arg13: memref<128x128xf32, #tpu.memory_space<vmem>>, %arg14: memref<!tpu.dma_semaphore, #tpu.memory_space<semaphore_mem>>, %arg15: memref<!tpu.dma_semaphore, #tpu.memory_space<semaphore_mem>>, %arg16: memref<!tpu.dma_semaphore, #tpu.memory_space<semaphore_mem>>, %arg17: memref<!tpu.dma_semaphore, #tpu.memory_space<semaphore_mem>>) attributes {dimension_semantics = [#tpu.dimension_semantics<core_parallel>, #tpu.dimension_semantics<subcore_parallel>], iteration_bounds = array<i64: 2, 16>, scalar_prefetch = 0 : i64, scratch_operands = 11 : i64, tpu.core_type = #tpu.core_type<sc_vector_subcore>, window_params = [{transform_indices = #map}, {transform_indices = #map1}, {transform_indices = #map1}, {transform_indices = #map}, {transform_indices = #map}]} {
    %mul3A = arith.constant 16 : i32
    %mul3A_0 = arith.muli %arg0, %mul3A : i32
    %add3A = arith.addi %mul3A_0, %arg1 : i32
    %mul3A_1 = arith.constant 5000 : i32
    %mul3A_2 = arith.muli %arg0, %mul3A_1 : i32
    "tpu.region"() ({
      %run_scoped3A = tpu.sem_alloc : memref<!tpu.dma_semaphore, #tpu.memory_space<semaphore_mem>>
      %dma_start3A_47 = arith.constant 0 : i32
      %dma_start3A_48 = arith.constant 0 : i32
      %dma_start3A_49 = tpu.memref_slice %arg3[%add3A, %dma_start3A_47, %dma_start3A_48] : memref<32x80x128xi32, #tpu.memory_space<hbm>> -> memref<1x80x128xi32, #tpu.memory_space<hbm>>
      %dma_start3A_50 = tpu.memref_squeeze %dma_start3A_49 : memref<1x80x128xi32, #tpu.memory_space<hbm>> -> memref<80x128xi32, #tpu.memory_space<hbm>>
      %dma_start3A_51 = arith.constant 0 : i32
      %dma_start3A_52 = arith.constant 0 : i32
      %dma_start3A_53 = tpu.memref_slice %arg3[%add3A, %dma_start3A_51, %dma_start3A_52] : memref<32x80x128xi32, #tpu.memory_space<hbm>> -> memref<1x80x128xi32, #tpu.memory_space<hbm>>
      %dma_start3A_54 = tpu.memref_squeeze %dma_start3A_53 : memref<1x80x128xi32, #tpu.memory_space<hbm>> -> memref<80x128xi32, #tpu.memory_space<hbm>>
      tpu.enqueue_dma source(%dma_start3A_54 : memref<80x128xi32, #tpu.memory_space<hbm>>) target(%arg8 : memref<80x128xi32, #tpu.memory_space<vmem>>) target_semaphore(%run_scoped3A : memref<!tpu.dma_semaphore, #tpu.memory_space<semaphore_mem>>)
      %dma_wait3A = arith.constant 0 : i32
      %dma_wait3A_55 = arith.constant 0 : i32
      %dma_wait3A_56 = tpu.memref_slice %arg3[%add3A, %dma_wait3A, %dma_wait3A_55] : memref<32x80x128xi32, #tpu.memory_space<hbm>> -> memref<1x80x128xi32, #tpu.memory_space<hbm>>
      %dma_wait3A_57 = tpu.memref_squeeze %dma_wait3A_56 : memref<1x80x128xi32, #tpu.memory_space<hbm>> -> memref<80x128xi32, #tpu.memory_space<hbm>>
      %dma_wait3A_58 = arith.constant 0 : i32
      %dma_wait3A_59 = arith.constant 0 : i32
      %dma_wait3A_60 = tpu.memref_slice %arg3[%add3A, %dma_wait3A_58, %dma_wait3A_59] : memref<32x80x128xi32, #tpu.memory_space<hbm>> -> memref<1x80x128xi32, #tpu.memory_space<hbm>>
      %dma_wait3A_61 = tpu.memref_squeeze %dma_wait3A_60 : memref<1x80x128xi32, #tpu.memory_space<hbm>> -> memref<80x128xi32, #tpu.memory_space<hbm>>
      tpu.wait_dma2 semaphore(%run_scoped3A : memref<!tpu.dma_semaphore, #tpu.memory_space<semaphore_mem>>) src(%dma_wait3A_61 : memref<80x128xi32, #tpu.memory_space<hbm>>) dst(%arg8 : memref<80x128xi32, #tpu.memory_space<vmem>>)
      tpu.yield
    }) : () -> ()
    "tpu.region"() ({
      %run_scoped3A = tpu.sem_alloc : memref<!tpu.dma_semaphore, #tpu.memory_space<semaphore_mem>>
      %dma_start3A_47 = arith.constant 0 : i32
      %dma_start3A_48 = arith.constant 0 : i32
      %dma_start3A_49 = tpu.memref_slice %arg4[%add3A, %dma_start3A_47, %dma_start3A_48] : memref<32x80x128xi32, #tpu.memory_space<hbm>> -> memref<1x80x128xi32, #tpu.memory_space<hbm>>
      %dma_start3A_50 = tpu.memref_squeeze %dma_start3A_49 : memref<1x80x128xi32, #tpu.memory_space<hbm>> -> memref<80x128xi32, #tpu.memory_space<hbm>>
      %dma_start3A_51 = arith.constant 0 : i32
      %dma_start3A_52 = arith.constant 0 : i32
      %dma_start3A_53 = tpu.memref_slice %arg4[%add3A, %dma_start3A_51, %dma_start3A_52] : memref<32x80x128xi32, #tpu.memory_space<hbm>> -> memref<1x80x128xi32, #tpu.memory_space<hbm>>
      %dma_start3A_54 = tpu.memref_squeeze %dma_start3A_53 : memref<1x80x128xi32, #tpu.memory_space<hbm>> -> memref<80x128xi32, #tpu.memory_space<hbm>>
      tpu.enqueue_dma source(%dma_start3A_54 : memref<80x128xi32, #tpu.memory_space<hbm>>) target(%arg9 : memref<80x128xi32, #tpu.memory_space<vmem>>) target_semaphore(%run_scoped3A : memref<!tpu.dma_semaphore, #tpu.memory_space<semaphore_mem>>)
      %dma_wait3A = arith.constant 0 : i32
      %dma_wait3A_55 = arith.constant 0 : i32
      %dma_wait3A_56 = tpu.memref_slice %arg4[%add3A, %dma_wait3A, %dma_wait3A_55] : memref<32x80x128xi32, #tpu.memory_space<hbm>> -> memref<1x80x128xi32, #tpu.memory_space<hbm>>
      %dma_wait3A_57 = tpu.memref_squeeze %dma_wait3A_56 : memref<1x80x128xi32, #tpu.memory_space<hbm>> -> memref<80x128xi32, #tpu.memory_space<hbm>>
      %dma_wait3A_58 = arith.constant 0 : i32
      %dma_wait3A_59 = arith.constant 0 : i32
      %dma_wait3A_60 = tpu.memref_slice %arg4[%add3A, %dma_wait3A_58, %dma_wait3A_59] : memref<32x80x128xi32, #tpu.memory_space<hbm>> -> memref<1x80x128xi32, #tpu.memory_space<hbm>>
      %dma_wait3A_61 = tpu.memref_squeeze %dma_wait3A_60 : memref<1x80x128xi32, #tpu.memory_space<hbm>> -> memref<80x128xi32, #tpu.memory_space<hbm>>
      tpu.wait_dma2 semaphore(%run_scoped3A : memref<!tpu.dma_semaphore, #tpu.memory_space<semaphore_mem>>) src(%dma_wait3A_61 : memref<80x128xi32, #tpu.memory_space<hbm>>) dst(%arg9 : memref<80x128xi32, #tpu.memory_space<vmem>>)
      tpu.yield
    }) : () -> ()
    %mul3A_3 = arith.constant 312 : i32
    %mul3A_4 = arith.muli %arg1, %mul3A_3 : i32
    %multiple_of3A = tpu.assume_multiple %mul3A_4, 8 : i32
    "tpu.region"() ({
      %run_scoped3A = tpu.sem_alloc : memref<!tpu.dma_semaphore, #tpu.memory_space<semaphore_mem>>
      %dma_start3A_47 = arith.constant 0 : i32
      %dma_start3A_48 = tpu.memref_slice %arg7[%multiple_of3A, %dma_start3A_47] : memref<5008x128xf32, #tpu.memory_space<vmem_shared>> -> memref<312x128xf32, #tpu.memory_space<vmem_shared>>
      %dma_start3A_49 = arith.constant 0 : i32
      %dma_start3A_50 = tpu.memref_slice %arg5[%multiple_of3A, %dma_start3A_49] : memref<5000x128xf32, #tpu.memory_space<hbm>> -> memref<312x128xf32, #tpu.memory_space<hbm>>
      tpu.enqueue_dma source(%dma_start3A_50 : memref<312x128xf32, #tpu.memory_space<hbm>>) target(%dma_start3A_48 : memref<312x128xf32, #tpu.memory_space<vmem_shared>>) target_semaphore(%run_scoped3A : memref<!tpu.dma_semaphore, #tpu.memory_space<semaphore_mem>>)
      %dma_wait3A = arith.constant 0 : i32
      %dma_wait3A_51 = tpu.memref_slice %arg7[%multiple_of3A, %dma_wait3A] : memref<5008x128xf32, #tpu.memory_space<vmem_shared>> -> memref<312x128xf32, #tpu.memory_space<vmem_shared>>
      %dma_wait3A_52 = arith.constant 0 : i32
      %dma_wait3A_53 = tpu.memref_slice %arg5[%multiple_of3A, %dma_wait3A_52] : memref<5000x128xf32, #tpu.memory_space<hbm>> -> memref<312x128xf32, #tpu.memory_space<hbm>>
      tpu.wait_dma2 semaphore(%run_scoped3A : memref<!tpu.dma_semaphore, #tpu.memory_space<semaphore_mem>>) src(%dma_wait3A_53 : memref<312x128xf32, #tpu.memory_space<hbm>>) dst(%dma_wait3A_51 : memref<312x128xf32, #tpu.memory_space<vmem_shared>>)
      tpu.yield
    }) : () -> ()
    %eq3A = arith.constant 0 : i32
    %eq3A_5 = arith.cmpi eq, %arg1, %eq3A : i32
    %convert_element_type3A = arith.extui %eq3A_5 : i1 to i32
    %cond3A = arith.constant 0 : i32
    %cond3A_6 = arith.cmpi ne, %convert_element_type3A, %cond3A : i32
    scf.if %cond3A_6 {
      "tpu.region"() ({
        %run_scoped3A = tpu.sem_alloc : memref<!tpu.dma_semaphore, #tpu.memory_space<semaphore_mem>>
        %dma_start3A_47 = arith.constant 4992 : i32
        %dma_start3A_48 = arith.constant 0 : i32
        %dma_start3A_49 = tpu.memref_slice %arg7[%dma_start3A_47, %dma_start3A_48] : memref<5008x128xf32, #tpu.memory_space<vmem_shared>> -> memref<8x128xf32, #tpu.memory_space<vmem_shared>>
        %dma_start3A_50 = arith.constant 4992 : i32
        %dma_start3A_51 = arith.constant 0 : i32
        %dma_start3A_52 = tpu.memref_slice %arg5[%dma_start3A_50, %dma_start3A_51] : memref<5000x128xf32, #tpu.memory_space<hbm>> -> memref<8x128xf32, #tpu.memory_space<hbm>>
        tpu.enqueue_dma source(%dma_start3A_52 : memref<8x128xf32, #tpu.memory_space<hbm>>) target(%dma_start3A_49 : memref<8x128xf32, #tpu.memory_space<vmem_shared>>) target_semaphore(%run_scoped3A : memref<!tpu.dma_semaphore, #tpu.memory_space<semaphore_mem>>)
        %dma_wait3A = arith.constant 4992 : i32
        %dma_wait3A_53 = arith.constant 0 : i32
        %dma_wait3A_54 = tpu.memref_slice %arg7[%dma_wait3A, %dma_wait3A_53] : memref<5008x128xf32, #tpu.memory_space<vmem_shared>> -> memref<8x128xf32, #tpu.memory_space<vmem_shared>>
        %dma_wait3A_55 = arith.constant 4992 : i32
        %dma_wait3A_56 = arith.constant 0 : i32
        %dma_wait3A_57 = tpu.memref_slice %arg5[%dma_wait3A_55, %dma_wait3A_56] : memref<5000x128xf32, #tpu.memory_space<hbm>> -> memref<8x128xf32, #tpu.memory_space<hbm>>
        tpu.wait_dma2 semaphore(%run_scoped3A : memref<!tpu.dma_semaphore, #tpu.memory_space<semaphore_mem>>) src(%dma_wait3A_57 : memref<8x128xf32, #tpu.memory_space<hbm>>) dst(%dma_wait3A_54 : memref<8x128xf32, #tpu.memory_space<vmem_shared>>)
        tpu.yield
      }) : () -> ()
    } else {
    }
    %barrier3A = arith.constant 0 : index
    tpu.barrier barrier_id(%barrier3A)
    %dma_start3A = arith.constant 0 : i32
    %dma_start3A_7 = arith.constant 0 : i32
    %dma_start3A_8 = tpu.memref_slice %arg8[%dma_start3A, %dma_start3A_7] : memref<80x128xi32, #tpu.memory_space<vmem>> -> memref<1x128xi32, #tpu.memory_space<vmem>>
    %dma_start3A_9 = tpu.memref_squeeze %dma_start3A_8 : memref<1x128xi32, #tpu.memory_space<vmem>> -> memref<128xi32, #tpu.memory_space<vmem>>
    %dma_start3A_10 = arith.constant 0 : i32
    %dma_start3A_11 = arith.constant 0 : i32
    %dma_start3A_12 = tpu.memref_slice %arg2[%dma_start3A_10, %dma_start3A_11] : memref<10000x128xf32, #tpu.memory_space<hbm>> -> memref<10000x128xf32, #tpu.memory_space<hbm>>
    tpu.enqueue_indirect_dma source(%dma_start3A_12 : memref<10000x128xf32, #tpu.memory_space<hbm>>) target(%arg10 : memref<128x128xf32, #tpu.memory_space<vmem>>) offsets(%dma_start3A_9 : memref<128xi32, #tpu.memory_space<vmem>>) semaphore(%arg14 : memref<!tpu.dma_semaphore, #tpu.memory_space<semaphore_mem>>)
    %dma_start3A_13 = arith.constant 1 : i32
    %dma_start3A_14 = arith.constant 0 : i32
    %dma_start3A_15 = tpu.memref_slice %arg8[%dma_start3A_13, %dma_start3A_14] : memref<80x128xi32, #tpu.memory_space<vmem>> -> memref<1x128xi32, #tpu.memory_space<vmem>>
    %dma_start3A_16 = tpu.memref_squeeze %dma_start3A_15 : memref<1x128xi32, #tpu.memory_space<vmem>> -> memref<128xi32, #tpu.memory_space<vmem>>
    %dma_start3A_17 = arith.constant 0 : i32
    %dma_start3A_18 = arith.constant 0 : i32
    %dma_start3A_19 = tpu.memref_slice %arg2[%dma_start3A_17, %dma_start3A_18] : memref<10000x128xf32, #tpu.memory_space<hbm>> -> memref<10000x128xf32, #tpu.memory_space<hbm>>
    tpu.enqueue_indirect_dma source(%dma_start3A_19 : memref<10000x128xf32, #tpu.memory_space<hbm>>) target(%arg11 : memref<128x128xf32, #tpu.memory_space<vmem>>) offsets(%dma_start3A_16 : memref<128xi32, #tpu.memory_space<vmem>>) semaphore(%arg15 : memref<!tpu.dma_semaphore, #tpu.memory_space<semaphore_mem>>)
    %dma_start3A_20 = arith.constant 2 : i32
    %dma_start3A_21 = arith.constant 0 : i32
    %dma_start3A_22 = tpu.memref_slice %arg8[%dma_start3A_20, %dma_start3A_21] : memref<80x128xi32, #tpu.memory_space<vmem>> -> memref<1x128xi32, #tpu.memory_space<vmem>>
    %dma_start3A_23 = tpu.memref_squeeze %dma_start3A_22 : memref<1x128xi32, #tpu.memory_space<vmem>> -> memref<128xi32, #tpu.memory_space<vmem>>
    %dma_start3A_24 = arith.constant 0 : i32
    %dma_start3A_25 = arith.constant 0 : i32
    %dma_start3A_26 = tpu.memref_slice %arg2[%dma_start3A_24, %dma_start3A_25] : memref<10000x128xf32, #tpu.memory_space<hbm>> -> memref<10000x128xf32, #tpu.memory_space<hbm>>
    tpu.enqueue_indirect_dma source(%dma_start3A_26 : memref<10000x128xf32, #tpu.memory_space<hbm>>) target(%arg12 : memref<128x128xf32, #tpu.memory_space<vmem>>) offsets(%dma_start3A_23 : memref<128xi32, #tpu.memory_space<vmem>>) semaphore(%arg16 : memref<!tpu.dma_semaphore, #tpu.memory_space<semaphore_mem>>)
    %dma_start3A_27 = arith.constant 3 : i32
    %dma_start3A_28 = arith.constant 0 : i32
    %dma_start3A_29 = tpu.memref_slice %arg8[%dma_start3A_27, %dma_start3A_28] : memref<80x128xi32, #tpu.memory_space<vmem>> -> memref<1x128xi32, #tpu.memory_space<vmem>>
    %dma_start3A_30 = tpu.memref_squeeze %dma_start3A_29 : memref<1x128xi32, #tpu.memory_space<vmem>> -> memref<128xi32, #tpu.memory_space<vmem>>
    %dma_start3A_31 = arith.constant 0 : i32
    %dma_start3A_32 = arith.constant 0 : i32
    %dma_start3A_33 = tpu.memref_slice %arg2[%dma_start3A_31, %dma_start3A_32] : memref<10000x128xf32, #tpu.memory_space<hbm>> -> memref<10000x128xf32, #tpu.memory_space<hbm>>
    tpu.enqueue_indirect_dma source(%dma_start3A_33 : memref<10000x128xf32, #tpu.memory_space<hbm>>) target(%arg13 : memref<128x128xf32, #tpu.memory_space<vmem>>) offsets(%dma_start3A_30 : memref<128xi32, #tpu.memory_space<vmem>>) semaphore(%arg17 : memref<!tpu.dma_semaphore, #tpu.memory_space<semaphore_mem>>)
    %scan3A = arith.constant 0 : i32
    %scan3A_34 = arith.constant 0 : i32
    %scan3A_35 = arith.constant 20 : i32
    %scan3A_36 = arith.addi %scan3A_34, %scan3A_35 : i32
    %scan3A_37 = arith.constant 1 : i32
    scf.for %scan3A_47 = %scan3A_34 to %scan3A_36 step %scan3A_37  : i32 {
      %mul3A_48 = arith.constant 4 : i32
      %mul3A_49 = arith.muli %scan3A_47, %mul3A_48 : i32
      %add3A_50 = arith.constant 0 : i32
      %add3A_51 = arith.addi %mul3A_49, %add3A_50 : i32
      %dma_wait3A = arith.constant 0 : i32
      %dma_wait3A_52 = tpu.memref_slice %arg8[%add3A_51, %dma_wait3A] : memref<80x128xi32, #tpu.memory_space<vmem>> -> memref<1x128xi32, #tpu.memory_space<vmem>>
      %dma_wait3A_53 = tpu.memref_squeeze %dma_wait3A_52 : memref<1x128xi32, #tpu.memory_space<vmem>> -> memref<128xi32, #tpu.memory_space<vmem>>
      %dma_wait3A_54 = arith.constant 0 : i32
      %dma_wait3A_55 = arith.constant 0 : i32
      %dma_wait3A_56 = tpu.memref_slice %arg2[%dma_wait3A_54, %dma_wait3A_55] : memref<10000x128xf32, #tpu.memory_space<hbm>> -> memref<10000x128xf32, #tpu.memory_space<hbm>>
      tpu.wait_indirect_dma semaphore(%arg14 : memref<!tpu.dma_semaphore, #tpu.memory_space<semaphore_mem>>) src(%dma_wait3A_56 : memref<10000x128xf32, #tpu.memory_space<hbm>>) dst(%arg10 : memref<128x128xf32, #tpu.memory_space<vmem>>)
      "tpu.region"() ({
        %run_scoped3A = tpu.sem_alloc : memref<!tpu.dma_semaphore, #tpu.memory_space<semaphore_mem>>
        %dma_start3A_130 = arith.constant 0 : i32
        %dma_start3A_131 = tpu.memref_slice %arg9[%add3A_51, %dma_start3A_130] : memref<80x128xi32, #tpu.memory_space<vmem>> -> memref<1x128xi32, #tpu.memory_space<vmem>>
        %dma_start3A_132 = tpu.memref_squeeze %dma_start3A_131 : memref<1x128xi32, #tpu.memory_space<vmem>> -> memref<128xi32, #tpu.memory_space<vmem>>
        %dma_start3A_133 = arith.constant 0 : i32
        %dma_start3A_134 = arith.constant 0 : i32
        %dma_start3A_135 = tpu.memref_slice %arg7[%dma_start3A_133, %dma_start3A_134] : memref<5008x128xf32, #tpu.memory_space<vmem_shared>> -> memref<5008x128xf32, #tpu.memory_space<vmem_shared>>
        tpu.enqueue_indirect_dma source(%arg10 : memref<128x128xf32, #tpu.memory_space<vmem>>) target(%dma_start3A_135 : memref<5008x128xf32, #tpu.memory_space<vmem_shared>>) offsets(%dma_start3A_132 : memref<128xi32, #tpu.memory_space<vmem>>) semaphore(%run_scoped3A : memref<!tpu.dma_semaphore, #tpu.memory_space<semaphore_mem>>) {add = true}
        %dma_wait3A_136 = arith.constant 0 : i32
        %dma_wait3A_137 = tpu.memref_slice %arg9[%add3A_51, %dma_wait3A_136] : memref<80x128xi32, #tpu.memory_space<vmem>> -> memref<1x128xi32, #tpu.memory_space<vmem>>
        %dma_wait3A_138 = tpu.memref_squeeze %dma_wait3A_137 : memref<1x128xi32, #tpu.memory_space<vmem>> -> memref<128xi32, #tpu.memory_space<vmem>>
        %dma_wait3A_139 = arith.constant 0 : i32
        %dma_wait3A_140 = arith.constant 0 : i32
        %dma_wait3A_141 = tpu.memref_slice %arg7[%dma_wait3A_139, %dma_wait3A_140] : memref<5008x128xf32, #tpu.memory_space<vmem_shared>> -> memref<5008x128xf32, #tpu.memory_space<vmem_shared>>
        tpu.wait_indirect_dma semaphore(%run_scoped3A : memref<!tpu.dma_semaphore, #tpu.memory_space<semaphore_mem>>) src(%arg10 : memref<128x128xf32, #tpu.memory_space<vmem>>) dst(%dma_wait3A_141 : memref<5008x128xf32, #tpu.memory_space<vmem_shared>>)
        tpu.yield
      }) : () -> ()
      %add3A_57 = arith.constant 1 : i32
      %add3A_58 = arith.addi %scan3A_47, %add3A_57 : i32
      %mul3A_59 = arith.constant 4 : i32
      %mul3A_60 = arith.muli %add3A_58, %mul3A_59 : i32
      %add3A_61 = arith.constant 0 : i32
      %add3A_62 = arith.addi %mul3A_60, %add3A_61 : i32
      %lt3A = arith.constant 80 : i32
      %lt3A_63 = arith.cmpi slt, %add3A_62, %lt3A : i32
      %convert_element_type3A_64 = arith.extui %lt3A_63 : i1 to i32
      %cond3A_65 = arith.constant 0 : i32
      %cond3A_66 = arith.cmpi ne, %convert_element_type3A_64, %cond3A_65 : i32
      scf.if %cond3A_66 {
        %dma_start3A_130 = arith.constant 0 : i32
        %dma_start3A_131 = tpu.memref_slice %arg8[%add3A_62, %dma_start3A_130] : memref<80x128xi32, #tpu.memory_space<vmem>> -> memref<1x128xi32, #tpu.memory_space<vmem>>
        %dma_start3A_132 = tpu.memref_squeeze %dma_start3A_131 : memref<1x128xi32, #tpu.memory_space<vmem>> -> memref<128xi32, #tpu.memory_space<vmem>>
        %dma_start3A_133 = arith.constant 0 : i32
        %dma_start3A_134 = arith.constant 0 : i32
        %dma_start3A_135 = tpu.memref_slice %arg2[%dma_start3A_133, %dma_start3A_134] : memref<10000x128xf32, #tpu.memory_space<hbm>> -> memref<10000x128xf32, #tpu.memory_space<hbm>>
        tpu.enqueue_indirect_dma source(%dma_start3A_135 : memref<10000x128xf32, #tpu.memory_space<hbm>>) target(%arg10 : memref<128x128xf32, #tpu.memory_space<vmem>>) offsets(%dma_start3A_132 : memref<128xi32, #tpu.memory_space<vmem>>) semaphore(%arg14 : memref<!tpu.dma_semaphore, #tpu.memory_space<semaphore_mem>>)
      } else {
      }
      %mul3A_67 = arith.constant 4 : i32
      %mul3A_68 = arith.muli %scan3A_47, %mul3A_67 : i32
      %add3A_69 = arith.constant 1 : i32
      %add3A_70 = arith.addi %mul3A_68, %add3A_69 : i32
      %dma_wait3A_71 = arith.constant 0 : i32
      %dma_wait3A_72 = tpu.memref_slice %arg8[%add3A_70, %dma_wait3A_71] : memref<80x128xi32, #tpu.memory_space<vmem>> -> memref<1x128xi32, #tpu.memory_space<vmem>>
      %dma_wait3A_73 = tpu.memref_squeeze %dma_wait3A_72 : memref<1x128xi32, #tpu.memory_space<vmem>> -> memref<128xi32, #tpu.memory_space<vmem>>
      %dma_wait3A_74 = arith.constant 0 : i32
      %dma_wait3A_75 = arith.constant 0 : i32
      %dma_wait3A_76 = tpu.memref_slice %arg2[%dma_wait3A_74, %dma_wait3A_75] : memref<10000x128xf32, #tpu.memory_space<hbm>> -> memref<10000x128xf32, #tpu.memory_space<hbm>>
      tpu.wait_indirect_dma semaphore(%arg15 : memref<!tpu.dma_semaphore, #tpu.memory_space<semaphore_mem>>) src(%dma_wait3A_76 : memref<10000x128xf32, #tpu.memory_space<hbm>>) dst(%arg11 : memref<128x128xf32, #tpu.memory_space<vmem>>)
      "tpu.region"() ({
        %run_scoped3A = tpu.sem_alloc : memref<!tpu.dma_semaphore, #tpu.memory_space<semaphore_mem>>
        %dma_start3A_130 = arith.constant 0 : i32
        %dma_start3A_131 = tpu.memref_slice %arg9[%add3A_70, %dma_start3A_130] : memref<80x128xi32, #tpu.memory_space<vmem>> -> memref<1x128xi32, #tpu.memory_space<vmem>>
        %dma_start3A_132 = tpu.memref_squeeze %dma_start3A_131 : memref<1x128xi32, #tpu.memory_space<vmem>> -> memref<128xi32, #tpu.memory_space<vmem>>
        %dma_start3A_133 = arith.constant 0 : i32
        %dma_start3A_134 = arith.constant 0 : i32
        %dma_start3A_135 = tpu.memref_slice %arg7[%dma_start3A_133, %dma_start3A_134] : memref<5008x128xf32, #tpu.memory_space<vmem_shared>> -> memref<5008x128xf32, #tpu.memory_space<vmem_shared>>
        tpu.enqueue_indirect_dma source(%arg11 : memref<128x128xf32, #tpu.memory_space<vmem>>) target(%dma_start3A_135 : memref<5008x128xf32, #tpu.memory_space<vmem_shared>>) offsets(%dma_start3A_132 : memref<128xi32, #tpu.memory_space<vmem>>) semaphore(%run_scoped3A : memref<!tpu.dma_semaphore, #tpu.memory_space<semaphore_mem>>) {add = true}
        %dma_wait3A_136 = arith.constant 0 : i32
        %dma_wait3A_137 = tpu.memref_slice %arg9[%add3A_70, %dma_wait3A_136] : memref<80x128xi32, #tpu.memory_space<vmem>> -> memref<1x128xi32, #tpu.memory_space<vmem>>
        %dma_wait3A_138 = tpu.memref_squeeze %dma_wait3A_137 : memref<1x128xi32, #tpu.memory_space<vmem>> -> memref<128xi32, #tpu.memory_space<vmem>>
        %dma_wait3A_139 = arith.constant 0 : i32
        %dma_wait3A_140 = arith.constant 0 : i32
        %dma_wait3A_141 = tpu.memref_slice %arg7[%dma_wait3A_139, %dma_wait3A_140] : memref<5008x128xf32, #tpu.memory_space<vmem_shared>> -> memref<5008x128xf32, #tpu.memory_space<vmem_shared>>
        tpu.wait_indirect_dma semaphore(%run_scoped3A : memref<!tpu.dma_semaphore, #tpu.memory_space<semaphore_mem>>) src(%arg11 : memref<128x128xf32, #tpu.memory_space<vmem>>) dst(%dma_wait3A_141 : memref<5008x128xf32, #tpu.memory_space<vmem_shared>>)
        tpu.yield
      }) : () -> ()
      %add3A_77 = arith.constant 1 : i32
      %add3A_78 = arith.addi %scan3A_47, %add3A_77 : i32
      %mul3A_79 = arith.constant 4 : i32
      %mul3A_80 = arith.muli %add3A_78, %mul3A_79 : i32
      %add3A_81 = arith.constant 1 : i32
      %add3A_82 = arith.addi %mul3A_80, %add3A_81 : i32
      %lt3A_83 = arith.constant 80 : i32
      %lt3A_84 = arith.cmpi slt, %add3A_82, %lt3A_83 : i32
      %convert_element_type3A_85 = arith.extui %lt3A_84 : i1 to i32
      %cond3A_86 = arith.constant 0 : i32
      %cond3A_87 = arith.cmpi ne, %convert_element_type3A_85, %cond3A_86 : i32
      scf.if %cond3A_87 {
        %dma_start3A_130 = arith.constant 0 : i32
        %dma_start3A_131 = tpu.memref_slice %arg8[%add3A_82, %dma_start3A_130] : memref<80x128xi32, #tpu.memory_space<vmem>> -> memref<1x128xi32, #tpu.memory_space<vmem>>
        %dma_start3A_132 = tpu.memref_squeeze %dma_start3A_131 : memref<1x128xi32, #tpu.memory_space<vmem>> -> memref<128xi32, #tpu.memory_space<vmem>>
        %dma_start3A_133 = arith.constant 0 : i32
        %dma_start3A_134 = arith.constant 0 : i32
        %dma_start3A_135 = tpu.memref_slice %arg2[%dma_start3A_133, %dma_start3A_134] : memref<10000x128xf32, #tpu.memory_space<hbm>> -> memref<10000x128xf32, #tpu.memory_space<hbm>>
        tpu.enqueue_indirect_dma source(%dma_start3A_135 : memref<10000x128xf32, #tpu.memory_space<hbm>>) target(%arg11 : memref<128x128xf32, #tpu.memory_space<vmem>>) offsets(%dma_start3A_132 : memref<128xi32, #tpu.memory_space<vmem>>) semaphore(%arg15 : memref<!tpu.dma_semaphore, #tpu.memory_space<semaphore_mem>>)
      } else {
      }
      %mul3A_88 = arith.constant 4 : i32
      %mul3A_89 = arith.muli %scan3A_47, %mul3A_88 : i32
      %add3A_90 = arith.constant 2 : i32
      %add3A_91 = arith.addi %mul3A_89, %add3A_90 : i32
      %dma_wait3A_92 = arith.constant 0 : i32
      %dma_wait3A_93 = tpu.memref_slice %arg8[%add3A_91, %dma_wait3A_92] : memref<80x128xi32, #tpu.memory_space<vmem>> -> memref<1x128xi32, #tpu.memory_space<vmem>>
      %dma_wait3A_94 = tpu.memref_squeeze %dma_wait3A_93 : memref<1x128xi32, #tpu.memory_space<vmem>> -> memref<128xi32, #tpu.memory_space<vmem>>
      %dma_wait3A_95 = arith.constant 0 : i32
      %dma_wait3A_96 = arith.constant 0 : i32
      %dma_wait3A_97 = tpu.memref_slice %arg2[%dma_wait3A_95, %dma_wait3A_96] : memref<10000x128xf32, #tpu.memory_space<hbm>> -> memref<10000x128xf32, #tpu.memory_space<hbm>>
      tpu.wait_indirect_dma semaphore(%arg16 : memref<!tpu.dma_semaphore, #tpu.memory_space<semaphore_mem>>) src(%dma_wait3A_97 : memref<10000x128xf32, #tpu.memory_space<hbm>>) dst(%arg12 : memref<128x128xf32, #tpu.memory_space<vmem>>)
      "tpu.region"() ({
        %run_scoped3A = tpu.sem_alloc : memref<!tpu.dma_semaphore, #tpu.memory_space<semaphore_mem>>
        %dma_start3A_130 = arith.constant 0 : i32
        %dma_start3A_131 = tpu.memref_slice %arg9[%add3A_91, %dma_start3A_130] : memref<80x128xi32, #tpu.memory_space<vmem>> -> memref<1x128xi32, #tpu.memory_space<vmem>>
        %dma_start3A_132 = tpu.memref_squeeze %dma_start3A_131 : memref<1x128xi32, #tpu.memory_space<vmem>> -> memref<128xi32, #tpu.memory_space<vmem>>
        %dma_start3A_133 = arith.constant 0 : i32
        %dma_start3A_134 = arith.constant 0 : i32
        %dma_start3A_135 = tpu.memref_slice %arg7[%dma_start3A_133, %dma_start3A_134] : memref<5008x128xf32, #tpu.memory_space<vmem_shared>> -> memref<5008x128xf32, #tpu.memory_space<vmem_shared>>
        tpu.enqueue_indirect_dma source(%arg12 : memref<128x128xf32, #tpu.memory_space<vmem>>) target(%dma_start3A_135 : memref<5008x128xf32, #tpu.memory_space<vmem_shared>>) offsets(%dma_start3A_132 : memref<128xi32, #tpu.memory_space<vmem>>) semaphore(%run_scoped3A : memref<!tpu.dma_semaphore, #tpu.memory_space<semaphore_mem>>) {add = true}
        %dma_wait3A_136 = arith.constant 0 : i32
        %dma_wait3A_137 = tpu.memref_slice %arg9[%add3A_91, %dma_wait3A_136] : memref<80x128xi32, #tpu.memory_space<vmem>> -> memref<1x128xi32, #tpu.memory_space<vmem>>
        %dma_wait3A_138 = tpu.memref_squeeze %dma_wait3A_137 : memref<1x128xi32, #tpu.memory_space<vmem>> -> memref<128xi32, #tpu.memory_space<vmem>>
        %dma_wait3A_139 = arith.constant 0 : i32
        %dma_wait3A_140 = arith.constant 0 : i32
        %dma_wait3A_141 = tpu.memref_slice %arg7[%dma_wait3A_139, %dma_wait3A_140] : memref<5008x128xf32, #tpu.memory_space<vmem_shared>> -> memref<5008x128xf32, #tpu.memory_space<vmem_shared>>
        tpu.wait_indirect_dma semaphore(%run_scoped3A : memref<!tpu.dma_semaphore, #tpu.memory_space<semaphore_mem>>) src(%arg12 : memref<128x128xf32, #tpu.memory_space<vmem>>) dst(%dma_wait3A_141 : memref<5008x128xf32, #tpu.memory_space<vmem_shared>>)
        tpu.yield
      }) : () -> ()
      %add3A_98 = arith.constant 1 : i32
      %add3A_99 = arith.addi %scan3A_47, %add3A_98 : i32
      %mul3A_100 = arith.constant 4 : i32
      %mul3A_101 = arith.muli %add3A_99, %mul3A_100 : i32
      %add3A_102 = arith.constant 2 : i32
      %add3A_103 = arith.addi %mul3A_101, %add3A_102 : i32
      %lt3A_104 = arith.constant 80 : i32
      %lt3A_105 = arith.cmpi slt, %add3A_103, %lt3A_104 : i32
      %convert_element_type3A_106 = arith.extui %lt3A_105 : i1 to i32
      %cond3A_107 = arith.constant 0 : i32
      %cond3A_108 = arith.cmpi ne, %convert_element_type3A_106, %cond3A_107 : i32
      scf.if %cond3A_108 {
        %dma_start3A_130 = arith.constant 0 : i32
        %dma_start3A_131 = tpu.memref_slice %arg8[%add3A_103, %dma_start3A_130] : memref<80x128xi32, #tpu.memory_space<vmem>> -> memref<1x128xi32, #tpu.memory_space<vmem>>
        %dma_start3A_132 = tpu.memref_squeeze %dma_start3A_131 : memref<1x128xi32, #tpu.memory_space<vmem>> -> memref<128xi32, #tpu.memory_space<vmem>>
        %dma_start3A_133 = arith.constant 0 : i32
        %dma_start3A_134 = arith.constant 0 : i32
        %dma_start3A_135 = tpu.memref_slice %arg2[%dma_start3A_133, %dma_start3A_134] : memref<10000x128xf32, #tpu.memory_space<hbm>> -> memref<10000x128xf32, #tpu.memory_space<hbm>>
        tpu.enqueue_indirect_dma source(%dma_start3A_135 : memref<10000x128xf32, #tpu.memory_space<hbm>>) target(%arg12 : memref<128x128xf32, #tpu.memory_space<vmem>>) offsets(%dma_start3A_132 : memref<128xi32, #tpu.memory_space<vmem>>) semaphore(%arg16 : memref<!tpu.dma_semaphore, #tpu.memory_space<semaphore_mem>>)
      } else {
      }
      %mul3A_109 = arith.constant 4 : i32
      %mul3A_110 = arith.muli %scan3A_47, %mul3A_109 : i32
      %add3A_111 = arith.constant 3 : i32
      %add3A_112 = arith.addi %mul3A_110, %add3A_111 : i32
      %dma_wait3A_113 = arith.constant 0 : i32
      %dma_wait3A_114 = tpu.memref_slice %arg8[%add3A_112, %dma_wait3A_113] : memref<80x128xi32, #tpu.memory_space<vmem>> -> memref<1x128xi32, #tpu.memory_space<vmem>>
      %dma_wait3A_115 = tpu.memref_squeeze %dma_wait3A_114 : memref<1x128xi32, #tpu.memory_space<vmem>> -> memref<128xi32, #tpu.memory_space<vmem>>
      %dma_wait3A_116 = arith.constant 0 : i32
      %dma_wait3A_117 = arith.constant 0 : i32
      %dma_wait3A_118 = tpu.memref_slice %arg2[%dma_wait3A_116, %dma_wait3A_117] : memref<10000x128xf32, #tpu.memory_space<hbm>> -> memref<10000x128xf32, #tpu.memory_space<hbm>>
      tpu.wait_indirect_dma semaphore(%arg17 : memref<!tpu.dma_semaphore, #tpu.memory_space<semaphore_mem>>) src(%dma_wait3A_118 : memref<10000x128xf32, #tpu.memory_space<hbm>>) dst(%arg13 : memref<128x128xf32, #tpu.memory_space<vmem>>)
      "tpu.region"() ({
        %run_scoped3A = tpu.sem_alloc : memref<!tpu.dma_semaphore, #tpu.memory_space<semaphore_mem>>
        %dma_start3A_130 = arith.constant 0 : i32
        %dma_start3A_131 = tpu.memref_slice %arg9[%add3A_112, %dma_start3A_130] : memref<80x128xi32, #tpu.memory_space<vmem>> -> memref<1x128xi32, #tpu.memory_space<vmem>>
        %dma_start3A_132 = tpu.memref_squeeze %dma_start3A_131 : memref<1x128xi32, #tpu.memory_space<vmem>> -> memref<128xi32, #tpu.memory_space<vmem>>
        %dma_start3A_133 = arith.constant 0 : i32
        %dma_start3A_134 = arith.constant 0 : i32
        %dma_start3A_135 = tpu.memref_slice %arg7[%dma_start3A_133, %dma_start3A_134] : memref<5008x128xf32, #tpu.memory_space<vmem_shared>> -> memref<5008x128xf32, #tpu.memory_space<vmem_shared>>
        tpu.enqueue_indirect_dma source(%arg13 : memref<128x128xf32, #tpu.memory_space<vmem>>) target(%dma_start3A_135 : memref<5008x128xf32, #tpu.memory_space<vmem_shared>>) offsets(%dma_start3A_132 : memref<128xi32, #tpu.memory_space<vmem>>) semaphore(%run_scoped3A : memref<!tpu.dma_semaphore, #tpu.memory_space<semaphore_mem>>) {add = true}
        %dma_wait3A_136 = arith.constant 0 : i32
        %dma_wait3A_137 = tpu.memref_slice %arg9[%add3A_112, %dma_wait3A_136] : memref<80x128xi32, #tpu.memory_space<vmem>> -> memref<1x128xi32, #tpu.memory_space<vmem>>
        %dma_wait3A_138 = tpu.memref_squeeze %dma_wait3A_137 : memref<1x128xi32, #tpu.memory_space<vmem>> -> memref<128xi32, #tpu.memory_space<vmem>>
        %dma_wait3A_139 = arith.constant 0 : i32
        %dma_wait3A_140 = arith.constant 0 : i32
        %dma_wait3A_141 = tpu.memref_slice %arg7[%dma_wait3A_139, %dma_wait3A_140] : memref<5008x128xf32, #tpu.memory_space<vmem_shared>> -> memref<5008x128xf32, #tpu.memory_space<vmem_shared>>
        tpu.wait_indirect_dma semaphore(%run_scoped3A : memref<!tpu.dma_semaphore, #tpu.memory_space<semaphore_mem>>) src(%arg13 : memref<128x128xf32, #tpu.memory_space<vmem>>) dst(%dma_wait3A_141 : memref<5008x128xf32, #tpu.memory_space<vmem_shared>>)
        tpu.yield
      }) : () -> ()
      %add3A_119 = arith.constant 1 : i32
      %add3A_120 = arith.addi %scan3A_47, %add3A_119 : i32
      %mul3A_121 = arith.constant 4 : i32
      %mul3A_122 = arith.muli %add3A_120, %mul3A_121 : i32
      %add3A_123 = arith.constant 3 : i32
      %add3A_124 = arith.addi %mul3A_122, %add3A_123 : i32
      %lt3A_125 = arith.constant 80 : i32
      %lt3A_126 = arith.cmpi slt, %add3A_124, %lt3A_125 : i32
      %convert_element_type3A_127 = arith.extui %lt3A_126 : i1 to i32
      %cond3A_128 = arith.constant 0 : i32
      %cond3A_129 = arith.cmpi ne, %convert_element_type3A_127, %cond3A_128 : i32
      scf.if %cond3A_129 {
        %dma_start3A_130 = arith.constant 0 : i32
        %dma_start3A_131 = tpu.memref_slice %arg8[%add3A_124, %dma_start3A_130] : memref<80x128xi32, #tpu.memory_space<vmem>> -> memref<1x128xi32, #tpu.memory_space<vmem>>
        %dma_start3A_132 = tpu.memref_squeeze %dma_start3A_131 : memref<1x128xi32, #tpu.memory_space<vmem>> -> memref<128xi32, #tpu.memory_space<vmem>>
        %dma_start3A_133 = arith.constant 0 : i32
        %dma_start3A_134 = arith.constant 0 : i32
        %dma_start3A_135 = tpu.memref_slice %arg2[%dma_start3A_133, %dma_start3A_134] : memref<10000x128xf32, #tpu.memory_space<hbm>> -> memref<10000x128xf32, #tpu.memory_space<hbm>>
        tpu.enqueue_indirect_dma source(%dma_start3A_135 : memref<10000x128xf32, #tpu.memory_space<hbm>>) target(%arg13 : memref<128x128xf32, #tpu.memory_space<vmem>>) offsets(%dma_start3A_132 : memref<128xi32, #tpu.memory_space<vmem>>) semaphore(%arg17 : memref<!tpu.dma_semaphore, #tpu.memory_space<semaphore_mem>>)
      } else {
      }
    }
    %scan3A_38 = arith.constant 20 : i32
    %barrier3A_39 = arith.constant 0 : index
    tpu.barrier barrier_id(%barrier3A_39)
    %add3A_40 = arith.addi %mul3A_2, %multiple_of3A : i32
    %multiple_of3A_41 = tpu.assume_multiple %add3A_40, 8 : i32
    "tpu.region"() ({
      %run_scoped3A = tpu.sem_alloc : memref<!tpu.dma_semaphore, #tpu.memory_space<semaphore_mem>>
      %dma_start3A_47 = arith.constant 0 : i32
      %dma_start3A_48 = tpu.memref_slice %arg6[%multiple_of3A_41, %dma_start3A_47] : memref<10000x128xf32, #tpu.memory_space<hbm>> -> memref<312x128xf32, #tpu.memory_space<hbm>>
      %dma_start3A_49 = arith.constant 0 : i32
      %dma_start3A_50 = tpu.memref_slice %arg7[%multiple_of3A, %dma_start3A_49] : memref<5008x128xf32, #tpu.memory_space<vmem_shared>> -> memref<312x128xf32, #tpu.memory_space<vmem_shared>>
      tpu.enqueue_dma source(%dma_start3A_50 : memref<312x128xf32, #tpu.memory_space<vmem_shared>>) target(%dma_start3A_48 : memref<312x128xf32, #tpu.memory_space<hbm>>) target_semaphore(%run_scoped3A : memref<!tpu.dma_semaphore, #tpu.memory_space<semaphore_mem>>)
      %dma_wait3A = arith.constant 0 : i32
      %dma_wait3A_51 = tpu.memref_slice %arg6[%multiple_of3A_41, %dma_wait3A] : memref<10000x128xf32, #tpu.memory_space<hbm>> -> memref<312x128xf32, #tpu.memory_space<hbm>>
      %dma_wait3A_52 = arith.constant 0 : i32
      %dma_wait3A_53 = tpu.memref_slice %arg7[%multiple_of3A, %dma_wait3A_52] : memref<5008x128xf32, #tpu.memory_space<vmem_shared>> -> memref<312x128xf32, #tpu.memory_space<vmem_shared>>
      tpu.wait_dma2 semaphore(%run_scoped3A : memref<!tpu.dma_semaphore, #tpu.memory_space<semaphore_mem>>) src(%dma_wait3A_53 : memref<312x128xf32, #tpu.memory_space<vmem_shared>>) dst(%dma_wait3A_51 : memref<312x128xf32, #tpu.memory_space<hbm>>)
      tpu.yield
    }) : () -> ()
    %eq3A_42 = arith.constant 0 : i32
    %eq3A_43 = arith.cmpi eq, %arg1, %eq3A_42 : i32
    %convert_element_type3A_44 = arith.extui %eq3A_43 : i1 to i32
    %cond3A_45 = arith.constant 0 : i32
    %cond3A_46 = arith.cmpi ne, %convert_element_type3A_44, %cond3A_45 : i32
    scf.if %cond3A_46 {
      %add3A_47 = arith.constant 4992 : i32
      %add3A_48 = arith.addi %mul3A_2, %add3A_47 : i32
      %multiple_of3A_49 = tpu.assume_multiple %add3A_48, 8 : i32
      "tpu.region"() ({
        %run_scoped3A = tpu.sem_alloc : memref<!tpu.dma_semaphore, #tpu.memory_space<semaphore_mem>>
        %dma_start3A_50 = arith.constant 0 : i32
        %dma_start3A_51 = tpu.memref_slice %arg6[%multiple_of3A_49, %dma_start3A_50] : memref<10000x128xf32, #tpu.memory_space<hbm>> -> memref<8x128xf32, #tpu.memory_space<hbm>>
        %dma_start3A_52 = arith.constant 4992 : i32
        %dma_start3A_53 = arith.constant 0 : i32
        %dma_start3A_54 = tpu.memref_slice %arg7[%dma_start3A_52, %dma_start3A_53] : memref<5008x128xf32, #tpu.memory_space<vmem_shared>> -> memref<8x128xf32, #tpu.memory_space<vmem_shared>>
        tpu.enqueue_dma source(%dma_start3A_54 : memref<8x128xf32, #tpu.memory_space<vmem_shared>>) target(%dma_start3A_51 : memref<8x128xf32, #tpu.memory_space<hbm>>) target_semaphore(%run_scoped3A : memref<!tpu.dma_semaphore, #tpu.memory_space<semaphore_mem>>)
        %dma_wait3A = arith.constant 0 : i32
        %dma_wait3A_55 = tpu.memref_slice %arg6[%multiple_of3A_49, %dma_wait3A] : memref<10000x128xf32, #tpu.memory_space<hbm>> -> memref<8x128xf32, #tpu.memory_space<hbm>>
        %dma_wait3A_56 = arith.constant 4992 : i32
        %dma_wait3A_57 = arith.constant 0 : i32
        %dma_wait3A_58 = tpu.memref_slice %arg7[%dma_wait3A_56, %dma_wait3A_57] : memref<5008x128xf32, #tpu.memory_space<vmem_shared>> -> memref<8x128xf32, #tpu.memory_space<vmem_shared>>
        tpu.wait_dma2 semaphore(%run_scoped3A : memref<!tpu.dma_semaphore, #tpu.memory_space<semaphore_mem>>) src(%dma_wait3A_58 : memref<8x128xf32, #tpu.memory_space<vmem_shared>>) dst(%dma_wait3A_55 : memref<8x128xf32, #tpu.memory_space<hbm>>)
        tpu.yield
      }) : () -> ()
    } else {
    }
    return
  }
}

#map = affine_map<(d0, d1) -> (0, 0)>
#map1 = affine_map<(d0, d1) -> (0, 0, 0)>
module attributes {stable_mosaic.version = 14 : i64} {
  func.func @_sc_agg_body(%arg0: i32, %arg1: i32, %arg2: memref<10000x128xf32, #tpu.memory_space<hbm>>, %arg3: memref<32x80x128xi32, #tpu.memory_space<hbm>>, %arg4: memref<32x80x128xi32, #tpu.memory_space<hbm>>, %arg5: memref<5000x128xf32, #tpu.memory_space<hbm>>, %arg6: memref<10000x128xf32, #tpu.memory_space<hbm>>, %arg7: memref<5008x128xf32, #tpu.memory_space<vmem_shared>>, %arg8: memref<80x128xi32, #tpu.memory_space<vmem>>, %arg9: memref<80x128xi32, #tpu.memory_space<vmem>>, %arg10: memref<128x128xf32, #tpu.memory_space<vmem>>, %arg11: memref<128x128xf32, #tpu.memory_space<vmem>>, %arg12: memref<128x128xf32, #tpu.memory_space<vmem>>, %arg13: memref<128x128xf32, #tpu.memory_space<vmem>>, %arg14: memref<!tpu.dma_semaphore, #tpu.memory_space<semaphore_mem>>, %arg15: memref<!tpu.dma_semaphore, #tpu.memory_space<semaphore_mem>>, %arg16: memref<!tpu.dma_semaphore, #tpu.memory_space<semaphore_mem>>, %arg17: memref<!tpu.dma_semaphore, #tpu.memory_space<semaphore_mem>>) attributes {dimension_semantics = [#tpu.dimension_semantics<core_parallel>, #tpu.dimension_semantics<subcore_parallel>], iteration_bounds = array<i64: 2, 16>, scalar_prefetch = 0 : i64, scratch_operands = 11 : i64, tpu.core_type = #tpu.core_type<sc_vector_subcore>, window_params = [{transform_indices = #map}, {transform_indices = #map1}, {transform_indices = #map1}, {transform_indices = #map}, {transform_indices = #map}]} {
    %mul3A = arith.constant 16 : i32
    %mul3A_0 = arith.muli %arg0, %mul3A : i32
    %add3A = arith.addi %mul3A_0, %arg1 : i32
    %mul3A_1 = arith.constant 5000 : i32
    %mul3A_2 = arith.muli %arg0, %mul3A_1 : i32
    "tpu.region"() ({
      %run_scoped3A = tpu.sem_alloc : memref<!tpu.dma_semaphore, #tpu.memory_space<semaphore_mem>>
      %dma_start3A_47 = arith.constant 0 : i32
      %dma_start3A_48 = arith.constant 0 : i32
      %dma_start3A_49 = tpu.memref_slice %arg3[%add3A, %dma_start3A_47, %dma_start3A_48] : memref<32x80x128xi32, #tpu.memory_space<hbm>> -> memref<1x80x128xi32, #tpu.memory_space<hbm>>
      %dma_start3A_50 = tpu.memref_squeeze %dma_start3A_49 : memref<1x80x128xi32, #tpu.memory_space<hbm>> -> memref<80x128xi32, #tpu.memory_space<hbm>>
      %dma_start3A_51 = arith.constant 0 : i32
      %dma_start3A_52 = arith.constant 0 : i32
      %dma_start3A_53 = tpu.memref_slice %arg3[%add3A, %dma_start3A_51, %dma_start3A_52] : memref<32x80x128xi32, #tpu.memory_space<hbm>> -> memref<1x80x128xi32, #tpu.memory_space<hbm>>
      %dma_start3A_54 = tpu.memref_squeeze %dma_start3A_53 : memref<1x80x128xi32, #tpu.memory_space<hbm>> -> memref<80x128xi32, #tpu.memory_space<hbm>>
      tpu.enqueue_dma source(%dma_start3A_54 : memref<80x128xi32, #tpu.memory_space<hbm>>) target(%arg8 : memref<80x128xi32, #tpu.memory_space<vmem>>) target_semaphore(%run_scoped3A : memref<!tpu.dma_semaphore, #tpu.memory_space<semaphore_mem>>)
      %dma_wait3A = arith.constant 0 : i32
      %dma_wait3A_55 = arith.constant 0 : i32
      %dma_wait3A_56 = tpu.memref_slice %arg3[%add3A, %dma_wait3A, %dma_wait3A_55] : memref<32x80x128xi32, #tpu.memory_space<hbm>> -> memref<1x80x128xi32, #tpu.memory_space<hbm>>
      %dma_wait3A_57 = tpu.memref_squeeze %dma_wait3A_56 : memref<1x80x128xi32, #tpu.memory_space<hbm>> -> memref<80x128xi32, #tpu.memory_space<hbm>>
      %dma_wait3A_58 = arith.constant 0 : i32
      %dma_wait3A_59 = arith.constant 0 : i32
      %dma_wait3A_60 = tpu.memref_slice %arg3[%add3A, %dma_wait3A_58, %dma_wait3A_59] : memref<32x80x128xi32, #tpu.memory_space<hbm>> -> memref<1x80x128xi32, #tpu.memory_space<hbm>>
      %dma_wait3A_61 = tpu.memref_squeeze %dma_wait3A_60 : memref<1x80x128xi32, #tpu.memory_space<hbm>> -> memref<80x128xi32, #tpu.memory_space<hbm>>
      tpu.wait_dma2 semaphore(%run_scoped3A : memref<!tpu.dma_semaphore, #tpu.memory_space<semaphore_mem>>) src(%dma_wait3A_61 : memref<80x128xi32, #tpu.memory_space<hbm>>) dst(%arg8 : memref<80x128xi32, #tpu.memory_space<vmem>>)
      tpu.yield
    }) : () -> ()
    "tpu.region"() ({
      %run_scoped3A = tpu.sem_alloc : memref<!tpu.dma_semaphore, #tpu.memory_space<semaphore_mem>>
      %dma_start3A_47 = arith.constant 0 : i32
      %dma_start3A_48 = arith.constant 0 : i32
      %dma_start3A_49 = tpu.memref_slice %arg4[%add3A, %dma_start3A_47, %dma_start3A_48] : memref<32x80x128xi32, #tpu.memory_space<hbm>> -> memref<1x80x128xi32, #tpu.memory_space<hbm>>
      %dma_start3A_50 = tpu.memref_squeeze %dma_start3A_49 : memref<1x80x128xi32, #tpu.memory_space<hbm>> -> memref<80x128xi32, #tpu.memory_space<hbm>>
      %dma_start3A_51 = arith.constant 0 : i32
      %dma_start3A_52 = arith.constant 0 : i32
      %dma_start3A_53 = tpu.memref_slice %arg4[%add3A, %dma_start3A_51, %dma_start3A_52] : memref<32x80x128xi32, #tpu.memory_space<hbm>> -> memref<1x80x128xi32, #tpu.memory_space<hbm>>
      %dma_start3A_54 = tpu.memref_squeeze %dma_start3A_53 : memref<1x80x128xi32, #tpu.memory_space<hbm>> -> memref<80x128xi32, #tpu.memory_space<hbm>>
      tpu.enqueue_dma source(%dma_start3A_54 : memref<80x128xi32, #tpu.memory_space<hbm>>) target(%arg9 : memref<80x128xi32, #tpu.memory_space<vmem>>) target_semaphore(%run_scoped3A : memref<!tpu.dma_semaphore, #tpu.memory_space<semaphore_mem>>)
      %dma_wait3A = arith.constant 0 : i32
      %dma_wait3A_55 = arith.constant 0 : i32
      %dma_wait3A_56 = tpu.memref_slice %arg4[%add3A, %dma_wait3A, %dma_wait3A_55] : memref<32x80x128xi32, #tpu.memory_space<hbm>> -> memref<1x80x128xi32, #tpu.memory_space<hbm>>
      %dma_wait3A_57 = tpu.memref_squeeze %dma_wait3A_56 : memref<1x80x128xi32, #tpu.memory_space<hbm>> -> memref<80x128xi32, #tpu.memory_space<hbm>>
      %dma_wait3A_58 = arith.constant 0 : i32
      %dma_wait3A_59 = arith.constant 0 : i32
      %dma_wait3A_60 = tpu.memref_slice %arg4[%add3A, %dma_wait3A_58, %dma_wait3A_59] : memref<32x80x128xi32, #tpu.memory_space<hbm>> -> memref<1x80x128xi32, #tpu.memory_space<hbm>>
      %dma_wait3A_61 = tpu.memref_squeeze %dma_wait3A_60 : memref<1x80x128xi32, #tpu.memory_space<hbm>> -> memref<80x128xi32, #tpu.memory_space<hbm>>
      tpu.wait_dma2 semaphore(%run_scoped3A : memref<!tpu.dma_semaphore, #tpu.memory_space<semaphore_mem>>) src(%dma_wait3A_61 : memref<80x128xi32, #tpu.memory_space<hbm>>) dst(%arg9 : memref<80x128xi32, #tpu.memory_space<vmem>>)
      tpu.yield
    }) : () -> ()
    %mul3A_3 = arith.constant 312 : i32
    %mul3A_4 = arith.muli %arg1, %mul3A_3 : i32
    %multiple_of3A = tpu.assume_multiple %mul3A_4, 8 : i32
    "tpu.region"() ({
      %run_scoped3A = tpu.sem_alloc : memref<!tpu.dma_semaphore, #tpu.memory_space<semaphore_mem>>
      %dma_start3A_47 = arith.constant 0 : i32
      %dma_start3A_48 = tpu.memref_slice %arg7[%multiple_of3A, %dma_start3A_47] : memref<5008x128xf32, #tpu.memory_space<vmem_shared>> -> memref<312x128xf32, #tpu.memory_space<vmem_shared>>
      %dma_start3A_49 = arith.constant 0 : i32
      %dma_start3A_50 = tpu.memref_slice %arg5[%multiple_of3A, %dma_start3A_49] : memref<5000x128xf32, #tpu.memory_space<hbm>> -> memref<312x128xf32, #tpu.memory_space<hbm>>
      tpu.enqueue_dma source(%dma_start3A_50 : memref<312x128xf32, #tpu.memory_space<hbm>>) target(%dma_start3A_48 : memref<312x128xf32, #tpu.memory_space<vmem_shared>>) target_semaphore(%run_scoped3A : memref<!tpu.dma_semaphore, #tpu.memory_space<semaphore_mem>>)
      %dma_wait3A = arith.constant 0 : i32
      %dma_wait3A_51 = tpu.memref_slice %arg7[%multiple_of3A, %dma_wait3A] : memref<5008x128xf32, #tpu.memory_space<vmem_shared>> -> memref<312x128xf32, #tpu.memory_space<vmem_shared>>
      %dma_wait3A_52 = arith.constant 0 : i32
      %dma_wait3A_53 = tpu.memref_slice %arg5[%multiple_of3A, %dma_wait3A_52] : memref<5000x128xf32, #tpu.memory_space<hbm>> -> memref<312x128xf32, #tpu.memory_space<hbm>>
      tpu.wait_dma2 semaphore(%run_scoped3A : memref<!tpu.dma_semaphore, #tpu.memory_space<semaphore_mem>>) src(%dma_wait3A_53 : memref<312x128xf32, #tpu.memory_space<hbm>>) dst(%dma_wait3A_51 : memref<312x128xf32, #tpu.memory_space<vmem_shared>>)
      tpu.yield
    }) : () -> ()
    %eq3A = arith.constant 0 : i32
    %eq3A_5 = arith.cmpi eq, %arg1, %eq3A : i32
    %convert_element_type3A = arith.extui %eq3A_5 : i1 to i32
    %cond3A = arith.constant 0 : i32
    %cond3A_6 = arith.cmpi ne, %convert_element_type3A, %cond3A : i32
    scf.if %cond3A_6 {
      "tpu.region"() ({
        %run_scoped3A = tpu.sem_alloc : memref<!tpu.dma_semaphore, #tpu.memory_space<semaphore_mem>>
        %dma_start3A_47 = arith.constant 4992 : i32
        %dma_start3A_48 = arith.constant 0 : i32
        %dma_start3A_49 = tpu.memref_slice %arg7[%dma_start3A_47, %dma_start3A_48] : memref<5008x128xf32, #tpu.memory_space<vmem_shared>> -> memref<8x128xf32, #tpu.memory_space<vmem_shared>>
        %dma_start3A_50 = arith.constant 4992 : i32
        %dma_start3A_51 = arith.constant 0 : i32
        %dma_start3A_52 = tpu.memref_slice %arg5[%dma_start3A_50, %dma_start3A_51] : memref<5000x128xf32, #tpu.memory_space<hbm>> -> memref<8x128xf32, #tpu.memory_space<hbm>>
        tpu.enqueue_dma source(%dma_start3A_52 : memref<8x128xf32, #tpu.memory_space<hbm>>) target(%dma_start3A_49 : memref<8x128xf32, #tpu.memory_space<vmem_shared>>) target_semaphore(%run_scoped3A : memref<!tpu.dma_semaphore, #tpu.memory_space<semaphore_mem>>)
        %dma_wait3A = arith.constant 4992 : i32
        %dma_wait3A_53 = arith.constant 0 : i32
        %dma_wait3A_54 = tpu.memref_slice %arg7[%dma_wait3A, %dma_wait3A_53] : memref<5008x128xf32, #tpu.memory_space<vmem_shared>> -> memref<8x128xf32, #tpu.memory_space<vmem_shared>>
        %dma_wait3A_55 = arith.constant 4992 : i32
        %dma_wait3A_56 = arith.constant 0 : i32
        %dma_wait3A_57 = tpu.memref_slice %arg5[%dma_wait3A_55, %dma_wait3A_56] : memref<5000x128xf32, #tpu.memory_space<hbm>> -> memref<8x128xf32, #tpu.memory_space<hbm>>
        tpu.wait_dma2 semaphore(%run_scoped3A : memref<!tpu.dma_semaphore, #tpu.memory_space<semaphore_mem>>) src(%dma_wait3A_57 : memref<8x128xf32, #tpu.memory_space<hbm>>) dst(%dma_wait3A_54 : memref<8x128xf32, #tpu.memory_space<vmem_shared>>)
        tpu.yield
      }) : () -> ()
    } else {
    }
    %barrier3A = arith.constant 0 : index
    tpu.barrier barrier_id(%barrier3A)
    %dma_start3A = arith.constant 0 : i32
    %dma_start3A_7 = arith.constant 0 : i32
    %dma_start3A_8 = tpu.memref_slice %arg8[%dma_start3A, %dma_start3A_7] : memref<80x128xi32, #tpu.memory_space<vmem>> -> memref<1x128xi32, #tpu.memory_space<vmem>>
    %dma_start3A_9 = tpu.memref_squeeze %dma_start3A_8 : memref<1x128xi32, #tpu.memory_space<vmem>> -> memref<128xi32, #tpu.memory_space<vmem>>
    %dma_start3A_10 = arith.constant 0 : i32
    %dma_start3A_11 = arith.constant 0 : i32
    %dma_start3A_12 = tpu.memref_slice %arg2[%dma_start3A_10, %dma_start3A_11] : memref<10000x128xf32, #tpu.memory_space<hbm>> -> memref<10000x128xf32, #tpu.memory_space<hbm>>
    tpu.enqueue_indirect_dma source(%dma_start3A_12 : memref<10000x128xf32, #tpu.memory_space<hbm>>) target(%arg10 : memref<128x128xf32, #tpu.memory_space<vmem>>) offsets(%dma_start3A_9 : memref<128xi32, #tpu.memory_space<vmem>>) semaphore(%arg14 : memref<!tpu.dma_semaphore, #tpu.memory_space<semaphore_mem>>)
    %dma_start3A_13 = arith.constant 1 : i32
    %dma_start3A_14 = arith.constant 0 : i32
    %dma_start3A_15 = tpu.memref_slice %arg8[%dma_start3A_13, %dma_start3A_14] : memref<80x128xi32, #tpu.memory_space<vmem>> -> memref<1x128xi32, #tpu.memory_space<vmem>>
    %dma_start3A_16 = tpu.memref_squeeze %dma_start3A_15 : memref<1x128xi32, #tpu.memory_space<vmem>> -> memref<128xi32, #tpu.memory_space<vmem>>
    %dma_start3A_17 = arith.constant 0 : i32
    %dma_start3A_18 = arith.constant 0 : i32
    %dma_start3A_19 = tpu.memref_slice %arg2[%dma_start3A_17, %dma_start3A_18] : memref<10000x128xf32, #tpu.memory_space<hbm>> -> memref<10000x128xf32, #tpu.memory_space<hbm>>
    tpu.enqueue_indirect_dma source(%dma_start3A_19 : memref<10000x128xf32, #tpu.memory_space<hbm>>) target(%arg11 : memref<128x128xf32, #tpu.memory_space<vmem>>) offsets(%dma_start3A_16 : memref<128xi32, #tpu.memory_space<vmem>>) semaphore(%arg15 : memref<!tpu.dma_semaphore, #tpu.memory_space<semaphore_mem>>)
    %dma_start3A_20 = arith.constant 2 : i32
    %dma_start3A_21 = arith.constant 0 : i32
    %dma_start3A_22 = tpu.memref_slice %arg8[%dma_start3A_20, %dma_start3A_21] : memref<80x128xi32, #tpu.memory_space<vmem>> -> memref<1x128xi32, #tpu.memory_space<vmem>>
    %dma_start3A_23 = tpu.memref_squeeze %dma_start3A_22 : memref<1x128xi32, #tpu.memory_space<vmem>> -> memref<128xi32, #tpu.memory_space<vmem>>
    %dma_start3A_24 = arith.constant 0 : i32
    %dma_start3A_25 = arith.constant 0 : i32
    %dma_start3A_26 = tpu.memref_slice %arg2[%dma_start3A_24, %dma_start3A_25] : memref<10000x128xf32, #tpu.memory_space<hbm>> -> memref<10000x128xf32, #tpu.memory_space<hbm>>
    tpu.enqueue_indirect_dma source(%dma_start3A_26 : memref<10000x128xf32, #tpu.memory_space<hbm>>) target(%arg12 : memref<128x128xf32, #tpu.memory_space<vmem>>) offsets(%dma_start3A_23 : memref<128xi32, #tpu.memory_space<vmem>>) semaphore(%arg16 : memref<!tpu.dma_semaphore, #tpu.memory_space<semaphore_mem>>)
    %dma_start3A_27 = arith.constant 3 : i32
    %dma_start3A_28 = arith.constant 0 : i32
    %dma_start3A_29 = tpu.memref_slice %arg8[%dma_start3A_27, %dma_start3A_28] : memref<80x128xi32, #tpu.memory_space<vmem>> -> memref<1x128xi32, #tpu.memory_space<vmem>>
    %dma_start3A_30 = tpu.memref_squeeze %dma_start3A_29 : memref<1x128xi32, #tpu.memory_space<vmem>> -> memref<128xi32, #tpu.memory_space<vmem>>
    %dma_start3A_31 = arith.constant 0 : i32
    %dma_start3A_32 = arith.constant 0 : i32
    %dma_start3A_33 = tpu.memref_slice %arg2[%dma_start3A_31, %dma_start3A_32] : memref<10000x128xf32, #tpu.memory_space<hbm>> -> memref<10000x128xf32, #tpu.memory_space<hbm>>
    tpu.enqueue_indirect_dma source(%dma_start3A_33 : memref<10000x128xf32, #tpu.memory_space<hbm>>) target(%arg13 : memref<128x128xf32, #tpu.memory_space<vmem>>) offsets(%dma_start3A_30 : memref<128xi32, #tpu.memory_space<vmem>>) semaphore(%arg17 : memref<!tpu.dma_semaphore, #tpu.memory_space<semaphore_mem>>)
    %scan3A = arith.constant 0 : i32
    %scan3A_34 = arith.constant 0 : i32
    %scan3A_35 = arith.constant 20 : i32
    %scan3A_36 = arith.addi %scan3A_34, %scan3A_35 : i32
    %scan3A_37 = arith.constant 1 : i32
    scf.for %scan3A_47 = %scan3A_34 to %scan3A_36 step %scan3A_37  : i32 {
      %mul3A_48 = arith.constant 4 : i32
      %mul3A_49 = arith.muli %scan3A_47, %mul3A_48 : i32
      %add3A_50 = arith.constant 0 : i32
      %add3A_51 = arith.addi %mul3A_49, %add3A_50 : i32
      %dma_wait3A = arith.constant 0 : i32
      %dma_wait3A_52 = tpu.memref_slice %arg8[%add3A_51, %dma_wait3A] : memref<80x128xi32, #tpu.memory_space<vmem>> -> memref<1x128xi32, #tpu.memory_space<vmem>>
      %dma_wait3A_53 = tpu.memref_squeeze %dma_wait3A_52 : memref<1x128xi32, #tpu.memory_space<vmem>> -> memref<128xi32, #tpu.memory_space<vmem>>
      %dma_wait3A_54 = arith.constant 0 : i32
      %dma_wait3A_55 = arith.constant 0 : i32
      %dma_wait3A_56 = tpu.memref_slice %arg2[%dma_wait3A_54, %dma_wait3A_55] : memref<10000x128xf32, #tpu.memory_space<hbm>> -> memref<10000x128xf32, #tpu.memory_space<hbm>>
      tpu.wait_indirect_dma semaphore(%arg14 : memref<!tpu.dma_semaphore, #tpu.memory_space<semaphore_mem>>) src(%dma_wait3A_56 : memref<10000x128xf32, #tpu.memory_space<hbm>>) dst(%arg10 : memref<128x128xf32, #tpu.memory_space<vmem>>)
      "tpu.region"() ({
        %run_scoped3A = tpu.sem_alloc : memref<!tpu.dma_semaphore, #tpu.memory_space<semaphore_mem>>
        %dma_start3A_130 = arith.constant 0 : i32
        %dma_start3A_131 = tpu.memref_slice %arg9[%add3A_51, %dma_start3A_130] : memref<80x128xi32, #tpu.memory_space<vmem>> -> memref<1x128xi32, #tpu.memory_space<vmem>>
        %dma_start3A_132 = tpu.memref_squeeze %dma_start3A_131 : memref<1x128xi32, #tpu.memory_space<vmem>> -> memref<128xi32, #tpu.memory_space<vmem>>
        %dma_start3A_133 = arith.constant 0 : i32
        %dma_start3A_134 = arith.constant 0 : i32
        %dma_start3A_135 = tpu.memref_slice %arg7[%dma_start3A_133, %dma_start3A_134] : memref<5008x128xf32, #tpu.memory_space<vmem_shared>> -> memref<5008x128xf32, #tpu.memory_space<vmem_shared>>
        tpu.enqueue_indirect_dma source(%arg10 : memref<128x128xf32, #tpu.memory_space<vmem>>) target(%dma_start3A_135 : memref<5008x128xf32, #tpu.memory_space<vmem_shared>>) offsets(%dma_start3A_132 : memref<128xi32, #tpu.memory_space<vmem>>) semaphore(%run_scoped3A : memref<!tpu.dma_semaphore, #tpu.memory_space<semaphore_mem>>) {add = true}
        %dma_wait3A_136 = arith.constant 0 : i32
        %dma_wait3A_137 = tpu.memref_slice %arg9[%add3A_51, %dma_wait3A_136] : memref<80x128xi32, #tpu.memory_space<vmem>> -> memref<1x128xi32, #tpu.memory_space<vmem>>
        %dma_wait3A_138 = tpu.memref_squeeze %dma_wait3A_137 : memref<1x128xi32, #tpu.memory_space<vmem>> -> memref<128xi32, #tpu.memory_space<vmem>>
        %dma_wait3A_139 = arith.constant 0 : i32
        %dma_wait3A_140 = arith.constant 0 : i32
        %dma_wait3A_141 = tpu.memref_slice %arg7[%dma_wait3A_139, %dma_wait3A_140] : memref<5008x128xf32, #tpu.memory_space<vmem_shared>> -> memref<5008x128xf32, #tpu.memory_space<vmem_shared>>
        tpu.wait_indirect_dma semaphore(%run_scoped3A : memref<!tpu.dma_semaphore, #tpu.memory_space<semaphore_mem>>) src(%arg10 : memref<128x128xf32, #tpu.memory_space<vmem>>) dst(%dma_wait3A_141 : memref<5008x128xf32, #tpu.memory_space<vmem_shared>>)
        tpu.yield
      }) : () -> ()
      %add3A_57 = arith.constant 1 : i32
      %add3A_58 = arith.addi %scan3A_47, %add3A_57 : i32
      %mul3A_59 = arith.constant 4 : i32
      %mul3A_60 = arith.muli %add3A_58, %mul3A_59 : i32
      %add3A_61 = arith.constant 0 : i32
      %add3A_62 = arith.addi %mul3A_60, %add3A_61 : i32
      %lt3A = arith.constant 80 : i32
      %lt3A_63 = arith.cmpi slt, %add3A_62, %lt3A : i32
      %convert_element_type3A_64 = arith.extui %lt3A_63 : i1 to i32
      %cond3A_65 = arith.constant 0 : i32
      %cond3A_66 = arith.cmpi ne, %convert_element_type3A_64, %cond3A_65 : i32
      scf.if %cond3A_66 {
        %dma_start3A_130 = arith.constant 0 : i32
        %dma_start3A_131 = tpu.memref_slice %arg8[%add3A_62, %dma_start3A_130] : memref<80x128xi32, #tpu.memory_space<vmem>> -> memref<1x128xi32, #tpu.memory_space<vmem>>
        %dma_start3A_132 = tpu.memref_squeeze %dma_start3A_131 : memref<1x128xi32, #tpu.memory_space<vmem>> -> memref<128xi32, #tpu.memory_space<vmem>>
        %dma_start3A_133 = arith.constant 0 : i32
        %dma_start3A_134 = arith.constant 0 : i32
        %dma_start3A_135 = tpu.memref_slice %arg2[%dma_start3A_133, %dma_start3A_134] : memref<10000x128xf32, #tpu.memory_space<hbm>> -> memref<10000x128xf32, #tpu.memory_space<hbm>>
        tpu.enqueue_indirect_dma source(%dma_start3A_135 : memref<10000x128xf32, #tpu.memory_space<hbm>>) target(%arg10 : memref<128x128xf32, #tpu.memory_space<vmem>>) offsets(%dma_start3A_132 : memref<128xi32, #tpu.memory_space<vmem>>) semaphore(%arg14 : memref<!tpu.dma_semaphore, #tpu.memory_space<semaphore_mem>>)
      } else {
      }
      %mul3A_67 = arith.constant 4 : i32
      %mul3A_68 = arith.muli %scan3A_47, %mul3A_67 : i32
      %add3A_69 = arith.constant 1 : i32
      %add3A_70 = arith.addi %mul3A_68, %add3A_69 : i32
      %dma_wait3A_71 = arith.constant 0 : i32
      %dma_wait3A_72 = tpu.memref_slice %arg8[%add3A_70, %dma_wait3A_71] : memref<80x128xi32, #tpu.memory_space<vmem>> -> memref<1x128xi32, #tpu.memory_space<vmem>>
      %dma_wait3A_73 = tpu.memref_squeeze %dma_wait3A_72 : memref<1x128xi32, #tpu.memory_space<vmem>> -> memref<128xi32, #tpu.memory_space<vmem>>
      %dma_wait3A_74 = arith.constant 0 : i32
      %dma_wait3A_75 = arith.constant 0 : i32
      %dma_wait3A_76 = tpu.memref_slice %arg2[%dma_wait3A_74, %dma_wait3A_75] : memref<10000x128xf32, #tpu.memory_space<hbm>> -> memref<10000x128xf32, #tpu.memory_space<hbm>>
      tpu.wait_indirect_dma semaphore(%arg15 : memref<!tpu.dma_semaphore, #tpu.memory_space<semaphore_mem>>) src(%dma_wait3A_76 : memref<10000x128xf32, #tpu.memory_space<hbm>>) dst(%arg11 : memref<128x128xf32, #tpu.memory_space<vmem>>)
      "tpu.region"() ({
        %run_scoped3A = tpu.sem_alloc : memref<!tpu.dma_semaphore, #tpu.memory_space<semaphore_mem>>
        %dma_start3A_130 = arith.constant 0 : i32
        %dma_start3A_131 = tpu.memref_slice %arg9[%add3A_70, %dma_start3A_130] : memref<80x128xi32, #tpu.memory_space<vmem>> -> memref<1x128xi32, #tpu.memory_space<vmem>>
        %dma_start3A_132 = tpu.memref_squeeze %dma_start3A_131 : memref<1x128xi32, #tpu.memory_space<vmem>> -> memref<128xi32, #tpu.memory_space<vmem>>
        %dma_start3A_133 = arith.constant 0 : i32
        %dma_start3A_134 = arith.constant 0 : i32
        %dma_start3A_135 = tpu.memref_slice %arg7[%dma_start3A_133, %dma_start3A_134] : memref<5008x128xf32, #tpu.memory_space<vmem_shared>> -> memref<5008x128xf32, #tpu.memory_space<vmem_shared>>
        tpu.enqueue_indirect_dma source(%arg11 : memref<128x128xf32, #tpu.memory_space<vmem>>) target(%dma_start3A_135 : memref<5008x128xf32, #tpu.memory_space<vmem_shared>>) offsets(%dma_start3A_132 : memref<128xi32, #tpu.memory_space<vmem>>) semaphore(%run_scoped3A : memref<!tpu.dma_semaphore, #tpu.memory_space<semaphore_mem>>) {add = true}
        %dma_wait3A_136 = arith.constant 0 : i32
        %dma_wait3A_137 = tpu.memref_slice %arg9[%add3A_70, %dma_wait3A_136] : memref<80x128xi32, #tpu.memory_space<vmem>> -> memref<1x128xi32, #tpu.memory_space<vmem>>
        %dma_wait3A_138 = tpu.memref_squeeze %dma_wait3A_137 : memref<1x128xi32, #tpu.memory_space<vmem>> -> memref<128xi32, #tpu.memory_space<vmem>>
        %dma_wait3A_139 = arith.constant 0 : i32
        %dma_wait3A_140 = arith.constant 0 : i32
        %dma_wait3A_141 = tpu.memref_slice %arg7[%dma_wait3A_139, %dma_wait3A_140] : memref<5008x128xf32, #tpu.memory_space<vmem_shared>> -> memref<5008x128xf32, #tpu.memory_space<vmem_shared>>
        tpu.wait_indirect_dma semaphore(%run_scoped3A : memref<!tpu.dma_semaphore, #tpu.memory_space<semaphore_mem>>) src(%arg11 : memref<128x128xf32, #tpu.memory_space<vmem>>) dst(%dma_wait3A_141 : memref<5008x128xf32, #tpu.memory_space<vmem_shared>>)
        tpu.yield
      }) : () -> ()
      %add3A_77 = arith.constant 1 : i32
      %add3A_78 = arith.addi %scan3A_47, %add3A_77 : i32
      %mul3A_79 = arith.constant 4 : i32
      %mul3A_80 = arith.muli %add3A_78, %mul3A_79 : i32
      %add3A_81 = arith.constant 1 : i32
      %add3A_82 = arith.addi %mul3A_80, %add3A_81 : i32
      %lt3A_83 = arith.constant 80 : i32
      %lt3A_84 = arith.cmpi slt, %add3A_82, %lt3A_83 : i32
      %convert_element_type3A_85 = arith.extui %lt3A_84 : i1 to i32
      %cond3A_86 = arith.constant 0 : i32
      %cond3A_87 = arith.cmpi ne, %convert_element_type3A_85, %cond3A_86 : i32
      scf.if %cond3A_87 {
        %dma_start3A_130 = arith.constant 0 : i32
        %dma_start3A_131 = tpu.memref_slice %arg8[%add3A_82, %dma_start3A_130] : memref<80x128xi32, #tpu.memory_space<vmem>> -> memref<1x128xi32, #tpu.memory_space<vmem>>
        %dma_start3A_132 = tpu.memref_squeeze %dma_start3A_131 : memref<1x128xi32, #tpu.memory_space<vmem>> -> memref<128xi32, #tpu.memory_space<vmem>>
        %dma_start3A_133 = arith.constant 0 : i32
        %dma_start3A_134 = arith.constant 0 : i32
        %dma_start3A_135 = tpu.memref_slice %arg2[%dma_start3A_133, %dma_start3A_134] : memref<10000x128xf32, #tpu.memory_space<hbm>> -> memref<10000x128xf32, #tpu.memory_space<hbm>>
        tpu.enqueue_indirect_dma source(%dma_start3A_135 : memref<10000x128xf32, #tpu.memory_space<hbm>>) target(%arg11 : memref<128x128xf32, #tpu.memory_space<vmem>>) offsets(%dma_start3A_132 : memref<128xi32, #tpu.memory_space<vmem>>) semaphore(%arg15 : memref<!tpu.dma_semaphore, #tpu.memory_space<semaphore_mem>>)
      } else {
      }
      %mul3A_88 = arith.constant 4 : i32
      %mul3A_89 = arith.muli %scan3A_47, %mul3A_88 : i32
      %add3A_90 = arith.constant 2 : i32
      %add3A_91 = arith.addi %mul3A_89, %add3A_90 : i32
      %dma_wait3A_92 = arith.constant 0 : i32
      %dma_wait3A_93 = tpu.memref_slice %arg8[%add3A_91, %dma_wait3A_92] : memref<80x128xi32, #tpu.memory_space<vmem>> -> memref<1x128xi32, #tpu.memory_space<vmem>>
      %dma_wait3A_94 = tpu.memref_squeeze %dma_wait3A_93 : memref<1x128xi32, #tpu.memory_space<vmem>> -> memref<128xi32, #tpu.memory_space<vmem>>
      %dma_wait3A_95 = arith.constant 0 : i32
      %dma_wait3A_96 = arith.constant 0 : i32
      %dma_wait3A_97 = tpu.memref_slice %arg2[%dma_wait3A_95, %dma_wait3A_96] : memref<10000x128xf32, #tpu.memory_space<hbm>> -> memref<10000x128xf32, #tpu.memory_space<hbm>>
      tpu.wait_indirect_dma semaphore(%arg16 : memref<!tpu.dma_semaphore, #tpu.memory_space<semaphore_mem>>) src(%dma_wait3A_97 : memref<10000x128xf32, #tpu.memory_space<hbm>>) dst(%arg12 : memref<128x128xf32, #tpu.memory_space<vmem>>)
      "tpu.region"() ({
        %run_scoped3A = tpu.sem_alloc : memref<!tpu.dma_semaphore, #tpu.memory_space<semaphore_mem>>
        %dma_start3A_130 = arith.constant 0 : i32
        %dma_start3A_131 = tpu.memref_slice %arg9[%add3A_91, %dma_start3A_130] : memref<80x128xi32, #tpu.memory_space<vmem>> -> memref<1x128xi32, #tpu.memory_space<vmem>>
        %dma_start3A_132 = tpu.memref_squeeze %dma_start3A_131 : memref<1x128xi32, #tpu.memory_space<vmem>> -> memref<128xi32, #tpu.memory_space<vmem>>
        %dma_start3A_133 = arith.constant 0 : i32
        %dma_start3A_134 = arith.constant 0 : i32
        %dma_start3A_135 = tpu.memref_slice %arg7[%dma_start3A_133, %dma_start3A_134] : memref<5008x128xf32, #tpu.memory_space<vmem_shared>> -> memref<5008x128xf32, #tpu.memory_space<vmem_shared>>
        tpu.enqueue_indirect_dma source(%arg12 : memref<128x128xf32, #tpu.memory_space<vmem>>) target(%dma_start3A_135 : memref<5008x128xf32, #tpu.memory_space<vmem_shared>>) offsets(%dma_start3A_132 : memref<128xi32, #tpu.memory_space<vmem>>) semaphore(%run_scoped3A : memref<!tpu.dma_semaphore, #tpu.memory_space<semaphore_mem>>) {add = true}
        %dma_wait3A_136 = arith.constant 0 : i32
        %dma_wait3A_137 = tpu.memref_slice %arg9[%add3A_91, %dma_wait3A_136] : memref<80x128xi32, #tpu.memory_space<vmem>> -> memref<1x128xi32, #tpu.memory_space<vmem>>
        %dma_wait3A_138 = tpu.memref_squeeze %dma_wait3A_137 : memref<1x128xi32, #tpu.memory_space<vmem>> -> memref<128xi32, #tpu.memory_space<vmem>>
        %dma_wait3A_139 = arith.constant 0 : i32
        %dma_wait3A_140 = arith.constant 0 : i32
        %dma_wait3A_141 = tpu.memref_slice %arg7[%dma_wait3A_139, %dma_wait3A_140] : memref<5008x128xf32, #tpu.memory_space<vmem_shared>> -> memref<5008x128xf32, #tpu.memory_space<vmem_shared>>
        tpu.wait_indirect_dma semaphore(%run_scoped3A : memref<!tpu.dma_semaphore, #tpu.memory_space<semaphore_mem>>) src(%arg12 : memref<128x128xf32, #tpu.memory_space<vmem>>) dst(%dma_wait3A_141 : memref<5008x128xf32, #tpu.memory_space<vmem_shared>>)
        tpu.yield
      }) : () -> ()
      %add3A_98 = arith.constant 1 : i32
      %add3A_99 = arith.addi %scan3A_47, %add3A_98 : i32
      %mul3A_100 = arith.constant 4 : i32
      %mul3A_101 = arith.muli %add3A_99, %mul3A_100 : i32
      %add3A_102 = arith.constant 2 : i32
      %add3A_103 = arith.addi %mul3A_101, %add3A_102 : i32
      %lt3A_104 = arith.constant 80 : i32
      %lt3A_105 = arith.cmpi slt, %add3A_103, %lt3A_104 : i32
      %convert_element_type3A_106 = arith.extui %lt3A_105 : i1 to i32
      %cond3A_107 = arith.constant 0 : i32
      %cond3A_108 = arith.cmpi ne, %convert_element_type3A_106, %cond3A_107 : i32
      scf.if %cond3A_108 {
        %dma_start3A_130 = arith.constant 0 : i32
        %dma_start3A_131 = tpu.memref_slice %arg8[%add3A_103, %dma_start3A_130] : memref<80x128xi32, #tpu.memory_space<vmem>> -> memref<1x128xi32, #tpu.memory_space<vmem>>
        %dma_start3A_132 = tpu.memref_squeeze %dma_start3A_131 : memref<1x128xi32, #tpu.memory_space<vmem>> -> memref<128xi32, #tpu.memory_space<vmem>>
        %dma_start3A_133 = arith.constant 0 : i32
        %dma_start3A_134 = arith.constant 0 : i32
        %dma_start3A_135 = tpu.memref_slice %arg2[%dma_start3A_133, %dma_start3A_134] : memref<10000x128xf32, #tpu.memory_space<hbm>> -> memref<10000x128xf32, #tpu.memory_space<hbm>>
        tpu.enqueue_indirect_dma source(%dma_start3A_135 : memref<10000x128xf32, #tpu.memory_space<hbm>>) target(%arg12 : memref<128x128xf32, #tpu.memory_space<vmem>>) offsets(%dma_start3A_132 : memref<128xi32, #tpu.memory_space<vmem>>) semaphore(%arg16 : memref<!tpu.dma_semaphore, #tpu.memory_space<semaphore_mem>>)
      } else {
      }
      %mul3A_109 = arith.constant 4 : i32
      %mul3A_110 = arith.muli %scan3A_47, %mul3A_109 : i32
      %add3A_111 = arith.constant 3 : i32
      %add3A_112 = arith.addi %mul3A_110, %add3A_111 : i32
      %dma_wait3A_113 = arith.constant 0 : i32
      %dma_wait3A_114 = tpu.memref_slice %arg8[%add3A_112, %dma_wait3A_113] : memref<80x128xi32, #tpu.memory_space<vmem>> -> memref<1x128xi32, #tpu.memory_space<vmem>>
      %dma_wait3A_115 = tpu.memref_squeeze %dma_wait3A_114 : memref<1x128xi32, #tpu.memory_space<vmem>> -> memref<128xi32, #tpu.memory_space<vmem>>
      %dma_wait3A_116 = arith.constant 0 : i32
      %dma_wait3A_117 = arith.constant 0 : i32
      %dma_wait3A_118 = tpu.memref_slice %arg2[%dma_wait3A_116, %dma_wait3A_117] : memref<10000x128xf32, #tpu.memory_space<hbm>> -> memref<10000x128xf32, #tpu.memory_space<hbm>>
      tpu.wait_indirect_dma semaphore(%arg17 : memref<!tpu.dma_semaphore, #tpu.memory_space<semaphore_mem>>) src(%dma_wait3A_118 : memref<10000x128xf32, #tpu.memory_space<hbm>>) dst(%arg13 : memref<128x128xf32, #tpu.memory_space<vmem>>)
      "tpu.region"() ({
        %run_scoped3A = tpu.sem_alloc : memref<!tpu.dma_semaphore, #tpu.memory_space<semaphore_mem>>
        %dma_start3A_130 = arith.constant 0 : i32
        %dma_start3A_131 = tpu.memref_slice %arg9[%add3A_112, %dma_start3A_130] : memref<80x128xi32, #tpu.memory_space<vmem>> -> memref<1x128xi32, #tpu.memory_space<vmem>>
        %dma_start3A_132 = tpu.memref_squeeze %dma_start3A_131 : memref<1x128xi32, #tpu.memory_space<vmem>> -> memref<128xi32, #tpu.memory_space<vmem>>
        %dma_start3A_133 = arith.constant 0 : i32
        %dma_start3A_134 = arith.constant 0 : i32
        %dma_start3A_135 = tpu.memref_slice %arg7[%dma_start3A_133, %dma_start3A_134] : memref<5008x128xf32, #tpu.memory_space<vmem_shared>> -> memref<5008x128xf32, #tpu.memory_space<vmem_shared>>
        tpu.enqueue_indirect_dma source(%arg13 : memref<128x128xf32, #tpu.memory_space<vmem>>) target(%dma_start3A_135 : memref<5008x128xf32, #tpu.memory_space<vmem_shared>>) offsets(%dma_start3A_132 : memref<128xi32, #tpu.memory_space<vmem>>) semaphore(%run_scoped3A : memref<!tpu.dma_semaphore, #tpu.memory_space<semaphore_mem>>) {add = true}
        %dma_wait3A_136 = arith.constant 0 : i32
        %dma_wait3A_137 = tpu.memref_slice %arg9[%add3A_112, %dma_wait3A_136] : memref<80x128xi32, #tpu.memory_space<vmem>> -> memref<1x128xi32, #tpu.memory_space<vmem>>
        %dma_wait3A_138 = tpu.memref_squeeze %dma_wait3A_137 : memref<1x128xi32, #tpu.memory_space<vmem>> -> memref<128xi32, #tpu.memory_space<vmem>>
        %dma_wait3A_139 = arith.constant 0 : i32
        %dma_wait3A_140 = arith.constant 0 : i32
        %dma_wait3A_141 = tpu.memref_slice %arg7[%dma_wait3A_139, %dma_wait3A_140] : memref<5008x128xf32, #tpu.memory_space<vmem_shared>> -> memref<5008x128xf32, #tpu.memory_space<vmem_shared>>
        tpu.wait_indirect_dma semaphore(%run_scoped3A : memref<!tpu.dma_semaphore, #tpu.memory_space<semaphore_mem>>) src(%arg13 : memref<128x128xf32, #tpu.memory_space<vmem>>) dst(%dma_wait3A_141 : memref<5008x128xf32, #tpu.memory_space<vmem_shared>>)
        tpu.yield
      }) : () -> ()
      %add3A_119 = arith.constant 1 : i32
      %add3A_120 = arith.addi %scan3A_47, %add3A_119 : i32
      %mul3A_121 = arith.constant 4 : i32
      %mul3A_122 = arith.muli %add3A_120, %mul3A_121 : i32
      %add3A_123 = arith.constant 3 : i32
      %add3A_124 = arith.addi %mul3A_122, %add3A_123 : i32
      %lt3A_125 = arith.constant 80 : i32
      %lt3A_126 = arith.cmpi slt, %add3A_124, %lt3A_125 : i32
      %convert_element_type3A_127 = arith.extui %lt3A_126 : i1 to i32
      %cond3A_128 = arith.constant 0 : i32
      %cond3A_129 = arith.cmpi ne, %convert_element_type3A_127, %cond3A_128 : i32
      scf.if %cond3A_129 {
        %dma_start3A_130 = arith.constant 0 : i32
        %dma_start3A_131 = tpu.memref_slice %arg8[%add3A_124, %dma_start3A_130] : memref<80x128xi32, #tpu.memory_space<vmem>> -> memref<1x128xi32, #tpu.memory_space<vmem>>
        %dma_start3A_132 = tpu.memref_squeeze %dma_start3A_131 : memref<1x128xi32, #tpu.memory_space<vmem>> -> memref<128xi32, #tpu.memory_space<vmem>>
        %dma_start3A_133 = arith.constant 0 : i32
        %dma_start3A_134 = arith.constant 0 : i32
        %dma_start3A_135 = tpu.memref_slice %arg2[%dma_start3A_133, %dma_start3A_134] : memref<10000x128xf32, #tpu.memory_space<hbm>> -> memref<10000x128xf32, #tpu.memory_space<hbm>>
        tpu.enqueue_indirect_dma source(%dma_start3A_135 : memref<10000x128xf32, #tpu.memory_space<hbm>>) target(%arg13 : memref<128x128xf32, #tpu.memory_space<vmem>>) offsets(%dma_start3A_132 : memref<128xi32, #tpu.memory_space<vmem>>) semaphore(%arg17 : memref<!tpu.dma_semaphore, #tpu.memory_space<semaphore_mem>>)
      } else {
      }
    }
    %scan3A_38 = arith.constant 20 : i32
    %barrier3A_39 = arith.constant 0 : index
    tpu.barrier barrier_id(%barrier3A_39)
    %add3A_40 = arith.addi %mul3A_2, %multiple_of3A : i32
    %multiple_of3A_41 = tpu.assume_multiple %add3A_40, 8 : i32
    "tpu.region"() ({
      %run_scoped3A = tpu.sem_alloc : memref<!tpu.dma_semaphore, #tpu.memory_space<semaphore_mem>>
      %dma_start3A_47 = arith.constant 0 : i32
      %dma_start3A_48 = tpu.memref_slice %arg6[%multiple_of3A_41, %dma_start3A_47] : memref<10000x128xf32, #tpu.memory_space<hbm>> -> memref<312x128xf32, #tpu.memory_space<hbm>>
      %dma_start3A_49 = arith.constant 0 : i32
      %dma_start3A_50 = tpu.memref_slice %arg7[%multiple_of3A, %dma_start3A_49] : memref<5008x128xf32, #tpu.memory_space<vmem_shared>> -> memref<312x128xf32, #tpu.memory_space<vmem_shared>>
      tpu.enqueue_dma source(%dma_start3A_50 : memref<312x128xf32, #tpu.memory_space<vmem_shared>>) target(%dma_start3A_48 : memref<312x128xf32, #tpu.memory_space<hbm>>) target_semaphore(%run_scoped3A : memref<!tpu.dma_semaphore, #tpu.memory_space<semaphore_mem>>)
      %dma_wait3A = arith.constant 0 : i32
      %dma_wait3A_51 = tpu.memref_slice %arg6[%multiple_of3A_41, %dma_wait3A] : memref<10000x128xf32, #tpu.memory_space<hbm>> -> memref<312x128xf32, #tpu.memory_space<hbm>>
      %dma_wait3A_52 = arith.constant 0 : i32
      %dma_wait3A_53 = tpu.memref_slice %arg7[%multiple_of3A, %dma_wait3A_52] : memref<5008x128xf32, #tpu.memory_space<vmem_shared>> -> memref<312x128xf32, #tpu.memory_space<vmem_shared>>
      tpu.wait_dma2 semaphore(%run_scoped3A : memref<!tpu.dma_semaphore, #tpu.memory_space<semaphore_mem>>) src(%dma_wait3A_53 : memref<312x128xf32, #tpu.memory_space<vmem_shared>>) dst(%dma_wait3A_51 : memref<312x128xf32, #tpu.memory_space<hbm>>)
      tpu.yield
    }) : () -> ()
    %eq3A_42 = arith.constant 0 : i32
    %eq3A_43 = arith.cmpi eq, %arg1, %eq3A_42 : i32
    %convert_element_type3A_44 = arith.extui %eq3A_43 : i1 to i32
    %cond3A_45 = arith.constant 0 : i32
    %cond3A_46 = arith.cmpi ne, %convert_element_type3A_44, %cond3A_45 : i32
    scf.if %cond3A_46 {
      %add3A_47 = arith.constant 4992 : i32
      %add3A_48 = arith.addi %mul3A_2, %add3A_47 : i32
      %multiple_of3A_49 = tpu.assume_multiple %add3A_48, 8 : i32
      "tpu.region"() ({
        %run_scoped3A = tpu.sem_alloc : memref<!tpu.dma_semaphore, #tpu.memory_space<semaphore_mem>>
        %dma_start3A_50 = arith.constant 0 : i32
        %dma_start3A_51 = tpu.memref_slice %arg6[%multiple_of3A_49, %dma_start3A_50] : memref<10000x128xf32, #tpu.memory_space<hbm>> -> memref<8x128xf32, #tpu.memory_space<hbm>>
        %dma_start3A_52 = arith.constant 4992 : i32
        %dma_start3A_53 = arith.constant 0 : i32
        %dma_start3A_54 = tpu.memref_slice %arg7[%dma_start3A_52, %dma_start3A_53] : memref<5008x128xf32, #tpu.memory_space<vmem_shared>> -> memref<8x128xf32, #tpu.memory_space<vmem_shared>>
        tpu.enqueue_dma source(%dma_start3A_54 : memref<8x128xf32, #tpu.memory_space<vmem_shared>>) target(%dma_start3A_51 : memref<8x128xf32, #tpu.memory_space<hbm>>) target_semaphore(%run_scoped3A : memref<!tpu.dma_semaphore, #tpu.memory_space<semaphore_mem>>)
        %dma_wait3A = arith.constant 0 : i32
        %dma_wait3A_55 = tpu.memref_slice %arg6[%multiple_of3A_49, %dma_wait3A] : memref<10000x128xf32, #tpu.memory_space<hbm>> -> memref<8x128xf32, #tpu.memory_space<hbm>>
        %dma_wait3A_56 = arith.constant 4992 : i32
        %dma_wait3A_57 = arith.constant 0 : i32
        %dma_wait3A_58 = tpu.memref_slice %arg7[%dma_wait3A_56, %dma_wait3A_57] : memref<5008x128xf32, #tpu.memory_space<vmem_shared>> -> memref<8x128xf32, #tpu.memory_space<vmem_shared>>
        tpu.wait_dma2 semaphore(%run_scoped3A : memref<!tpu.dma_semaphore, #tpu.memory_space<semaphore_mem>>) src(%dma_wait3A_58 : memref<8x128xf32, #tpu.memory_space<vmem_shared>>) dst(%dma_wait3A_55 : memref<8x128xf32, #tpu.memory_space<hbm>>)
        tpu.yield
      }) : () -> ()
    } else {
    }
    return
  }
}

#map = affine_map<(d0, d1) -> (0, 0, 0)>
#map1 = affine_map<(d0, d1) -> (0, 0)>
module attributes {stable_mosaic.version = 14 : i64} {
  func.func @_sc_cnt_body(%arg0: i32, %arg1: i32, %arg2: memref<32x80x128xi32, #tpu.memory_space<hbm>>, %arg3: memref<5000x128xf32, #tpu.memory_space<hbm>>, %arg4: memref<128x128xf32, #tpu.memory_space<hbm>>, %arg5: memref<10000x128xf32, #tpu.memory_space<hbm>>, %arg6: memref<5008x128xf32, #tpu.memory_space<vmem_shared>>, %arg7: memref<80x128xi32, #tpu.memory_space<vmem>>, %arg8: memref<128x128xf32, #tpu.memory_space<vmem>>, %arg9: memref<!tpu.dma_semaphore, #tpu.memory_space<semaphore_mem>>) attributes {dimension_semantics = [#tpu.dimension_semantics<core_parallel>, #tpu.dimension_semantics<subcore_parallel>], iteration_bounds = array<i64: 2, 16>, scalar_prefetch = 0 : i64, scratch_operands = 4 : i64, tpu.core_type = #tpu.core_type<sc_vector_subcore>, window_params = [{transform_indices = #map}, {transform_indices = #map1}, {transform_indices = #map1}, {transform_indices = #map1}]} {
    %mul3A = arith.constant 16 : i32
    %mul3A_0 = arith.muli %arg0, %mul3A : i32
    %add3A = arith.addi %mul3A_0, %arg1 : i32
    %mul3A_1 = arith.constant 5000 : i32
    %mul3A_2 = arith.muli %arg0, %mul3A_1 : i32
    "tpu.region"() ({
      %run_scoped3A = tpu.sem_alloc : memref<!tpu.dma_semaphore, #tpu.memory_space<semaphore_mem>>
      %dma_start3A = arith.constant 0 : i32
      %dma_start3A_20 = arith.constant 0 : i32
      %dma_start3A_21 = tpu.memref_slice %arg2[%add3A, %dma_start3A, %dma_start3A_20] : memref<32x80x128xi32, #tpu.memory_space<hbm>> -> memref<1x80x128xi32, #tpu.memory_space<hbm>>
      %dma_start3A_22 = tpu.memref_squeeze %dma_start3A_21 : memref<1x80x128xi32, #tpu.memory_space<hbm>> -> memref<80x128xi32, #tpu.memory_space<hbm>>
      %dma_start3A_23 = arith.constant 0 : i32
      %dma_start3A_24 = arith.constant 0 : i32
      %dma_start3A_25 = tpu.memref_slice %arg2[%add3A, %dma_start3A_23, %dma_start3A_24] : memref<32x80x128xi32, #tpu.memory_space<hbm>> -> memref<1x80x128xi32, #tpu.memory_space<hbm>>
      %dma_start3A_26 = tpu.memref_squeeze %dma_start3A_25 : memref<1x80x128xi32, #tpu.memory_space<hbm>> -> memref<80x128xi32, #tpu.memory_space<hbm>>
      tpu.enqueue_dma source(%dma_start3A_26 : memref<80x128xi32, #tpu.memory_space<hbm>>) target(%arg7 : memref<80x128xi32, #tpu.memory_space<vmem>>) target_semaphore(%run_scoped3A : memref<!tpu.dma_semaphore, #tpu.memory_space<semaphore_mem>>)
      %dma_wait3A = arith.constant 0 : i32
      %dma_wait3A_27 = arith.constant 0 : i32
      %dma_wait3A_28 = tpu.memref_slice %arg2[%add3A, %dma_wait3A, %dma_wait3A_27] : memref<32x80x128xi32, #tpu.memory_space<hbm>> -> memref<1x80x128xi32, #tpu.memory_space<hbm>>
      %dma_wait3A_29 = tpu.memref_squeeze %dma_wait3A_28 : memref<1x80x128xi32, #tpu.memory_space<hbm>> -> memref<80x128xi32, #tpu.memory_space<hbm>>
      %dma_wait3A_30 = arith.constant 0 : i32
      %dma_wait3A_31 = arith.constant 0 : i32
      %dma_wait3A_32 = tpu.memref_slice %arg2[%add3A, %dma_wait3A_30, %dma_wait3A_31] : memref<32x80x128xi32, #tpu.memory_space<hbm>> -> memref<1x80x128xi32, #tpu.memory_space<hbm>>
      %dma_wait3A_33 = tpu.memref_squeeze %dma_wait3A_32 : memref<1x80x128xi32, #tpu.memory_space<hbm>> -> memref<80x128xi32, #tpu.memory_space<hbm>>
      tpu.wait_dma2 semaphore(%run_scoped3A : memref<!tpu.dma_semaphore, #tpu.memory_space<semaphore_mem>>) src(%dma_wait3A_33 : memref<80x128xi32, #tpu.memory_space<hbm>>) dst(%arg7 : memref<80x128xi32, #tpu.memory_space<vmem>>)
      tpu.yield
    }) : () -> ()
    "tpu.region"() ({
      %run_scoped3A = tpu.sem_alloc : memref<!tpu.dma_semaphore, #tpu.memory_space<semaphore_mem>>
      tpu.enqueue_dma source(%arg4 : memref<128x128xf32, #tpu.memory_space<hbm>>) target(%arg8 : memref<128x128xf32, #tpu.memory_space<vmem>>) target_semaphore(%run_scoped3A : memref<!tpu.dma_semaphore, #tpu.memory_space<semaphore_mem>>)
      tpu.wait_dma2 semaphore(%run_scoped3A : memref<!tpu.dma_semaphore, #tpu.memory_space<semaphore_mem>>) src(%arg4 : memref<128x128xf32, #tpu.memory_space<hbm>>) dst(%arg8 : memref<128x128xf32, #tpu.memory_space<vmem>>)
      tpu.yield
    }) : () -> ()
    %mul3A_3 = arith.constant 312 : i32
    %mul3A_4 = arith.muli %arg1, %mul3A_3 : i32
    %multiple_of3A = tpu.assume_multiple %mul3A_4, 8 : i32
    "tpu.region"() ({
      %run_scoped3A = tpu.sem_alloc : memref<!tpu.dma_semaphore, #tpu.memory_space<semaphore_mem>>
      %dma_start3A = arith.constant 0 : i32
      %dma_start3A_20 = tpu.memref_slice %arg6[%multiple_of3A, %dma_start3A] : memref<5008x128xf32, #tpu.memory_space<vmem_shared>> -> memref<312x128xf32, #tpu.memory_space<vmem_shared>>
      %dma_start3A_21 = arith.constant 0 : i32
      %dma_start3A_22 = tpu.memref_slice %arg3[%multiple_of3A, %dma_start3A_21] : memref<5000x128xf32, #tpu.memory_space<hbm>> -> memref<312x128xf32, #tpu.memory_space<hbm>>
      tpu.enqueue_dma source(%dma_start3A_22 : memref<312x128xf32, #tpu.memory_space<hbm>>) target(%dma_start3A_20 : memref<312x128xf32, #tpu.memory_space<vmem_shared>>) target_semaphore(%run_scoped3A : memref<!tpu.dma_semaphore, #tpu.memory_space<semaphore_mem>>)
      %dma_wait3A = arith.constant 0 : i32
      %dma_wait3A_23 = tpu.memref_slice %arg6[%multiple_of3A, %dma_wait3A] : memref<5008x128xf32, #tpu.memory_space<vmem_shared>> -> memref<312x128xf32, #tpu.memory_space<vmem_shared>>
      %dma_wait3A_24 = arith.constant 0 : i32
      %dma_wait3A_25 = tpu.memref_slice %arg3[%multiple_of3A, %dma_wait3A_24] : memref<5000x128xf32, #tpu.memory_space<hbm>> -> memref<312x128xf32, #tpu.memory_space<hbm>>
      tpu.wait_dma2 semaphore(%run_scoped3A : memref<!tpu.dma_semaphore, #tpu.memory_space<semaphore_mem>>) src(%dma_wait3A_25 : memref<312x128xf32, #tpu.memory_space<hbm>>) dst(%dma_wait3A_23 : memref<312x128xf32, #tpu.memory_space<vmem_shared>>)
      tpu.yield
    }) : () -> ()
    %eq3A = arith.constant 0 : i32
    %eq3A_5 = arith.cmpi eq, %arg1, %eq3A : i32
    %convert_element_type3A = arith.extui %eq3A_5 : i1 to i32
    %cond3A = arith.constant 0 : i32
    %cond3A_6 = arith.cmpi ne, %convert_element_type3A, %cond3A : i32
    scf.if %cond3A_6 {
      "tpu.region"() ({
        %run_scoped3A = tpu.sem_alloc : memref<!tpu.dma_semaphore, #tpu.memory_space<semaphore_mem>>
        %dma_start3A = arith.constant 4992 : i32
        %dma_start3A_20 = arith.constant 0 : i32
        %dma_start3A_21 = tpu.memref_slice %arg6[%dma_start3A, %dma_start3A_20] : memref<5008x128xf32, #tpu.memory_space<vmem_shared>> -> memref<8x128xf32, #tpu.memory_space<vmem_shared>>
        %dma_start3A_22 = arith.constant 4992 : i32
        %dma_start3A_23 = arith.constant 0 : i32
        %dma_start3A_24 = tpu.memref_slice %arg3[%dma_start3A_22, %dma_start3A_23] : memref<5000x128xf32, #tpu.memory_space<hbm>> -> memref<8x128xf32, #tpu.memory_space<hbm>>
        tpu.enqueue_dma source(%dma_start3A_24 : memref<8x128xf32, #tpu.memory_space<hbm>>) target(%dma_start3A_21 : memref<8x128xf32, #tpu.memory_space<vmem_shared>>) target_semaphore(%run_scoped3A : memref<!tpu.dma_semaphore, #tpu.memory_space<semaphore_mem>>)
        %dma_wait3A = arith.constant 4992 : i32
        %dma_wait3A_25 = arith.constant 0 : i32
        %dma_wait3A_26 = tpu.memref_slice %arg6[%dma_wait3A, %dma_wait3A_25] : memref<5008x128xf32, #tpu.memory_space<vmem_shared>> -> memref<8x128xf32, #tpu.memory_space<vmem_shared>>
        %dma_wait3A_27 = arith.constant 4992 : i32
        %dma_wait3A_28 = arith.constant 0 : i32
        %dma_wait3A_29 = tpu.memref_slice %arg3[%dma_wait3A_27, %dma_wait3A_28] : memref<5000x128xf32, #tpu.memory_space<hbm>> -> memref<8x128xf32, #tpu.memory_space<hbm>>
        tpu.wait_dma2 semaphore(%run_scoped3A : memref<!tpu.dma_semaphore, #tpu.memory_space<semaphore_mem>>) src(%dma_wait3A_29 : memref<8x128xf32, #tpu.memory_space<hbm>>) dst(%dma_wait3A_26 : memref<8x128xf32, #tpu.memory_space<vmem_shared>>)
        tpu.yield
      }) : () -> ()
    } else {
    }
    %barrier3A = arith.constant 0 : index
    tpu.barrier barrier_id(%barrier3A)
    %scan3A = arith.constant 0 : i32
    %scan3A_7 = arith.constant 0 : i32
    %scan3A_8 = arith.constant 10 : i32
    %scan3A_9 = arith.addi %scan3A_7, %scan3A_8 : i32
    %scan3A_10 = arith.constant 1 : i32
    scf.for %scan3A_20 = %scan3A_7 to %scan3A_9 step %scan3A_10  : i32 {
      %mul3A_21 = arith.constant 8 : i32
      %mul3A_22 = arith.muli %scan3A_20, %mul3A_21 : i32
      %add3A_23 = arith.constant 0 : i32
      %add3A_24 = arith.addi %mul3A_22, %add3A_23 : i32
      %dma_start3A = arith.constant 0 : i32
      %dma_start3A_25 = tpu.memref_slice %arg7[%add3A_24, %dma_start3A] : memref<80x128xi32, #tpu.memory_space<vmem>> -> memref<1x128xi32, #tpu.memory_space<vmem>>
      %dma_start3A_26 = tpu.memref_squeeze %dma_start3A_25 : memref<1x128xi32, #tpu.memory_space<vmem>> -> memref<128xi32, #tpu.memory_space<vmem>>
      %dma_start3A_27 = arith.constant 0 : i32
      %dma_start3A_28 = arith.constant 0 : i32
      %dma_start3A_29 = tpu.memref_slice %arg6[%dma_start3A_27, %dma_start3A_28] : memref<5008x128xf32, #tpu.memory_space<vmem_shared>> -> memref<5008x128xf32, #tpu.memory_space<vmem_shared>>
      tpu.enqueue_indirect_dma source(%arg8 : memref<128x128xf32, #tpu.memory_space<vmem>>) target(%dma_start3A_29 : memref<5008x128xf32, #tpu.memory_space<vmem_shared>>) offsets(%dma_start3A_26 : memref<128xi32, #tpu.memory_space<vmem>>) semaphore(%arg9 : memref<!tpu.dma_semaphore, #tpu.memory_space<semaphore_mem>>) {add = true}
      %mul3A_30 = arith.constant 8 : i32
      %mul3A_31 = arith.muli %scan3A_20, %mul3A_30 : i32
      %add3A_32 = arith.constant 1 : i32
      %add3A_33 = arith.addi %mul3A_31, %add3A_32 : i32
      %dma_start3A_34 = arith.constant 0 : i32
      %dma_start3A_35 = tpu.memref_slice %arg7[%add3A_33, %dma_start3A_34] : memref<80x128xi32, #tpu.memory_space<vmem>> -> memref<1x128xi32, #tpu.memory_space<vmem>>
      %dma_start3A_36 = tpu.memref_squeeze %dma_start3A_35 : memref<1x128xi32, #tpu.memory_space<vmem>> -> memref<128xi32, #tpu.memory_space<vmem>>
      %dma_start3A_37 = arith.constant 0 : i32
      %dma_start3A_38 = arith.constant 0 : i32
      %dma_start3A_39 = tpu.memref_slice %arg6[%dma_start3A_37, %dma_start3A_38] : memref<5008x128xf32, #tpu.memory_space<vmem_shared>> -> memref<5008x128xf32, #tpu.memory_space<vmem_shared>>
      tpu.enqueue_indirect_dma source(%arg8 : memref<128x128xf32, #tpu.memory_space<vmem>>) target(%dma_start3A_39 : memref<5008x128xf32, #tpu.memory_space<vmem_shared>>) offsets(%dma_start3A_36 : memref<128xi32, #tpu.memory_space<vmem>>) semaphore(%arg9 : memref<!tpu.dma_semaphore, #tpu.memory_space<semaphore_mem>>) {add = true}
      %mul3A_40 = arith.constant 8 : i32
      %mul3A_41 = arith.muli %scan3A_20, %mul3A_40 : i32
      %add3A_42 = arith.constant 2 : i32
      %add3A_43 = arith.addi %mul3A_41, %add3A_42 : i32
      %dma_start3A_44 = arith.constant 0 : i32
      %dma_start3A_45 = tpu.memref_slice %arg7[%add3A_43, %dma_start3A_44] : memref<80x128xi32, #tpu.memory_space<vmem>> -> memref<1x128xi32, #tpu.memory_space<vmem>>
      %dma_start3A_46 = tpu.memref_squeeze %dma_start3A_45 : memref<1x128xi32, #tpu.memory_space<vmem>> -> memref<128xi32, #tpu.memory_space<vmem>>
      %dma_start3A_47 = arith.constant 0 : i32
      %dma_start3A_48 = arith.constant 0 : i32
      %dma_start3A_49 = tpu.memref_slice %arg6[%dma_start3A_47, %dma_start3A_48] : memref<5008x128xf32, #tpu.memory_space<vmem_shared>> -> memref<5008x128xf32, #tpu.memory_space<vmem_shared>>
      tpu.enqueue_indirect_dma source(%arg8 : memref<128x128xf32, #tpu.memory_space<vmem>>) target(%dma_start3A_49 : memref<5008x128xf32, #tpu.memory_space<vmem_shared>>) offsets(%dma_start3A_46 : memref<128xi32, #tpu.memory_space<vmem>>) semaphore(%arg9 : memref<!tpu.dma_semaphore, #tpu.memory_space<semaphore_mem>>) {add = true}
      %mul3A_50 = arith.constant 8 : i32
      %mul3A_51 = arith.muli %scan3A_20, %mul3A_50 : i32
      %add3A_52 = arith.constant 3 : i32
      %add3A_53 = arith.addi %mul3A_51, %add3A_52 : i32
      %dma_start3A_54 = arith.constant 0 : i32
      %dma_start3A_55 = tpu.memref_slice %arg7[%add3A_53, %dma_start3A_54] : memref<80x128xi32, #tpu.memory_space<vmem>> -> memref<1x128xi32, #tpu.memory_space<vmem>>
      %dma_start3A_56 = tpu.memref_squeeze %dma_start3A_55 : memref<1x128xi32, #tpu.memory_space<vmem>> -> memref<128xi32, #tpu.memory_space<vmem>>
      %dma_start3A_57 = arith.constant 0 : i32
      %dma_start3A_58 = arith.constant 0 : i32
      %dma_start3A_59 = tpu.memref_slice %arg6[%dma_start3A_57, %dma_start3A_58] : memref<5008x128xf32, #tpu.memory_space<vmem_shared>> -> memref<5008x128xf32, #tpu.memory_space<vmem_shared>>
      tpu.enqueue_indirect_dma source(%arg8 : memref<128x128xf32, #tpu.memory_space<vmem>>) target(%dma_start3A_59 : memref<5008x128xf32, #tpu.memory_space<vmem_shared>>) offsets(%dma_start3A_56 : memref<128xi32, #tpu.memory_space<vmem>>) semaphore(%arg9 : memref<!tpu.dma_semaphore, #tpu.memory_space<semaphore_mem>>) {add = true}
      %mul3A_60 = arith.constant 8 : i32
      %mul3A_61 = arith.muli %scan3A_20, %mul3A_60 : i32
      %add3A_62 = arith.constant 4 : i32
      %add3A_63 = arith.addi %mul3A_61, %add3A_62 : i32
      %dma_start3A_64 = arith.constant 0 : i32
      %dma_start3A_65 = tpu.memref_slice %arg7[%add3A_63, %dma_start3A_64] : memref<80x128xi32, #tpu.memory_space<vmem>> -> memref<1x128xi32, #tpu.memory_space<vmem>>
      %dma_start3A_66 = tpu.memref_squeeze %dma_start3A_65 : memref<1x128xi32, #tpu.memory_space<vmem>> -> memref<128xi32, #tpu.memory_space<vmem>>
      %dma_start3A_67 = arith.constant 0 : i32
      %dma_start3A_68 = arith.constant 0 : i32
      %dma_start3A_69 = tpu.memref_slice %arg6[%dma_start3A_67, %dma_start3A_68] : memref<5008x128xf32, #tpu.memory_space<vmem_shared>> -> memref<5008x128xf32, #tpu.memory_space<vmem_shared>>
      tpu.enqueue_indirect_dma source(%arg8 : memref<128x128xf32, #tpu.memory_space<vmem>>) target(%dma_start3A_69 : memref<5008x128xf32, #tpu.memory_space<vmem_shared>>) offsets(%dma_start3A_66 : memref<128xi32, #tpu.memory_space<vmem>>) semaphore(%arg9 : memref<!tpu.dma_semaphore, #tpu.memory_space<semaphore_mem>>) {add = true}
      %mul3A_70 = arith.constant 8 : i32
      %mul3A_71 = arith.muli %scan3A_20, %mul3A_70 : i32
      %add3A_72 = arith.constant 5 : i32
      %add3A_73 = arith.addi %mul3A_71, %add3A_72 : i32
      %dma_start3A_74 = arith.constant 0 : i32
      %dma_start3A_75 = tpu.memref_slice %arg7[%add3A_73, %dma_start3A_74] : memref<80x128xi32, #tpu.memory_space<vmem>> -> memref<1x128xi32, #tpu.memory_space<vmem>>
      %dma_start3A_76 = tpu.memref_squeeze %dma_start3A_75 : memref<1x128xi32, #tpu.memory_space<vmem>> -> memref<128xi32, #tpu.memory_space<vmem>>
      %dma_start3A_77 = arith.constant 0 : i32
      %dma_start3A_78 = arith.constant 0 : i32
      %dma_start3A_79 = tpu.memref_slice %arg6[%dma_start3A_77, %dma_start3A_78] : memref<5008x128xf32, #tpu.memory_space<vmem_shared>> -> memref<5008x128xf32, #tpu.memory_space<vmem_shared>>
      tpu.enqueue_indirect_dma source(%arg8 : memref<128x128xf32, #tpu.memory_space<vmem>>) target(%dma_start3A_79 : memref<5008x128xf32, #tpu.memory_space<vmem_shared>>) offsets(%dma_start3A_76 : memref<128xi32, #tpu.memory_space<vmem>>) semaphore(%arg9 : memref<!tpu.dma_semaphore, #tpu.memory_space<semaphore_mem>>) {add = true}
      %mul3A_80 = arith.constant 8 : i32
      %mul3A_81 = arith.muli %scan3A_20, %mul3A_80 : i32
      %add3A_82 = arith.constant 6 : i32
      %add3A_83 = arith.addi %mul3A_81, %add3A_82 : i32
      %dma_start3A_84 = arith.constant 0 : i32
      %dma_start3A_85 = tpu.memref_slice %arg7[%add3A_83, %dma_start3A_84] : memref<80x128xi32, #tpu.memory_space<vmem>> -> memref<1x128xi32, #tpu.memory_space<vmem>>
      %dma_start3A_86 = tpu.memref_squeeze %dma_start3A_85 : memref<1x128xi32, #tpu.memory_space<vmem>> -> memref<128xi32, #tpu.memory_space<vmem>>
      %dma_start3A_87 = arith.constant 0 : i32
      %dma_start3A_88 = arith.constant 0 : i32
      %dma_start3A_89 = tpu.memref_slice %arg6[%dma_start3A_87, %dma_start3A_88] : memref<5008x128xf32, #tpu.memory_space<vmem_shared>> -> memref<5008x128xf32, #tpu.memory_space<vmem_shared>>
      tpu.enqueue_indirect_dma source(%arg8 : memref<128x128xf32, #tpu.memory_space<vmem>>) target(%dma_start3A_89 : memref<5008x128xf32, #tpu.memory_space<vmem_shared>>) offsets(%dma_start3A_86 : memref<128xi32, #tpu.memory_space<vmem>>) semaphore(%arg9 : memref<!tpu.dma_semaphore, #tpu.memory_space<semaphore_mem>>) {add = true}
      %mul3A_90 = arith.constant 8 : i32
      %mul3A_91 = arith.muli %scan3A_20, %mul3A_90 : i32
      %add3A_92 = arith.constant 7 : i32
      %add3A_93 = arith.addi %mul3A_91, %add3A_92 : i32
      %dma_start3A_94 = arith.constant 0 : i32
      %dma_start3A_95 = tpu.memref_slice %arg7[%add3A_93, %dma_start3A_94] : memref<80x128xi32, #tpu.memory_space<vmem>> -> memref<1x128xi32, #tpu.memory_space<vmem>>
      %dma_start3A_96 = tpu.memref_squeeze %dma_start3A_95 : memref<1x128xi32, #tpu.memory_space<vmem>> -> memref<128xi32, #tpu.memory_space<vmem>>
      %dma_start3A_97 = arith.constant 0 : i32
      %dma_start3A_98 = arith.constant 0 : i32
      %dma_start3A_99 = tpu.memref_slice %arg6[%dma_start3A_97, %dma_start3A_98] : memref<5008x128xf32, #tpu.memory_space<vmem_shared>> -> memref<5008x128xf32, #tpu.memory_space<vmem_shared>>
      tpu.enqueue_indirect_dma source(%arg8 : memref<128x128xf32, #tpu.memory_space<vmem>>) target(%dma_start3A_99 : memref<5008x128xf32, #tpu.memory_space<vmem_shared>>) offsets(%dma_start3A_96 : memref<128xi32, #tpu.memory_space<vmem>>) semaphore(%arg9 : memref<!tpu.dma_semaphore, #tpu.memory_space<semaphore_mem>>) {add = true}
      %mul3A_100 = arith.constant 8 : i32
      %mul3A_101 = arith.muli %scan3A_20, %mul3A_100 : i32
      %add3A_102 = arith.constant 0 : i32
      %add3A_103 = arith.addi %mul3A_101, %add3A_102 : i32
      %dma_wait3A = arith.constant 0 : i32
      %dma_wait3A_104 = tpu.memref_slice %arg7[%add3A_103, %dma_wait3A] : memref<80x128xi32, #tpu.memory_space<vmem>> -> memref<1x128xi32, #tpu.memory_space<vmem>>
      %dma_wait3A_105 = tpu.memref_squeeze %dma_wait3A_104 : memref<1x128xi32, #tpu.memory_space<vmem>> -> memref<128xi32, #tpu.memory_space<vmem>>
      %dma_wait3A_106 = arith.constant 0 : i32
      %dma_wait3A_107 = arith.constant 0 : i32
      %dma_wait3A_108 = tpu.memref_slice %arg6[%dma_wait3A_106, %dma_wait3A_107] : memref<5008x128xf32, #tpu.memory_space<vmem_shared>> -> memref<5008x128xf32, #tpu.memory_space<vmem_shared>>
      tpu.wait_indirect_dma semaphore(%arg9 : memref<!tpu.dma_semaphore, #tpu.memory_space<semaphore_mem>>) src(%arg8 : memref<128x128xf32, #tpu.memory_space<vmem>>) dst(%dma_wait3A_108 : memref<5008x128xf32, #tpu.memory_space<vmem_shared>>)
      %mul3A_109 = arith.constant 8 : i32
      %mul3A_110 = arith.muli %scan3A_20, %mul3A_109 : i32
      %add3A_111 = arith.constant 1 : i32
      %add3A_112 = arith.addi %mul3A_110, %add3A_111 : i32
      %dma_wait3A_113 = arith.constant 0 : i32
      %dma_wait3A_114 = tpu.memref_slice %arg7[%add3A_112, %dma_wait3A_113] : memref<80x128xi32, #tpu.memory_space<vmem>> -> memref<1x128xi32, #tpu.memory_space<vmem>>
      %dma_wait3A_115 = tpu.memref_squeeze %dma_wait3A_114 : memref<1x128xi32, #tpu.memory_space<vmem>> -> memref<128xi32, #tpu.memory_space<vmem>>
      %dma_wait3A_116 = arith.constant 0 : i32
      %dma_wait3A_117 = arith.constant 0 : i32
      %dma_wait3A_118 = tpu.memref_slice %arg6[%dma_wait3A_116, %dma_wait3A_117] : memref<5008x128xf32, #tpu.memory_space<vmem_shared>> -> memref<5008x128xf32, #tpu.memory_space<vmem_shared>>
      tpu.wait_indirect_dma semaphore(%arg9 : memref<!tpu.dma_semaphore, #tpu.memory_space<semaphore_mem>>) src(%arg8 : memref<128x128xf32, #tpu.memory_space<vmem>>) dst(%dma_wait3A_118 : memref<5008x128xf32, #tpu.memory_space<vmem_shared>>)
      %mul3A_119 = arith.constant 8 : i32
      %mul3A_120 = arith.muli %scan3A_20, %mul3A_119 : i32
      %add3A_121 = arith.constant 2 : i32
      %add3A_122 = arith.addi %mul3A_120, %add3A_121 : i32
      %dma_wait3A_123 = arith.constant 0 : i32
      %dma_wait3A_124 = tpu.memref_slice %arg7[%add3A_122, %dma_wait3A_123] : memref<80x128xi32, #tpu.memory_space<vmem>> -> memref<1x128xi32, #tpu.memory_space<vmem>>
      %dma_wait3A_125 = tpu.memref_squeeze %dma_wait3A_124 : memref<1x128xi32, #tpu.memory_space<vmem>> -> memref<128xi32, #tpu.memory_space<vmem>>
      %dma_wait3A_126 = arith.constant 0 : i32
      %dma_wait3A_127 = arith.constant 0 : i32
      %dma_wait3A_128 = tpu.memref_slice %arg6[%dma_wait3A_126, %dma_wait3A_127] : memref<5008x128xf32, #tpu.memory_space<vmem_shared>> -> memref<5008x128xf32, #tpu.memory_space<vmem_shared>>
      tpu.wait_indirect_dma semaphore(%arg9 : memref<!tpu.dma_semaphore, #tpu.memory_space<semaphore_mem>>) src(%arg8 : memref<128x128xf32, #tpu.memory_space<vmem>>) dst(%dma_wait3A_128 : memref<5008x128xf32, #tpu.memory_space<vmem_shared>>)
      %mul3A_129 = arith.constant 8 : i32
      %mul3A_130 = arith.muli %scan3A_20, %mul3A_129 : i32
      %add3A_131 = arith.constant 3 : i32
      %add3A_132 = arith.addi %mul3A_130, %add3A_131 : i32
      %dma_wait3A_133 = arith.constant 0 : i32
      %dma_wait3A_134 = tpu.memref_slice %arg7[%add3A_132, %dma_wait3A_133] : memref<80x128xi32, #tpu.memory_space<vmem>> -> memref<1x128xi32, #tpu.memory_space<vmem>>
      %dma_wait3A_135 = tpu.memref_squeeze %dma_wait3A_134 : memref<1x128xi32, #tpu.memory_space<vmem>> -> memref<128xi32, #tpu.memory_space<vmem>>
      %dma_wait3A_136 = arith.constant 0 : i32
      %dma_wait3A_137 = arith.constant 0 : i32
      %dma_wait3A_138 = tpu.memref_slice %arg6[%dma_wait3A_136, %dma_wait3A_137] : memref<5008x128xf32, #tpu.memory_space<vmem_shared>> -> memref<5008x128xf32, #tpu.memory_space<vmem_shared>>
      tpu.wait_indirect_dma semaphore(%arg9 : memref<!tpu.dma_semaphore, #tpu.memory_space<semaphore_mem>>) src(%arg8 : memref<128x128xf32, #tpu.memory_space<vmem>>) dst(%dma_wait3A_138 : memref<5008x128xf32, #tpu.memory_space<vmem_shared>>)
      %mul3A_139 = arith.constant 8 : i32
      %mul3A_140 = arith.muli %scan3A_20, %mul3A_139 : i32
      %add3A_141 = arith.constant 4 : i32
      %add3A_142 = arith.addi %mul3A_140, %add3A_141 : i32
      %dma_wait3A_143 = arith.constant 0 : i32
      %dma_wait3A_144 = tpu.memref_slice %arg7[%add3A_142, %dma_wait3A_143] : memref<80x128xi32, #tpu.memory_space<vmem>> -> memref<1x128xi32, #tpu.memory_space<vmem>>
      %dma_wait3A_145 = tpu.memref_squeeze %dma_wait3A_144 : memref<1x128xi32, #tpu.memory_space<vmem>> -> memref<128xi32, #tpu.memory_space<vmem>>
      %dma_wait3A_146 = arith.constant 0 : i32
      %dma_wait3A_147 = arith.constant 0 : i32
      %dma_wait3A_148 = tpu.memref_slice %arg6[%dma_wait3A_146, %dma_wait3A_147] : memref<5008x128xf32, #tpu.memory_space<vmem_shared>> -> memref<5008x128xf32, #tpu.memory_space<vmem_shared>>
      tpu.wait_indirect_dma semaphore(%arg9 : memref<!tpu.dma_semaphore, #tpu.memory_space<semaphore_mem>>) src(%arg8 : memref<128x128xf32, #tpu.memory_space<vmem>>) dst(%dma_wait3A_148 : memref<5008x128xf32, #tpu.memory_space<vmem_shared>>)
      %mul3A_149 = arith.constant 8 : i32
      %mul3A_150 = arith.muli %scan3A_20, %mul3A_149 : i32
      %add3A_151 = arith.constant 5 : i32
      %add3A_152 = arith.addi %mul3A_150, %add3A_151 : i32
      %dma_wait3A_153 = arith.constant 0 : i32
      %dma_wait3A_154 = tpu.memref_slice %arg7[%add3A_152, %dma_wait3A_153] : memref<80x128xi32, #tpu.memory_space<vmem>> -> memref<1x128xi32, #tpu.memory_space<vmem>>
      %dma_wait3A_155 = tpu.memref_squeeze %dma_wait3A_154 : memref<1x128xi32, #tpu.memory_space<vmem>> -> memref<128xi32, #tpu.memory_space<vmem>>
      %dma_wait3A_156 = arith.constant 0 : i32
      %dma_wait3A_157 = arith.constant 0 : i32
      %dma_wait3A_158 = tpu.memref_slice %arg6[%dma_wait3A_156, %dma_wait3A_157] : memref<5008x128xf32, #tpu.memory_space<vmem_shared>> -> memref<5008x128xf32, #tpu.memory_space<vmem_shared>>
      tpu.wait_indirect_dma semaphore(%arg9 : memref<!tpu.dma_semaphore, #tpu.memory_space<semaphore_mem>>) src(%arg8 : memref<128x128xf32, #tpu.memory_space<vmem>>) dst(%dma_wait3A_158 : memref<5008x128xf32, #tpu.memory_space<vmem_shared>>)
      %mul3A_159 = arith.constant 8 : i32
      %mul3A_160 = arith.muli %scan3A_20, %mul3A_159 : i32
      %add3A_161 = arith.constant 6 : i32
      %add3A_162 = arith.addi %mul3A_160, %add3A_161 : i32
      %dma_wait3A_163 = arith.constant 0 : i32
      %dma_wait3A_164 = tpu.memref_slice %arg7[%add3A_162, %dma_wait3A_163] : memref<80x128xi32, #tpu.memory_space<vmem>> -> memref<1x128xi32, #tpu.memory_space<vmem>>
      %dma_wait3A_165 = tpu.memref_squeeze %dma_wait3A_164 : memref<1x128xi32, #tpu.memory_space<vmem>> -> memref<128xi32, #tpu.memory_space<vmem>>
      %dma_wait3A_166 = arith.constant 0 : i32
      %dma_wait3A_167 = arith.constant 0 : i32
      %dma_wait3A_168 = tpu.memref_slice %arg6[%dma_wait3A_166, %dma_wait3A_167] : memref<5008x128xf32, #tpu.memory_space<vmem_shared>> -> memref<5008x128xf32, #tpu.memory_space<vmem_shared>>
      tpu.wait_indirect_dma semaphore(%arg9 : memref<!tpu.dma_semaphore, #tpu.memory_space<semaphore_mem>>) src(%arg8 : memref<128x128xf32, #tpu.memory_space<vmem>>) dst(%dma_wait3A_168 : memref<5008x128xf32, #tpu.memory_space<vmem_shared>>)
      %mul3A_169 = arith.constant 8 : i32
      %mul3A_170 = arith.muli %scan3A_20, %mul3A_169 : i32
      %add3A_171 = arith.constant 7 : i32
      %add3A_172 = arith.addi %mul3A_170, %add3A_171 : i32
      %dma_wait3A_173 = arith.constant 0 : i32
      %dma_wait3A_174 = tpu.memref_slice %arg7[%add3A_172, %dma_wait3A_173] : memref<80x128xi32, #tpu.memory_space<vmem>> -> memref<1x128xi32, #tpu.memory_space<vmem>>
      %dma_wait3A_175 = tpu.memref_squeeze %dma_wait3A_174 : memref<1x128xi32, #tpu.memory_space<vmem>> -> memref<128xi32, #tpu.memory_space<vmem>>
      %dma_wait3A_176 = arith.constant 0 : i32
      %dma_wait3A_177 = arith.constant 0 : i32
      %dma_wait3A_178 = tpu.memref_slice %arg6[%dma_wait3A_176, %dma_wait3A_177] : memref<5008x128xf32, #tpu.memory_space<vmem_shared>> -> memref<5008x128xf32, #tpu.memory_space<vmem_shared>>
      tpu.wait_indirect_dma semaphore(%arg9 : memref<!tpu.dma_semaphore, #tpu.memory_space<semaphore_mem>>) src(%arg8 : memref<128x128xf32, #tpu.memory_space<vmem>>) dst(%dma_wait3A_178 : memref<5008x128xf32, #tpu.memory_space<vmem_shared>>)
    }
    %scan3A_11 = arith.constant 10 : i32
    %barrier3A_12 = arith.constant 0 : index
    tpu.barrier barrier_id(%barrier3A_12)
    %add3A_13 = arith.addi %mul3A_2, %multiple_of3A : i32
    %multiple_of3A_14 = tpu.assume_multiple %add3A_13, 8 : i32
    "tpu.region"() ({
      %run_scoped3A = tpu.sem_alloc : memref<!tpu.dma_semaphore, #tpu.memory_space<semaphore_mem>>
      %dma_start3A = arith.constant 0 : i32
      %dma_start3A_20 = tpu.memref_slice %arg5[%multiple_of3A_14, %dma_start3A] : memref<10000x128xf32, #tpu.memory_space<hbm>> -> memref<312x128xf32, #tpu.memory_space<hbm>>
      %dma_start3A_21 = arith.constant 0 : i32
      %dma_start3A_22 = tpu.memref_slice %arg6[%multiple_of3A, %dma_start3A_21] : memref<5008x128xf32, #tpu.memory_space<vmem_shared>> -> memref<312x128xf32, #tpu.memory_space<vmem_shared>>
      tpu.enqueue_dma source(%dma_start3A_22 : memref<312x128xf32, #tpu.memory_space<vmem_shared>>) target(%dma_start3A_20 : memref<312x128xf32, #tpu.memory_space<hbm>>) target_semaphore(%run_scoped3A : memref<!tpu.dma_semaphore, #tpu.memory_space<semaphore_mem>>)
      %dma_wait3A = arith.constant 0 : i32
      %dma_wait3A_23 = tpu.memref_slice %arg5[%multiple_of3A_14, %dma_wait3A] : memref<10000x128xf32, #tpu.memory_space<hbm>> -> memref<312x128xf32, #tpu.memory_space<hbm>>
      %dma_wait3A_24 = arith.constant 0 : i32
      %dma_wait3A_25 = tpu.memref_slice %arg6[%multiple_of3A, %dma_wait3A_24] : memref<5008x128xf32, #tpu.memory_space<vmem_shared>> -> memref<312x128xf32, #tpu.memory_space<vmem_shared>>
      tpu.wait_dma2 semaphore(%run_scoped3A : memref<!tpu.dma_semaphore, #tpu.memory_space<semaphore_mem>>) src(%dma_wait3A_25 : memref<312x128xf32, #tpu.memory_space<vmem_shared>>) dst(%dma_wait3A_23 : memref<312x128xf32, #tpu.memory_space<hbm>>)
      tpu.yield
    }) : () -> ()
    %eq3A_15 = arith.constant 0 : i32
    %eq3A_16 = arith.cmpi eq, %arg1, %eq3A_15 : i32
    %convert_element_type3A_17 = arith.extui %eq3A_16 : i1 to i32
    %cond3A_18 = arith.constant 0 : i32
    %cond3A_19 = arith.cmpi ne, %convert_element_type3A_17, %cond3A_18 : i32
    scf.if %cond3A_19 {
      %add3A_20 = arith.constant 4992 : i32
      %add3A_21 = arith.addi %mul3A_2, %add3A_20 : i32
      %multiple_of3A_22 = tpu.assume_multiple %add3A_21, 8 : i32
      "tpu.region"() ({
        %run_scoped3A = tpu.sem_alloc : memref<!tpu.dma_semaphore, #tpu.memory_space<semaphore_mem>>
        %dma_start3A = arith.constant 0 : i32
        %dma_start3A_23 = tpu.memref_slice %arg5[%multiple_of3A_22, %dma_start3A] : memref<10000x128xf32, #tpu.memory_space<hbm>> -> memref<8x128xf32, #tpu.memory_space<hbm>>
        %dma_start3A_24 = arith.constant 4992 : i32
        %dma_start3A_25 = arith.constant 0 : i32
        %dma_start3A_26 = tpu.memref_slice %arg6[%dma_start3A_24, %dma_start3A_25] : memref<5008x128xf32, #tpu.memory_space<vmem_shared>> -> memref<8x128xf32, #tpu.memory_space<vmem_shared>>
        tpu.enqueue_dma source(%dma_start3A_26 : memref<8x128xf32, #tpu.memory_space<vmem_shared>>) target(%dma_start3A_23 : memref<8x128xf32, #tpu.memory_space<hbm>>) target_semaphore(%run_scoped3A : memref<!tpu.dma_semaphore, #tpu.memory_space<semaphore_mem>>)
        %dma_wait3A = arith.constant 0 : i32
        %dma_wait3A_27 = tpu.memref_slice %arg5[%multiple_of3A_22, %dma_wait3A] : memref<10000x128xf32, #tpu.memory_space<hbm>> -> memref<8x128xf32, #tpu.memory_space<hbm>>
        %dma_wait3A_28 = arith.constant 4992 : i32
        %dma_wait3A_29 = arith.constant 0 : i32
        %dma_wait3A_30 = tpu.memref_slice %arg6[%dma_wait3A_28, %dma_wait3A_29] : memref<5008x128xf32, #tpu.memory_space<vmem_shared>> -> memref<8x128xf32, #tpu.memory_space<vmem_shared>>
        tpu.wait_dma2 semaphore(%run_scoped3A : memref<!tpu.dma_semaphore, #tpu.memory_space<semaphore_mem>>) src(%dma_wait3A_30 : memref<8x128xf32, #tpu.memory_space<vmem_shared>>) dst(%dma_wait3A_27 : memref<8x128xf32, #tpu.memory_space<hbm>>)
        tpu.yield
      }) : () -> ()
    } else {
    }
    return
  }
}

module attributes {stable_mosaic.version = 14 : i64} {
  func.func @_h0_body(%arg0: i32, %arg1: memref<2000x1xf32, #tpu.memory_space<vmem>>, %arg2: memref<2000x1xf32, #tpu.memory_space<vmem>>, %arg3: memref<1x128xf32, #tpu.memory_space<vmem>>, %arg4: memref<1x128xf32, #tpu.memory_space<vmem>>, %arg5: memref<1x128xf32, #tpu.memory_space<vmem>>, %arg6: memref<2000x128xf32, #tpu.memory_space<vmem>>) attributes {dimension_semantics = [#tpu.dimension_semantics<arbitrary>], iteration_bounds = array<i64: 5>, scalar_prefetch = 0 : i64, scratch_operands = 0 : i64, tpu.core_type = #tpu.core_type<tc>, window_params = [{transform_indices = @transform_0, window_bounds = array<i64: 2000, 1>}, {transform_indices = @transform_1, window_bounds = array<i64: 2000, 1>}, {pipeline_mode = #tpu.pipeline_mode<synchronous>, transform_indices = @transform_2, window_bounds = array<i64: 1, 128>}, {pipeline_mode = #tpu.pipeline_mode<synchronous>, transform_indices = @transform_3, window_bounds = array<i64: 1, 128>}, {pipeline_mode = #tpu.pipeline_mode<synchronous>, transform_indices = @transform_4, window_bounds = array<i64: 1, 128>}, {transform_indices = @transform_5, window_bounds = array<i64: 2000, 128>}]} {
    %get3A = arith.constant 0 : index
    %get3A_0 = arith.constant 0 : index
    %get3A_1 = vector.load %arg1[%get3A, %get3A_0] : memref<2000x1xf32, #tpu.memory_space<vmem>>, vector<2000x1xf32>
    %convert_element_type3A = arith.truncf %get3A_1 : vector<2000x1xf32> to vector<2000x1xbf16>
    %convert_element_type3A_2 = arith.extf %convert_element_type3A : vector<2000x1xbf16> to vector<2000x1xf32>
    %get3A_3 = arith.constant 0 : index
    %get3A_4 = arith.constant 0 : index
    %get3A_5 = vector.load %arg3[%get3A_3, %get3A_4] : memref<1x128xf32, #tpu.memory_space<vmem>>, vector<1x128xf32>
    %convert_element_type3A_6 = arith.truncf %get3A_5 : vector<1x128xf32> to vector<1x128xbf16>
    %convert_element_type3A_7 = arith.extf %convert_element_type3A_6 : vector<1x128xbf16> to vector<1x128xf32>
    %mul3A = vector.broadcast %convert_element_type3A_2 : vector<2000x1xf32> to vector<2000x128xf32>
    %mul3A_8 = vector.broadcast %convert_element_type3A_7 : vector<1x128xf32> to vector<2000x128xf32>
    %mul3A_9 = arith.mulf %mul3A, %mul3A_8 : vector<2000x128xf32>
    %get3A_10 = arith.constant 0 : index
    %get3A_11 = arith.constant 0 : index
    %get3A_12 = vector.load %arg2[%get3A_10, %get3A_11] : memref<2000x1xf32, #tpu.memory_space<vmem>>, vector<2000x1xf32>
    %convert_element_type3A_13 = arith.truncf %get3A_12 : vector<2000x1xf32> to vector<2000x1xbf16>
    %convert_element_type3A_14 = arith.extf %convert_element_type3A_13 : vector<2000x1xbf16> to vector<2000x1xf32>
    %get3A_15 = arith.constant 0 : index
    %get3A_16 = arith.constant 0 : index
    %get3A_17 = vector.load %arg4[%get3A_15, %get3A_16] : memref<1x128xf32, #tpu.memory_space<vmem>>, vector<1x128xf32>
    %convert_element_type3A_18 = arith.truncf %get3A_17 : vector<1x128xf32> to vector<1x128xbf16>
    %convert_element_type3A_19 = arith.extf %convert_element_type3A_18 : vector<1x128xbf16> to vector<1x128xf32>
    %mul3A_20 = vector.broadcast %convert_element_type3A_14 : vector<2000x1xf32> to vector<2000x128xf32>
    %mul3A_21 = vector.broadcast %convert_element_type3A_19 : vector<1x128xf32> to vector<2000x128xf32>
    %mul3A_22 = arith.mulf %mul3A_20, %mul3A_21 : vector<2000x128xf32>
    %add3A = arith.addf %mul3A_9, %mul3A_22 : vector<2000x128xf32>
    %get3A_23 = arith.constant 0 : index
    %get3A_24 = arith.constant 0 : index
    %get3A_25 = vector.load %arg5[%get3A_23, %get3A_24] : memref<1x128xf32, #tpu.memory_space<vmem>>, vector<1x128xf32>
    %add3A_26 = vector.broadcast %get3A_25 : vector<1x128xf32> to vector<2000x128xf32>
    %add3A_27 = arith.addf %add3A, %add3A_26 : vector<2000x128xf32>
    %swap3A = arith.constant 0 : index
    %swap3A_28 = arith.constant 0 : index
    %swap3A_29 = vector.load %arg6[%swap3A, %swap3A_28] : memref<2000x128xf32, #tpu.memory_space<vmem>>, vector<2000x128xf32>
    tpu.vector_store %arg6[%swap3A, %swap3A_28], %add3A_27 {strides = array<i32>} : memref<2000x128xf32, #tpu.memory_space<vmem>>, vector<2000x128xf32>,
    return
  }
  func.func @transform_0(%arg0: i32) -> (i32, i32) {
    %c0_i32 = arith.constant 0 : i32
    %c0_i32_0 = arith.constant 0 : i32
    return %arg0, %c0_i32 : i32, i32
  }
  func.func @transform_1(%arg0: i32) -> (i32, i32) {
    %c0_i32 = arith.constant 0 : i32
    %c0_i32_0 = arith.constant 0 : i32
    return %arg0, %c0_i32 : i32, i32
  }
  func.func @transform_2(%arg0: i32) -> (i32, i32) {
    %c0_i32 = arith.constant 0 : i32
    %c0_i32_0 = arith.constant 0 : i32
    %c0_i32_1 = arith.constant 0 : i32
    return %c0_i32, %c0_i32_0 : i32, i32
  }
  func.func @transform_3(%arg0: i32) -> (i32, i32) {
    %c0_i32 = arith.constant 0 : i32
    %c0_i32_0 = arith.constant 0 : i32
    %c0_i32_1 = arith.constant 0 : i32
    return %c0_i32, %c0_i32_0 : i32, i32
  }
  func.func @transform_4(%arg0: i32) -> (i32, i32) {
    %c0_i32 = arith.constant 0 : i32
    %c0_i32_0 = arith.constant 0 : i32
    %c0_i32_1 = arith.constant 0 : i32
    return %c0_i32, %c0_i32_0 : i32, i32
  }
  func.func @transform_5(%arg0: i32) -> (i32, i32) {
    %c0_i32 = arith.constant 0 : i32
    %c0_i32_0 = arith.constant 0 : i32
    return %arg0, %c0_i32 : i32, i32
  }
}

module attributes {stable_mosaic.version = 14 : i64} {
  func.func @_upd_body(%arg0: i32, %arg1: memref<2000x128xf32, #tpu.memory_space<vmem>>, %arg2: memref<2000x128xf32, #tpu.memory_space<vmem>>, %arg3: memref<2000x128xf32, #tpu.memory_space<vmem>>, %arg4: memref<128x128xf32, #tpu.memory_space<vmem>>, %arg5: memref<1x128xf32, #tpu.memory_space<vmem>>, %arg6: memref<2000x128xf32, #tpu.memory_space<vmem>>) attributes {dimension_semantics = [#tpu.dimension_semantics<arbitrary>], iteration_bounds = array<i64: 5>, scalar_prefetch = 0 : i64, scratch_operands = 0 : i64, tpu.core_type = #tpu.core_type<tc>, window_params = [{transform_indices = @transform_0, window_bounds = array<i64: 2000, 128>}, {transform_indices = @transform_1, window_bounds = array<i64: 2000, 128>}, {transform_indices = @transform_2, window_bounds = array<i64: 2000, 128>}, {pipeline_mode = #tpu.pipeline_mode<synchronous>, transform_indices = @transform_3, window_bounds = array<i64: 128, 128>}, {pipeline_mode = #tpu.pipeline_mode<synchronous>, transform_indices = @transform_4, window_bounds = array<i64: 1, 128>}, {transform_indices = @transform_5, window_bounds = array<i64: 2000, 128>}]} {
    %get3A = arith.constant 0 : index
    %get3A_0 = arith.constant 0 : index
    %get3A_1 = vector.load %arg3[%get3A, %get3A_0] : memref<2000x128xf32, #tpu.memory_space<vmem>>, vector<2000x128xf32>
    %reduce_max3A = arith.constant dense<0xFF800000> : vector<2000xf32>
    %reduce_max3A_2 = vector.multi_reduction <maximumf>, %get3A_1, %reduce_max3A [1] : vector<2000x128xf32> to vector<2000xf32>
    %broadcast_in_dim3A = vector.shape_cast %reduce_max3A_2 : vector<2000xf32> to vector<2000x1xf32>
    %max3A = arith.constant 1.000000e+00 : f32
    %max3A_3 = vector.broadcast %max3A : f32 to vector<2000x1xf32>
    %max3A_4 = arith.maximumf %broadcast_in_dim3A, %max3A_3 : vector<2000x1xf32>
    %get3A_5 = arith.constant 0 : index
    %get3A_6 = arith.constant 0 : index
    %get3A_7 = vector.load %arg2[%get3A_5, %get3A_6] : memref<2000x128xf32, #tpu.memory_space<vmem>>, vector<2000x128xf32>
    %div3A = vector.broadcast %max3A_4 : vector<2000x1xf32> to vector<2000x128xf32>
    %div3A_8 = arith.divf %get3A_7, %div3A : vector<2000x128xf32>
    %get3A_9 = arith.constant 0 : index
    %get3A_10 = arith.constant 0 : index
    %get3A_11 = vector.load %arg1[%get3A_9, %get3A_10] : memref<2000x128xf32, #tpu.memory_space<vmem>>, vector<2000x128xf32>
    %convert_element_type3A = arith.truncf %div3A_8 : vector<2000x128xf32> to vector<2000x128xbf16>
    %get3A_12 = arith.constant 0 : index
    %get3A_13 = arith.constant 0 : index
    %get3A_14 = vector.load %arg4[%get3A_12, %get3A_13] : memref<128x128xf32, #tpu.memory_space<vmem>>, vector<128x128xf32>
    %convert_element_type3A_15 = arith.truncf %get3A_14 : vector<128x128xf32> to vector<128x128xbf16>
    %dot_general3A = arith.constant dense<0.000000e+00> : vector<2000x128xf32>
    %dot_general3A_16 = tpu.matmul %convert_element_type3A, %convert_element_type3A_15, %dot_general3A {dimension_numbers = #tpu.dot_dimension_numbers<[1], [0], [0], [1], [0, 0, 1, 1], [], []>, transpose_lhs_hint = false} : vector<2000x128xbf16>, vector<128x128xbf16>, vector<2000x128xf32> -> vector<2000x128xf32>
    %get3A_17 = arith.constant 0 : index
    %get3A_18 = arith.constant 0 : index
    %get3A_19 = vector.load %arg5[%get3A_17, %get3A_18] : memref<1x128xf32, #tpu.memory_space<vmem>>, vector<1x128xf32>
    %add3A = vector.broadcast %get3A_19 : vector<1x128xf32> to vector<2000x128xf32>
    %add3A_20 = arith.addf %dot_general3A_16, %add3A : vector<2000x128xf32>
    %max3A_21 = arith.constant 0.000000e+00 : f32
    %max3A_22 = vector.broadcast %max3A_21 : f32 to vector<2000x128xf32>
    %max3A_23 = arith.maximumf %add3A_20, %max3A_22 : vector<2000x128xf32>
    %mul3A = arith.constant 1.000000e-01 : f32
    %mul3A_24 = vector.broadcast %mul3A : f32 to vector<2000x128xf32>
    %mul3A_25 = arith.mulf %mul3A_24, %max3A_23 : vector<2000x128xf32>
    %add3A_26 = arith.addf %get3A_11, %mul3A_25 : vector<2000x128xf32>
    %swap3A = arith.constant 0 : index
    %swap3A_27 = arith.constant 0 : index
    %swap3A_28 = vector.load %arg6[%swap3A, %swap3A_27] : memref<2000x128xf32, #tpu.memory_space<vmem>>, vector<2000x128xf32>
    tpu.vector_store %arg6[%swap3A, %swap3A_27], %add3A_26 {strides = array<i32>} : memref<2000x128xf32, #tpu.memory_space<vmem>>, vector<2000x128xf32>,
    return
  }
  func.func @transform_0(%arg0: i32) -> (i32, i32) {
    %c0_i32 = arith.constant 0 : i32
    %c0_i32_0 = arith.constant 0 : i32
    return %arg0, %c0_i32 : i32, i32
  }
  func.func @transform_1(%arg0: i32) -> (i32, i32) {
    %c0_i32 = arith.constant 0 : i32
    %c0_i32_0 = arith.constant 0 : i32
    return %arg0, %c0_i32 : i32, i32
  }
  func.func @transform_2(%arg0: i32) -> (i32, i32) {
    %c0_i32 = arith.constant 0 : i32
    %c0_i32_0 = arith.constant 0 : i32
    return %arg0, %c0_i32 : i32, i32
  }
  func.func @transform_3(%arg0: i32) -> (i32, i32) {
    %c0_i32 = arith.constant 0 : i32
    %c0_i32_0 = arith.constant 0 : i32
    %c0_i32_1 = arith.constant 0 : i32
    return %c0_i32, %c0_i32_0 : i32, i32
  }
  func.func @transform_4(%arg0: i32) -> (i32, i32) {
    %c0_i32 = arith.constant 0 : i32
    %c0_i32_0 = arith.constant 0 : i32
    %c0_i32_1 = arith.constant 0 : i32
    return %c0_i32, %c0_i32_0 : i32, i32
  }
  func.func @transform_5(%arg0: i32) -> (i32, i32) {
    %c0_i32 = arith.constant 0 : i32
    %c0_i32_0 = arith.constant 0 : i32
    return %arg0, %c0_i32 : i32, i32
  }
}

module attributes {stable_mosaic.version = 14 : i64} {
  func.func @_head_body(%arg0: memref<10000x128xf32, #tpu.memory_space<vmem>>, %arg1: memref<128x64xf32, #tpu.memory_space<vmem>>, %arg2: memref<1x64xf32, #tpu.memory_space<vmem>>, %arg3: memref<64x64xf32, #tpu.memory_space<vmem>>, %arg4: memref<1x64xf32, #tpu.memory_space<vmem>>, %arg5: memref<64x1xf32, #tpu.memory_space<vmem>>, %arg6: memref<1x1xf32, #tpu.memory_space<vmem>>, %arg7: memref<4x1xf32, #tpu.memory_space<vmem>>, %arg8: memref<1x1xf32, #tpu.memory_space<vmem>>) attributes {dimension_semantics = [], scalar_prefetch = 0 : i64, scratch_operands = 0 : i64, tpu.core_type = #tpu.core_type<tc>} {
    %get3A = arith.constant 0 : index
    %get3A_0 = arith.constant 0 : index
    %get3A_1 = vector.load %arg0[%get3A, %get3A_0] : memref<10000x128xf32, #tpu.memory_space<vmem>>, vector<10000x128xf32>
    %iota3A = tpu.iota {dimensions = array<i32: 0>} : vector<8x10000xi32>
    %iota3A_2 = tpu.iota {dimensions = array<i32: 1>} : vector<8x10000xi32>
    %jit3A = arith.constant 1250 : i32
    %div3A = vector.broadcast %jit3A : i32 to vector<8x10000xi32>
    %div3A_3 = arith.divsi %iota3A_2, %div3A : vector<8x10000xi32>
    %sign3A = arith.constant 0 : i32
    %sign3A_4 = vector.broadcast %sign3A : i32 to vector<8x10000xi32>
    %sign3A_5 = arith.cmpi sgt, %iota3A_2, %sign3A_4 : vector<8x10000xi32>
    %sign3A_6 = arith.extui %sign3A_5 : vector<8x10000xi1> to vector<8x10000xi32>
    %sign3A_7 = arith.constant 0 : i32
    %sign3A_8 = vector.broadcast %sign3A_7 : i32 to vector<8x10000xi32>
    %sign3A_9 = arith.cmpi slt, %iota3A_2, %sign3A_8 : vector<8x10000xi32>
    %sign3A_10 = arith.extui %sign3A_9 : vector<8x10000xi1> to vector<8x10000xi32>
    %sign3A_11 = arith.subi %sign3A_6, %sign3A_10 : vector<8x10000xi32>
    %sign3A_12 = arith.constant 0 : i32
    %sign3A_13 = arith.cmpi sgt, %jit3A, %sign3A_12 : i32
    %sign3A_14 = arith.extui %sign3A_13 : i1 to i32
    %sign3A_15 = arith.constant 0 : i32
    %sign3A_16 = arith.cmpi slt, %jit3A, %sign3A_15 : i32
    %sign3A_17 = arith.extui %sign3A_16 : i1 to i32
    %sign3A_18 = arith.subi %sign3A_14, %sign3A_17 : i32
    %ne3A = vector.broadcast %sign3A_18 : i32 to vector<8x10000xi32>
    %ne3A_19 = arith.cmpi ne, %sign3A_11, %ne3A : vector<8x10000xi32>
    %rem3A = vector.broadcast %jit3A : i32 to vector<8x10000xi32>
    %rem3A_20 = arith.remsi %iota3A_2, %rem3A : vector<8x10000xi32>
    %ne3A_21 = arith.constant 0 : i32
    %ne3A_22 = vector.broadcast %ne3A_21 : i32 to vector<8x10000xi32>
    %ne3A_23 = arith.cmpi ne, %rem3A_20, %ne3A_22 : vector<8x10000xi32>
    %and3A = arith.andi %ne3A_19, %ne3A_23 : vector<8x10000xi1>
    %sub3A = arith.constant 1 : i32
    %sub3A_24 = vector.broadcast %sub3A : i32 to vector<8x10000xi32>
    %sub3A_25 = arith.subi %div3A_3, %sub3A_24 : vector<8x10000xi32>
    %select_n3A = arith.select %and3A, %sub3A_25, %div3A_3 : vector<8x10000xi1>, vector<8x10000xi32>
    %eq3A = arith.cmpi eq, %select_n3A, %iota3A : vector<8x10000xi32>
    %jit3A_26 = arith.constant 8.000000e-04 : f32
    %jit3A_27 = arith.constant 0.000000e+00 : f32
    %broadcast_in_dim3A = vector.broadcast %jit3A_26 : f32 to vector<8x10000xf32>
    %broadcast_in_dim3A_28 = vector.broadcast %jit3A_27 : f32 to vector<8x10000xf32>
    %select_n3A_29 = arith.select %eq3A, %broadcast_in_dim3A, %broadcast_in_dim3A_28 : vector<8x10000xi1>, vector<8x10000xf32>
    %dot_general3A = arith.constant dense<0.000000e+00> : vector<8x128xf32>
    %dot_general3A_30 = tpu.matmul %select_n3A_29, %get3A_1, %dot_general3A {dimension_numbers = #tpu.dot_dimension_numbers<[1], [0], [0], [1], [0, 0, 1, 1], [], []>, transpose_lhs_hint = false} : vector<8x10000xf32>, vector<10000x128xf32>, vector<8x128xf32> -> vector<8x128xf32>
    %convert_element_type3A = arith.truncf %dot_general3A_30 : vector<8x128xf32> to vector<8x128xbf16>
    %get3A_31 = arith.constant 0 : index
    %get3A_32 = arith.constant 0 : index
    %get3A_33 = vector.load %arg1[%get3A_31, %get3A_32] : memref<128x64xf32, #tpu.memory_space<vmem>>, vector<128x64xf32>
    %convert_element_type3A_34 = arith.truncf %get3A_33 : vector<128x64xf32> to vector<128x64xbf16>
    %dot_general3A_35 = arith.constant dense<0.000000e+00> : vector<8x64xf32>
    %dot_general3A_36 = tpu.matmul %convert_element_type3A, %convert_element_type3A_34, %dot_general3A_35 {dimension_numbers = #tpu.dot_dimension_numbers<[1], [0], [0], [1], [0, 0, 1, 1], [], []>, transpose_lhs_hint = false} : vector<8x128xbf16>, vector<128x64xbf16>, vector<8x64xf32> -> vector<8x64xf32>
    %get3A_37 = arith.constant 0 : index
    %get3A_38 = arith.constant 0 : index
    %get3A_39 = vector.load %arg2[%get3A_37, %get3A_38] : memref<1x64xf32, #tpu.memory_space<vmem>>, vector<1x64xf32>
    %add3A = vector.broadcast %get3A_39 : vector<1x64xf32> to vector<8x64xf32>
    %add3A_40 = arith.addf %dot_general3A_36, %add3A : vector<8x64xf32>
    %max3A = arith.constant 0.000000e+00 : f32
    %max3A_41 = vector.broadcast %max3A : f32 to vector<8x64xf32>
    %max3A_42 = arith.maximumf %add3A_40, %max3A_41 : vector<8x64xf32>
    %convert_element_type3A_43 = arith.truncf %max3A_42 : vector<8x64xf32> to vector<8x64xbf16>
    %get3A_44 = arith.constant 0 : index
    %get3A_45 = arith.constant 0 : index
    %get3A_46 = vector.load %arg3[%get3A_44, %get3A_45] : memref<64x64xf32, #tpu.memory_space<vmem>>, vector<64x64xf32>
    %convert_element_type3A_47 = arith.truncf %get3A_46 : vector<64x64xf32> to vector<64x64xbf16>
    %dot_general3A_48 = arith.constant dense<0.000000e+00> : vector<8x64xf32>
    %dot_general3A_49 = tpu.matmul %convert_element_type3A_43, %convert_element_type3A_47, %dot_general3A_48 {dimension_numbers = #tpu.dot_dimension_numbers<[1], [0], [0], [1], [0, 0, 1, 1], [], []>, transpose_lhs_hint = false} : vector<8x64xbf16>, vector<64x64xbf16>, vector<8x64xf32> -> vector<8x64xf32>
    %get3A_50 = arith.constant 0 : index
    %get3A_51 = arith.constant 0 : index
    %get3A_52 = vector.load %arg4[%get3A_50, %get3A_51] : memref<1x64xf32, #tpu.memory_space<vmem>>, vector<1x64xf32>
    %add3A_53 = vector.broadcast %get3A_52 : vector<1x64xf32> to vector<8x64xf32>
    %add3A_54 = arith.addf %dot_general3A_49, %add3A_53 : vector<8x64xf32>
    %max3A_55 = arith.constant 0.000000e+00 : f32
    %max3A_56 = vector.broadcast %max3A_55 : f32 to vector<8x64xf32>
    %max3A_57 = arith.maximumf %add3A_54, %max3A_56 : vector<8x64xf32>
    %convert_element_type3A_58 = arith.truncf %max3A_57 : vector<8x64xf32> to vector<8x64xbf16>
    %get3A_59 = arith.constant 0 : index
    %get3A_60 = arith.constant 0 : index
    %get3A_61 = vector.load %arg5[%get3A_59, %get3A_60] : memref<64x1xf32, #tpu.memory_space<vmem>>, vector<64x1xf32>
    %convert_element_type3A_62 = arith.truncf %get3A_61 : vector<64x1xf32> to vector<64x1xbf16>
    %dot_general3A_63 = arith.constant dense<0.000000e+00> : vector<8x1xf32>
    %dot_general3A_64 = tpu.matmul %convert_element_type3A_58, %convert_element_type3A_62, %dot_general3A_63 {dimension_numbers = #tpu.dot_dimension_numbers<[1], [0], [0], [1], [0, 0, 1, 1], [], []>, transpose_lhs_hint = false} : vector<8x64xbf16>, vector<64x1xbf16>, vector<8x1xf32> -> vector<8x1xf32>
    %get3A_65 = arith.constant 0 : index
    %get3A_66 = arith.constant 0 : index
    %get3A_67 = vector.load %arg6[%get3A_65, %get3A_66] : memref<1x1xf32, #tpu.memory_space<vmem>>, vector<1x1xf32>
    %add3A_68 = vector.broadcast %get3A_67 : vector<1x1xf32> to vector<8x1xf32>
    %add3A_69 = arith.addf %dot_general3A_64, %add3A_68 : vector<8x1xf32>
    %iota3A_70 = tpu.iota {dimensions = array<i32: 0>} : vector<4x8xi32>
    %iota3A_71 = tpu.iota {dimensions = array<i32: 1>} : vector<4x8xi32>
    %mul3A = arith.constant 2 : i32
    %mul3A_72 = vector.broadcast %mul3A : i32 to vector<4x8xi32>
    %mul3A_73 = arith.muli %mul3A_72, %iota3A_70 : vector<4x8xi32>
    %eq3A_74 = arith.cmpi eq, %iota3A_71, %mul3A_73 : vector<4x8xi32>
    %jit3A_75 = arith.constant 1.000000e+00 : f32
    %jit3A_76 = arith.constant 0.000000e+00 : f32
    %broadcast_in_dim3A_77 = vector.broadcast %jit3A_75 : f32 to vector<4x8xf32>
    %broadcast_in_dim3A_78 = vector.broadcast %jit3A_76 : f32 to vector<4x8xf32>
    %select_n3A_79 = arith.select %eq3A_74, %broadcast_in_dim3A_77, %broadcast_in_dim3A_78 : vector<4x8xi1>, vector<4x8xf32>
    %mul3A_80 = arith.constant 2 : i32
    %mul3A_81 = vector.broadcast %mul3A_80 : i32 to vector<4x8xi32>
    %mul3A_82 = arith.muli %mul3A_81, %iota3A_70 : vector<4x8xi32>
    %add3A_83 = arith.constant 1 : i32
    %add3A_84 = vector.broadcast %add3A_83 : i32 to vector<4x8xi32>
    %add3A_85 = arith.addi %mul3A_82, %add3A_84 : vector<4x8xi32>
    %eq3A_86 = arith.cmpi eq, %iota3A_71, %add3A_85 : vector<4x8xi32>
    %jit3A_87 = arith.constant 1.000000e+00 : f32
    %jit3A_88 = arith.constant 0.000000e+00 : f32
    %broadcast_in_dim3A_89 = vector.broadcast %jit3A_87 : f32 to vector<4x8xf32>
    %broadcast_in_dim3A_90 = vector.broadcast %jit3A_88 : f32 to vector<4x8xf32>
    %select_n3A_91 = arith.select %eq3A_86, %broadcast_in_dim3A_89, %broadcast_in_dim3A_90 : vector<4x8xi1>, vector<4x8xf32>
    %sub3A_92 = arith.subf %select_n3A_79, %select_n3A_91 : vector<4x8xf32>
    %dot_general3A_93 = arith.constant dense<0.000000e+00> : vector<4x1xf32>
    %dot_general3A_94 = tpu.matmul %sub3A_92, %add3A_69, %dot_general3A_93 {dimension_numbers = #tpu.dot_dimension_numbers<[1], [0], [0], [1], [0, 0, 1, 1], [], []>, transpose_lhs_hint = false} : vector<4x8xf32>, vector<8x1xf32>, vector<4x1xf32> -> vector<4x1xf32>
    %get3A_95 = arith.constant 0 : index
    %get3A_96 = arith.constant 0 : index
    %get3A_97 = vector.load %arg7[%get3A_95, %get3A_96] : memref<4x1xf32, #tpu.memory_space<vmem>>, vector<4x1xf32>
    %neg3A = arith.constant 0.000000e+00 : f32
    %neg3A_98 = vector.broadcast %neg3A : f32 to vector<4x1xf32>
    %neg3A_99 = arith.subf %neg3A_98, %get3A_97 : vector<4x1xf32>
    %mul3A_100 = arith.mulf %neg3A_99, %dot_general3A_94 : vector<4x1xf32>
    %max3A_101 = arith.constant 0.000000e+00 : f32
    %max3A_102 = vector.broadcast %max3A_101 : f32 to vector<4x1xf32>
    %max3A_103 = arith.maximumf %max3A_102, %mul3A_100 : vector<4x1xf32>
    %reduce_sum3A = vector.shape_cast %max3A_103 : vector<4x1xf32> to vector<1x4x1xf32>
    %reduce_sum3A_104 = arith.constant dense<0.000000e+00> : vector<1xf32>
    %reduce_sum3A_105 = vector.multi_reduction <add>, %reduce_sum3A, %reduce_sum3A_104 [1, 2] : vector<1x4x1xf32> to vector<1xf32>
    %reduce_sum3A_106 = vector.shape_cast %reduce_sum3A_105 : vector<1xf32> to vector<1x1x1xf32>
    %reduce_sum3A_107 = vector.extract %reduce_sum3A_106[0, 0, 0] : f32 from vector<1x1x1xf32>
    %div3A_108 = arith.constant 4.000000e+00 : f32
    %div3A_109 = arith.divf %reduce_sum3A_107, %div3A_108 : f32
    %reshape3A = vector.broadcast %div3A_109 : f32 to vector<1x1xf32>
    %swap3A = arith.constant 0 : index
    %swap3A_110 = arith.constant 0 : index
    %swap3A_111 = vector.load %arg8[%swap3A, %swap3A_110] : memref<1x1xf32, #tpu.memory_space<vmem>>, vector<1x1xf32>
    tpu.vector_store %arg8[%swap3A, %swap3A_110], %reshape3A {strides = array<i32>} : memref<1x1xf32, #tpu.memory_space<vmem>>, vector<1x1xf32>,
    return
  }
}

</mosaic_0001>

<sc_bundles>
// kernel: kernel.11.cloned.1.call-start
scs
__scs_entry_jumppad:
0x0: {  	(pc) =	sbr.rel $0x88, $3  }
0x1: {  	(tag) =	ssettag $0x0;
	lr =	simm.s32 $0x1  }
0x2: {  	[smem:$0x3F90] =	sst lr;
	_ =	strace $0xD0000000  }
0x3: {  	_ = 	snop  }
0x4: {  	_ = 	snop  }
0x5: {  	_ = 	snop  }
0x6: {  	_ = 	snop  }
0x7: {  	_ = 	snop  }
__scs_overlays_trampoline_lowered:
0x8: {  	[smem:$0x3F9F] =	sst s0  }
0x9: {  	[smem:$0x3FA0] =	sst s1  }
0xa: {  	[smem:$0x3FA1] =	sst s2  }
0xb: {  	[smem:$0x3FA2] =	sst s3  }
0xc: {  	[smem:$0x3FA3] =	sst s4  }
0xd: {  	[smem:$0x3FA4] =	sst s5  }
0xe: {  	[smem:$0x3FA5] =	sst s6  }
0xf: {  	[smem:$0x3FA6] =	sst s7  }
0x10: {  	[smem:$0x3FA7] =	sst s8  }
0x11: {  	[smem:$0x3FA8] =	sst s9;
	s0 =	simm.s32 @!p0 $0x0  }
0x12: {  	s1 =	sld [smem:$0x3F8E];
	s0 =	simm.s32 @p0 $0x1  }
0x13: {  	[smem:$0x3FA9] =	sst s0;
	s0 =	simm.s32 @!p1 $0x0  }
0x14: {  	s2 =	sld [smem:$0x3F8D];
	s0 =	simm.s32 @p1 $0x1  }
0x15: {  	[smem:$0x3FAA] =	sst s0;
	s0 =	simm.s32 @!p2 $0x0  }
0x16: {  	s3 =	sld [smem:$0x3FDB];
	s0 =	simm.s32 @p2 $0x1  }
0x17: {  	s4 =	simm.s32 $0x1BF5;
	[smem:$0x3FAC] =	sst s0  }
0x18: {  	s0 =	sld [smem:$0x3F8F];
	_ =	swait.ge [sflag:s4], $0x0  }
0x19: {  	s7 =	sld [smem:$0x3F90]  }
0x1a: {  	s8 =	sadd.s32 $0xFFFFE003, lr  }
0x1b: {  	s9 =	sadd.s32 $0xFFFFFEF7, lr;
	s5 =	simm.s32 $0xFFFFFFFF;
	p2 =	slt.u32 s8, $0xFFFFF086  }
0x1c: {  	p1 =	slt.u32 s9, $0xF7A;
	s5 =	simm.s32 @!p2 $0x0  }
0x1d: {  	s5 =	simm.s32 @p1 $0x1;
	p0 =	seq.s32 s7, s2  }
0x1e: {  	s7 =	smul.u32 @!p0 $0xF7A, s2;
	p2 =	seq.s32 @!p0 s5, $0x0  }
0x1f: {  	s9 =	smul.u32 $0xF7A, s1;
	s8 =	simm.s32 @!p0 $0x1BF5;
	p2 =	por !p2, p0  }
0x20: {  	[sflag:s8] =	ssyncset.s32 @!p0 $0xFFFFF086;
	s6 =	sadd.s32 @!p0 s3, s7;
	s7 =	simm.s32 @!p0 $0x108  }
0x21: {  	s3 =	sadd.s32 s3, s9;
	s6 =	sadd.s32 @!p0 $0x88, s6;
	s7 =	simm.s32 @p2 $0x1082  }
0x22: {  	[simem:s7], [sflag:s8] =	dma.local @!p0 [hbm:s6], $0xF7A  }
0x23: {  	s9 =	sor.u32 $0xD0000000, s2;
	s6 =	simm.s32 $0x108;
	_ =	swait.ge @!p0 [sflag:s8], $0x0  }
0x24: {  	s3 =	sadd.s32 $0x88, s3;
	s6 =	simm.s32 @!p1 $0x1082;
	[sflag:s4] =	ssyncset.s32 $0xFFFFF086  }
0x25: {  	[simem:s6], [sflag:s4] =	dma.local [hbm:s3], $0xF7A  }
0x26: {  	[smem:$0x3F90] =	sst s1;
	(tag) =	ssettag s2;
	_ =	strace s9  }
0x27: {  	s1 =	sld [smem:$0x3FA0]  }
0x28: {  	s2 =	sld [smem:$0x3FA1]  }
0x29: {  	s4 =	sld [smem:$0x3FA3]  }
0x2a: {  	p0 =	seq.s32 s5, $0x0;
	s5 =	sld [smem:$0x3FA4]  }
0x2b: {  	s6 =	sld [smem:$0x3FA5]  }
0x2c: {  	s7 =	sld [smem:$0x3FA6]  }
0x2d: {  	s3 =	simm.s32 $0x108;
	s8 =	sld [smem:$0x3FA7]  }
0x2e: {  	s3 =	simm.s32 @!p0 $0x1082;
	s9 =	sld [smem:$0x3FA8]  }
0x2f: {  	lr =	sadd.s32 s0, s3;
	s0 =	sld [smem:$0x3F9F]  }
0x30: {  	s3 =	sld [smem:$0x3FA2]  }
0x31: {  	[smem:$0x3FAB] =	sst s10  }
0x32: {  	s10 =	sld [smem:$0x3FA9];
	_ =	sdelay $0x3  }
0x33: {  	p0 =	seq.s32 s10, $0x1;
	s10 =	sld [smem:$0x3FAB];
	_ =	sdelay $0x3  }
0x34: {  	[smem:$0x3FAB] =	sst s10  }
0x35: {  	s10 =	sld [smem:$0x3FAA];
	_ =	sdelay $0x3  }
0x36: {  	p1 =	seq.s32 s10, $0x1;
	s10 =	sld [smem:$0x3FAB];
	_ =	sdelay $0x3  }
0x37: {  	[smem:$0x3FAB] =	sst s10  }
0x38: {  	s10 =	sld [smem:$0x3FAC]  }
0x39: {  	_ = 	snop;
	(pc) =	sbr.ind lr, $3  }
0x3a: {  	_ = 	snop  }
0x3b: {  	_ = 	snop  }
0x3c: {  	p2 =	seq.s32 s10, $0x1;
	s10 =	sld [smem:$0x3FAB]  }
0x3d: {  	_ =	shalt  }
0x3e: {  	_ =	shalt  }
0x3f: {  	_ =	shalt  }
0x40: {  	_ =	shalt  }
0x41: {  	_ =	shalt  }
0x42: {  	_ =	shalt  }
0x43: {  	_ =	shalt  }
0x44: {  	_ =	shalt  }
0x45: {  	_ =	shalt  }
0x46: {  	_ =	shalt  }
0x47: {  	_ =	shalt  }
0x48: {  	_ =	shalt  }
0x49: {  	_ =	shalt  }
0x4a: {  	_ =	shalt  }
0x4b: {  	_ =	shalt  }
0x4c: {  	_ =	shalt  }
0x4d: {  	_ =	shalt  }
0x4e: {  	_ =	shalt  }
0x4f: {  	_ =	shalt  }
0x50: {  	_ =	shalt  }
0x51: {  	_ =	shalt  }
0x52: {  	_ =	shalt  }
0x53: {  	_ =	shalt  }
0x54: {  	_ =	shalt  }
0x55: {  	_ =	shalt  }
0x56: {  	_ =	shalt  }
0x57: {  	_ =	shalt  }
0x58: {  	_ =	shalt  }
0x59: {  	_ =	shalt  }
0x5a: {  	_ =	shalt  }
0x5b: {  	_ =	shalt  }
0x5c: {  	_ =	shalt  }
0x5d: {  	_ =	shalt  }
0x5e: {  	_ =	shalt  }
0x5f: {  	_ =	shalt  }
0x60: {  	_ =	shalt  }
0x61: {  	_ =	shalt  }
0x62: {  	_ =	shalt  }
0x63: {  	_ =	shalt  }
0x64: {  	_ =	shalt  }
0x65: {  	_ =	shalt  }
0x66: {  	_ =	shalt  }
0x67: {  	_ =	shalt  }
0x68: {  	_ =	shalt  }
0x69: {  	_ =	shalt  }
0x6a: {  	_ =	shalt  }
0x6b: {  	_ =	shalt  }
0x6c: {  	_ =	shalt  }
0x6d: {  	_ =	shalt  }
0x6e: {  	_ =	shalt  }
0x6f: {  	_ =	shalt  }
0x70: {  	_ =	shalt  }
0x71: {  	_ =	shalt  }
0x72: {  	_ =	shalt  }
0x73: {  	_ =	shalt  }
0x74: {  	_ =	shalt  }
0x75: {  	_ =	shalt  }
0x76: {  	_ =	shalt  }
0x77: {  	_ =	shalt  }
0x78: {  	_ =	shalt  }
0x79: {  	_ =	shalt  }
0x7a: {  	_ =	shalt  }
0x7b: {  	_ =	shalt  }
0x7c: {  	_ =	shalt  }
0x7d: {  	_ =	shalt  }
0x7e: {  	_ =	shalt  }
0x7f: {  	_ =	shalt  }
0x80: {  	_ =	shalt  }
0x81: {  	_ =	shalt  }
0x82: {  	_ =	shalt  }
0x83: {  	_ =	shalt  }
0x84: {  	_ =	shalt  }
0x85: {  	_ =	shalt  }
0x86: {  	_ =	shalt  }
0x87: {  	_ =	shalt  }
.Lfunc_end0:
.L_simem_size_0:
called_computation_lowered:
.L_overlay_start_0:
0x88: {  	s2 =	sld [smem:$0x3FD9]  }
0x89: {  	s3 =	sld [smem:$0x3FFE];
	_ =	sdelay $0x1  }
0x8a: {  	s1 =	srdreg.scid  }
0x8b: {  	s0 =	sand.u32 $0x1, s1  }
0x8c: {  	s17 =	sshll.u32 s0, $0xA;
	s2 =	sadd.s32 s3, s2  }
0x8d: {  	s2 =	sadd.s32 s2, s17  }
0x8e: {  	[smem:$0x3FB7] =	sst s2  }
0x8f: {  	_ = 	snop  }
0x90: {  	(tm) =	ssettm $0x1  }
0x91: {  	s18 =	sld [smem:$0x3FFB];
	_ =	sdelay $0x3  }
0x92: {  	_ =	strace s18  }
0x93: {  	s2 =	sld [smem:$0x3FFC];
	_ =	sdelay $0x3  }
0x94: {  	_ =	strace s2  }
0x95: {  	s2 =	sld [smem:$0x3FFD];
	_ =	sdelay $0x3  }
0x96: {  	_ =	strace s2  }
0x97: {  	_ =	strace $0x8FFFFFFF  }
0x98: {  	s19 =	sld [smem:$0x3FDB];
	_ =	sdelay $0x1  }
0x99: {  	s20 =	simm.s32 $_scs_section_size  }
0x9a: {  	s4 =	simm.s32 $_size__tile_overlayer_lowered;
	s5 =	simm.s32 $_tile_overlayer_lowered  }
0x9b: {  	s6 =	simm.s32 $0x1BFF;
	s21 =	sshll.u32 s5, $0x1;
	s3 =	sadd.s32 s20, s19  }
0x9c: {  	s22 =	simm.s32 $0x0;
	s4 =	sshll.u32 s4, $0x1;
	s5 =	sadd.s32 s21, s3  }
0x9d: {  	[timem:s22], [sflag:s6] =	dma.local [hbm:s5], s4  }
0x9e: {  	_ =	swait.ge [sflag:s6], s4  }
0x9f: {  	s4 =	ssub.s32 $0x0, s4;
	[sflag:s6] =	ssyncset.done $0x0  }
0xa0: {  	[sflag:s6] =	ssyncadd.s32 s4;
	_ =	sdelay $0x1  }
0xa1: {  	s23 =	simm.s32 $0x1B8B  }
0xa2: {  	_ =	swait.ge [sflag:s23], $0x1  }
0xa3: {  	[sflag:s23] =	ssyncset.done $0x0  }
0xa4: {  	[sflag:s23] =	ssyncadd.s32 $0xFFFFFFFF  }
0xa5: {  	s4 =	sld [smem:$0x0]  }
0xa6: {  	s5 =	sand.u32 $0xFFFFFFFE, s1  }
0xa7: {  	p0 =	sne.s32 s1, s5  }
0xa8: {  	s5 =	sshll.u32 @p0 s5, $0xE  }
0xa9: {  	s5 =	sadd.s32 @p0 $0x11B8D, s5;
	s6 =	sshll.u32 @p0 s4, $0x11  }
0xaa: {  	s5 =	sor.u32 @p0 s6, s5  }
0xab: {  	[sflag:s5] =	ssyncadd.remote.s32 @p0 $0x1;
	_ =	sdelay $0x1  }
0xac: {  	s5 =	simm.s32 @p0 $0x1B8D  }
0xad: {  	_ =	swait.eq @p0 [sflag:s5], $0x1  }
0xae: {  	[sflag:s5] =	ssyncadd.s32 @p0 $0xFFFFFFFF  }
0xaf: {  	s6 =	sshll.u32 @!p0 s1, $0xE  }
0xb0: {  	s6 =	sor.u32 @!p0 $0x4000, s6;
	s5 =	simm.s32 @!p0 $0x1B8D  }
0xb1: {  	s4 =	sshll.u32 @!p0 s4, $0x11;
	s6 =	sadd.s32 @!p0 $0x11B8D, s6;
	_ =	swait.eq @!p0 [sflag:s5], $0x1  }
0xb2: {  	s4 =	sor.u32 @!p0 s4, s6;
	[sflag:s5] =	ssyncadd.s32 @!p0 $0xFFFFFFFF  }
0xb3: {  	s25 =	simm.s32 $0x1B8E;
	s24 =	sld [smem:$0x3FFE];
	[sflag:s4] =	ssyncadd.remote.s32 @!p0 $0x1  }
0xb4: {  	s26 =	simm.s32 $execute0_lowered;
	[smem:$0x3FD2] =	sst s25  }
0xb5: {  	s5 =	sshll.u32 s26, $0x1;
	_ =	strace $0x80000049;
	[dreg:$0x1] =	wrdreg $0xFFFFFFFF  }
0xb6: {  	s28 =	simm.s32 $_size_execute0_lowered;
	s3 =	sadd.s32 s3, s5;
	[dreg:$0x0] =	wrdreg $0x0  }
0xb7: {  	s5 =	sshll.u32 s28, $0x1;
	[dreg:$0x2] =	wrdreg s3  }
0xb8: {  	[dreg:$0x3] =	wrdreg s5  }
0xb9: {  	[dreg:$0x4] =	wrdreg $0xC0  }
0xba: {  	_ =	task [dreg:s22], $0x5FFFF  }
0xbb: {  	[dreg:$0x1] =	wrdreg $0xFFFFFFFF  }
0xbc: {  	[dreg:$0x0] =	wrdreg $0x60  }
0xbd: {  	[dreg:$0x2] =	wrdreg s24  }
0xbe: {  	[dreg:$0x3] =	wrdreg $0x0  }
0xbf: {  	[dreg:$0x4] =	wrdreg $0x9  }
0xc0: {  	_ =	task.clear_ibuf [dreg:s22], $0x5FFFF;
	_ =	strace $0x90000049  }
0xc1: {  	s29 =	simm.s32 $0x9;
	_ =	strace $0x8000004B  }
0xc2: {  	_ =	swait.ge [sflag:s29], $0x1  }
0xc3: {  	[sflag:s29] =	ssyncadd.s32 $0xFFFFFFFF  }
0xc4: {  	_ =	strace $0x9000004B  }
0xc5: {  	_ =	sfence  }
0xc6: {  	s30 =	sld [smem:$0x0];
	_ =	sdelay $0x2  }
0xc7: {  	s31 =	sshll.u32 s1, $0xD;
	s1 =	sshrl.u32 s1, $0x2  }
0xc8: {  	s4 =	sand.u32 $0x4000, s31;
	s1 =	sadd.s32 s1, s30  }
0xc9: {  	s0 =	sor.u32 s4, s0;
	s1 =	sshll.u32 s1, $0x11  }
0xca: {  	s0 =	sor.u32 s1, s0  }
0xcb: {  	s0 =	sadd.s32 $0x8F2B, s0  }
0xcc: {  	[sflag:s0] =	ssyncadd.remote.s32 $0x1  }
0xcd: {  	_ =	sfence.sel $0xFFFF  }
0xce: {  	[dreg:$0x0] =	wrdreg $0xFFFFFFFF;
	(pc) =	sbr.abs _section_cstart, $3  }
0xcf: {  	[dreg:$0x1] =	wrdreg $0xFFFFFFFF  }
0xd0: {  	_ =	task.clear_ibuf [dreg:s22], $0x2FFFF;
	_ =	strace $0x9FFFFFFF  }
0xd1: {  	(tm) =	ssettm $0x7FFFFFFF  }
tec
execute0_lowered:
.L_overlay_start_1:
0x0: {  	(tag) =	ssettag $0x1  }
0x1: {  	s0 =	srdreg.scid;
	s6 =	rddreg [dreg:$0x0]  }
0x2: {  	s13 =	stileid.u32;
	s1 =	rddreg [dreg:$0x1]  }
0x3: {  	s2 =	simm.s32 $0x0;
	s17 =	simm.s32 $0x1;
	s18 =	simm.s32 $0x0  }
0x4: {  	s4 =	sand.u32 $0x1, s0;
	[smem:$0x7FF] =	sst s2;
	s7 =	smul.u32 $0x1380, s13  }
0x5: {  	s11 =	smul.u32 $0x27000, s13;
	s12 =	sadd.s32 $0x7AA00, s6;
	s16 =	sadd.s32 $0x9C000, s1  }
0x6: {  	p0 =	sne.s32 s13, $0x0;
	s0 =	sshll.u32 s4, $0x4;
	s29 =	smul.u32 $0x9C400, s4  }
0x7: {  	s9 =	ssub.s32 $0x2, s4;
	s14 =	smul.u32 $0x13880, s4;
	s3 =	sor.u32 s13, s0  }
0x8: {  	s0 =	rddreg [dreg:$0x2];
	_ =	strace $0x8000004A;
	s8 =	sadd.s32 s7, s6  }
0x9: {  	s10 =	sshrl.u32 s9, $0x1;
	s30 =	sshrl.u32 s11, $0x2;
	s11 =	simm.s32 $0x2  }
0xa: {  	s13 =	sshll.u32 s13, $0x6;
	s3 =	smul.u32 $0x500, s3;
	s9 =	ssub.s32 s9, s10  }
0xb: {  	s15 =	sadd.s32 s30, s1;
	s31 =	sshrl.u32 s29, $0x3;
	s7 =	sadd.s32 s7, s14  }
0xc: {  	s10 =	simm.s32 $0x9C80;
	s13 =	sor.u32 $0x1C02, s13;
	s7 =	sadd.s32 s12, s7  }
0xd: {  	s9 =	smax.u32 s9, $0x1;
	s14 =	sshrl.u32 s15, $0x3;
	s15 =	sshrl.u32 @!p0 s16, $0x3  }
0xe: {  	s16 =	simm.s32 $0x80;
	s5 =	sadd.s32 s3, s6;
	s3 =	sadd.s32 $0x7A200, s6  }
0xf: {  	s4 =	sadd.s32 $0x4400, s5;
	s5 =	sadd.s32 $0x3F600, s8;
	s8 =	sadd.s32 s12, s31  }
0x10: {  	s6 =	sadd.s32 $0x52E00, s6;
	s12 =	simm.s32 $0xC480;
	s8 =	sadd.s32 $0x13800, s8  }
.LBB2_1:
0x11: {  	[tilespmem:s10], [sflag:$0x2] =	stream.linear.gather [hbm4b:s4+s2], $0x2800, $0x38;
	[tilespmem:$0x10480] =	vst v63  }
0x12: {  	_ =	swait.ge [sflag:s11], $0x2800  }
0x13: {  	[sflag:s11] =	ssyncset.done $0x0  }
0x14: {  	[sflag:s11] =	ssyncadd.s32 $0xFFFFD800  }
0x15: {  	[tilespmem:s12], [sflag:$0x2] =	stream.linear.gather [hbm4b:s3+s2], $0x4000, $0x38;
	[tilespmem:$0x10480] =	vst v63  }
0x16: {  	_ =	swait.ge [sflag:s11], $0x4000  }
0x17: {  	[sflag:s11] =	ssyncset.done $0x0  }
0x18: {  	[sflag:s11] =	ssyncadd.s32 $0xFFFFC000  }
0x19: {  	[spmem:s14], [sflag:s13] =	dma.local [hbm:s5], $0x1380  }
0x1a: {  	_ =	swait.ge [sflag:s11], $0x1380  }
0x1b: {  	[sflag:s11] =	ssyncset.done $0x0  }
0x1c: {  	s19 =	simm.s32 @!p0 $0x2;
	[sflag:s11] =	ssyncadd.s32 $0xFFFFEC80  }
0x1d: {  	[spmem:s15], [sflag:s13] =	dma.local @!p0 [hbm:s6], $0x80  }
0x1e: {  	_ =	swait.ge @!p0 [sflag:s19], $0x80  }
0x1f: {  	[sflag:s19] =	ssyncset.done @!p0 $0x0  }
0x20: {  	[sflag:s19] =	ssyncadd.s32 @!p0 $0xFFFFFF80  }
0x21: {  	s23 =	simm.s32 $0x9C80;
	[bflag:$0x0] =	sbarrier.arrive $0xFFFF  }
0x22: {  	[spmem:s1] =	stream.indirect.scatter.add.f32 [tilespmem:s12], [sflag:$0x1], $0x80, s23, s16, $0xb8;
	[tilespmem:$0x10480] =	vst v63  }
0x23: {  	s24 =	simm.s32 $0x9D00  }
0x24: {  	[spmem:s1] =	stream.indirect.scatter.add.f32 [tilespmem:s12], [sflag:$0x1], $0x80, s24, s16, $0xb8;
	[tilespmem:$0x10480] =	vst v63  }
0x25: {  	s25 =	simm.s32 $0x9D80  }
0x26: {  	[spmem:s1] =	stream.indirect.scatter.add.f32 [tilespmem:s12], [sflag:$0x1], $0x80, s25, s16, $0xb8;
	[tilespmem:$0x10480] =	vst v63  }
0x27: {  	s26 =	simm.s32 $0x9E00  }
0x28: {  	[spmem:s1] =	stream.indirect.scatter.add.f32 [tilespmem:s12], [sflag:$0x1], $0x80, s26, s16, $0xb8;
	[tilespmem:$0x10480] =	vst v63  }
0x29: {  	s28 =	simm.s32 $0x9E80  }
0x2a: {  	[spmem:s1] =	stream.indirect.scatter.add.f32 [tilespmem:s12], [sflag:$0x1], $0x80, s28, s16, $0xb8;
	[tilespmem:$0x10480] =	vst v63  }
0x2b: {  	s29 =	simm.s32 $0x9F00  }
0x2c: {  	[spmem:s1] =	stream.indirect.scatter.add.f32 [tilespmem:s12], [sflag:$0x1], $0x80, s29, s16, $0xb8;
	[tilespmem:$0x10480] =	vst v63  }
0x2d: {  	s30 =	simm.s32 $0x9F80  }
0x2e: {  	[spmem:s1] =	stream.indirect.scatter.add.f32 [tilespmem:s12], [sflag:$0x1], $0x80, s30, s16, $0xb8;
	[tilespmem:$0x10480] =	vst v63  }
0x2f: {  	s31 =	simm.s32 $0xA000  }
0x30: {  	[spmem:s1] =	stream.indirect.scatter.add.f32 [tilespmem:s12], [sflag:$0x1], $0x80, s31, s16, $0xb8;
	[tilespmem:$0x10480] =	vst v63  }
0x31: {  	_ =	swait.ge [sflag:s17], $0x4000  }
0x32: {  	[sflag:s17] =	ssyncset.done $0x0  }
0x33: {  	[sflag:s17] =	ssyncadd.s32 $0xFFFFC000  }
0x34: {  	_ =	swait.ge [sflag:s17], $0x4000  }
0x35: {  	[sflag:s17] =	ssyncset.done $0x0  }
0x36: {  	[sflag:s17] =	ssyncadd.s32 $0xFFFFC000  }
0x37: {  	_ =	swait.ge [sflag:s17], $0x4000  }
0x38: {  	[sflag:s17] =	ssyncset.done $0x0  }
0x39: {  	[sflag:s17] =	ssyncadd.s32 $0xFFFFC000  }
0x3a: {  	_ =	swait.ge [sflag:s17], $0x4000  }
0x3b: {  	[sflag:s17] =	ssyncset.done $0x0  }
0x3c: {  	[sflag:s17] =	ssyncadd.s32 $0xFFFFC000  }
0x3d: {  	_ =	swait.ge [sflag:s17], $0x4000  }
0x3e: {  	[sflag:s17] =	ssyncset.done $0x0  }
0x3f: {  	[sflag:s17] =	ssyncadd.s32 $0xFFFFC000  }
0x40: {  	_ =	swait.ge [sflag:s17], $0x4000  }
0x41: {  	[sflag:s17] =	ssyncset.done $0x0  }
0x42: {  	[sflag:s17] =	ssyncadd.s32 $0xFFFFC000  }
0x43: {  	_ =	swait.ge [sflag:s17], $0x4000  }
0x44: {  	[sflag:s17] =	ssyncset.done $0x0  }
0x45: {  	[sflag:s17] =	ssyncadd.s32 $0xFFFFC000  }
0x46: {  	_ =	swait.ge [sflag:s17], $0x4000  }
0x47: {  	s22 =	simm.s32 $0x2000;
	s21 =	simm.s32 $0x400;
	[sflag:s17] =	ssyncset.done $0x0  }
.LBB2_2:
0x48: {  	s23 =	sadd.s32 $0x9C80, s21  }
0x49: {  	[sflag:s17] =	ssyncadd.s32 $0xFFFFC000;
	s20 =	smov.u32 s22;
	s19 =	sadd.s32 $0x1000, s22  }
0x4a: {  	[spmem:s1] =	stream.indirect.scatter.add.f32 [tilespmem:s12], [sflag:$0x1], $0x80, s23, s16, $0xb8;
	[tilespmem:$0x10480] =	vst v63  }
0x4b: {  	p1 =	sne.s32 s22, $0x9000;
	s22 =	sadd.s32 $0x9D00, s21  }
0x4c: {  	[spmem:s1] =	stream.indirect.scatter.add.f32 [tilespmem:s12], [sflag:$0x1], $0x80, s22, s16, $0xb8;
	[tilespmem:$0x10480] =	vst v63  }
0x4d: {  	s22 =	sadd.s32 $0x9D80, s21  }
0x4e: {  	[spmem:s1] =	stream.indirect.scatter.add.f32 [tilespmem:s12], [sflag:$0x1], $0x80, s22, s16, $0xb8;
	[tilespmem:$0x10480] =	vst v63  }
0x4f: {  	s22 =	sadd.s32 $0x9E00, s21  }
0x50: {  	[spmem:s1] =	stream.indirect.scatter.add.f32 [tilespmem:s12], [sflag:$0x1], $0x80, s22, s16, $0xb8;
	[tilespmem:$0x10480] =	vst v63  }
0x51: {  	s22 =	sadd.s32 $0x9E80, s21  }
0x52: {  	[spmem:s1] =	stream.indirect.scatter.add.f32 [tilespmem:s12], [sflag:$0x1], $0x80, s22, s16, $0xb8;
	[tilespmem:$0x10480] =	vst v63  }
0x53: {  	s22 =	sadd.s32 $0x9F00, s21  }
0x54: {  	[spmem:s1] =	stream.indirect.scatter.add.f32 [tilespmem:s12], [sflag:$0x1], $0x80, s22, s16, $0xb8;
	[tilespmem:$0x10480] =	vst v63  }
0x55: {  	s22 =	sadd.s32 $0x9F80, s21  }
0x56: {  	[spmem:s1] =	stream.indirect.scatter.add.f32 [tilespmem:s12], [sflag:$0x1], $0x80, s22, s16, $0xb8;
	[tilespmem:$0x10480] =	vst v63  }
0x57: {  	s21 =	sadd.s32 $0xA000, s21  }
0x58: {  	[spmem:s1] =	stream.indirect.scatter.add.f32 [tilespmem:s12], [sflag:$0x1], $0x80, s21, s16, $0xb8;
	[tilespmem:$0x10480] =	vst v63  }
0x59: {  	_ =	swait.ge [sflag:s17], $0x4000  }
0x5a: {  	[sflag:s17] =	ssyncset.done $0x0  }
0x5b: {  	[sflag:s17] =	ssyncadd.s32 $0xFFFFC000  }
0x5c: {  	_ =	swait.ge [sflag:s17], $0x4000  }
0x5d: {  	[sflag:s17] =	ssyncset.done $0x0  }
0x5e: {  	[sflag:s17] =	ssyncadd.s32 $0xFFFFC000  }
0x5f: {  	_ =	swait.ge [sflag:s17], $0x4000  }
0x60: {  	[sflag:s17] =	ssyncset.done $0x0  }
0x61: {  	[sflag:s17] =	ssyncadd.s32 $0xFFFFC000  }
0x62: {  	_ =	swait.ge [sflag:s17], $0x4000  }
0x63: {  	[sflag:s17] =	ssyncset.done $0x0  }
0x64: {  	[sflag:s17] =	ssyncadd.s32 $0xFFFFC000  }
0x65: {  	_ =	swait.ge [sflag:s17], $0x4000  }
0x66: {  	[sflag:s17] =	ssyncset.done $0x0  }
0x67: {  	[sflag:s17] =	ssyncadd.s32 $0xFFFFC000  }
0x68: {  	_ =	swait.ge [sflag:s17], $0x4000  }
0x69: {  	[sflag:s17] =	ssyncset.done $0x0  }
0x6a: {  	[sflag:s17] =	ssyncadd.s32 $0xFFFFC000  }
.Ltmp0:
0x6b: {  	_ =	swait.ge [sflag:s17], $0x4000;
	(pc) =	sbr.rel @p1 .LBB2_2-.Ltmp0, $4  }
0x6c: {  	[sflag:s17] =	ssyncset.done $0x0  }
0x6d: {  	[sflag:s17] =	ssyncadd.s32 $0xFFFFC000  }
0x6e: {  	_ =	swait.ge [sflag:s17], $0x4000  }
0x6f: {  	s22 =	smov.u32 s19;
	s21 =	sshra.s32 s20, $0x2;
	[sflag:s17] =	ssyncset.done $0x0  }
0x70: {  	s19 =	sadd.s32 $0x9C80, s21;
	[sflag:s17] =	ssyncadd.s32 $0xFFFFC000  }
0x71: {  	[spmem:s1] =	stream.indirect.scatter.add.f32 [tilespmem:s12], [sflag:$0x1], $0x80, s19, s16, $0xb8;
	[tilespmem:$0x10480] =	vst v63  }
0x72: {  	s24 =	sadd.s32 $0x9D00, s21  }
0x73: {  	[spmem:s1] =	stream.indirect.scatter.add.f32 [tilespmem:s12], [sflag:$0x1], $0x80, s24, s16, $0xb8;
	[tilespmem:$0x10480] =	vst v63  }
0x74: {  	s25 =	sadd.s32 $0x9D80, s21  }
0x75: {  	[spmem:s1] =	stream.indirect.scatter.add.f32 [tilespmem:s12], [sflag:$0x1], $0x80, s25, s16, $0xb8;
	[tilespmem:$0x10480] =	vst v63  }
0x76: {  	s26 =	sadd.s32 $0x9E00, s21  }
0x77: {  	[spmem:s1] =	stream.indirect.scatter.add.f32 [tilespmem:s12], [sflag:$0x1], $0x80, s26, s16, $0xb8;
	[tilespmem:$0x10480] =	vst v63  }
0x78: {  	s28 =	sadd.s32 $0x9E80, s21  }
0x79: {  	[spmem:s1] =	stream.indirect.scatter.add.f32 [tilespmem:s12], [sflag:$0x1], $0x80, s28, s16, $0xb8;
	[tilespmem:$0x10480] =	vst v63  }
0x7a: {  	s29 =	sadd.s32 $0x9F00, s21  }
0x7b: {  	[spmem:s1] =	stream.indirect.scatter.add.f32 [tilespmem:s12], [sflag:$0x1], $0x80, s29, s16, $0xb8;
	[tilespmem:$0x10480] =	vst v63  }
0x7c: {  	s30 =	sadd.s32 $0x9F80, s21  }
0x7d: {  	[spmem:s1] =	stream.indirect.scatter.add.f32 [tilespmem:s12], [sflag:$0x1], $0x80, s30, s16, $0xb8;
	[tilespmem:$0x10480] =	vst v63  }
0x7e: {  	s31 =	sadd.s32 $0xA000, s21  }
0x7f: {  	[spmem:s1] =	stream.indirect.scatter.add.f32 [tilespmem:s12], [sflag:$0x1], $0x80, s31, s16, $0xb8;
	[tilespmem:$0x10480] =	vst v63  }
0x80: {  	_ =	swait.ge [sflag:s17], $0x4000  }
0x81: {  	[sflag:s17] =	ssyncset.done $0x0  }
0x82: {  	[sflag:s17] =	ssyncadd.s32 $0xFFFFC000  }
0x83: {  	_ =	swait.ge [sflag:s17], $0x4000  }
0x84: {  	[sflag:s17] =	ssyncset.done $0x0  }
0x85: {  	[sflag:s17] =	ssyncadd.s32 $0xFFFFC000  }
0x86: {  	_ =	swait.ge [sflag:s17], $0x4000  }
0x87: {  	[sflag:s17] =	ssyncset.done $0x0  }
0x88: {  	[sflag:s17] =	ssyncadd.s32 $0xFFFFC000  }
0x89: {  	_ =	swait.ge [sflag:s17], $0x4000  }
0x8a: {  	[sflag:s17] =	ssyncset.done $0x0  }
0x8b: {  	[sflag:s17] =	ssyncadd.s32 $0xFFFFC000  }
0x8c: {  	_ =	swait.ge [sflag:s17], $0x4000  }
0x8d: {  	[sflag:s17] =	ssyncset.done $0x0  }
0x8e: {  	[sflag:s17] =	ssyncadd.s32 $0xFFFFC000  }
0x8f: {  	_ =	swait.ge [sflag:s17], $0x4000  }
0x90: {  	[sflag:s17] =	ssyncset.done $0x0  }
0x91: {  	[sflag:s17] =	ssyncadd.s32 $0xFFFFC000  }
0x92: {  	_ =	swait.ge [sflag:s17], $0x4000  }
0x93: {  	[sflag:s17] =	ssyncset.done $0x0  }
0x94: {  	[sflag:s17] =	ssyncadd.s32 $0xFFFFC000  }
0x95: {  	_ =	swait.ge [sflag:s17], $0x4000  }
0x96: {  	[sflag:s17] =	ssyncset.done $0x0  }
0x97: {  	[sflag:s17] =	ssyncadd.s32 $0xFFFFC000  }
0x98: {  	[bflag:$0x0] =	sbarrier.arrive $0xFFFF  }
0x99: {  	[hbm:s7], [sflag:s13] =	dma.local [spmem:s14], $0x1380  }
0x9a: {  	s18 =	sadd.s32 $0x1, s18;
	_ =	swait.ge [sflag:s11], $0x1380  }
0x9b: {  	p1 =	sne.s32 s18, s9;
	[sflag:s11] =	ssyncset.done $0x0  }
.Ltmp1:
0x9c: {  	s19 =	simm.s32 @!p0 $0x2;
	[sflag:s11] =	ssyncadd.s32 $0xFFFFEC80;
	(pc) =	sbr.rel @p1 .LBB2_1-.Ltmp1, $4  }
0x9d: {  	[hbm:s8], [sflag:s13] =	dma.local @!p0 [spmem:s15], $0x80  }
0x9e: {  	_ =	swait.ge @!p0 [sflag:s19], $0x80  }
0x9f: {  	[sflag:s19] =	ssyncset.done @!p0 $0x0  }
0xa0: {  	[sflag:s19] =	ssyncadd.s32 @!p0 $0xFFFFFF80  }
0xa1: {  	_ =	sfence.sel $0x180000  }
0xa2: {  	[bflag:$0x0] =	sbarrier.arrive $0xFFFF  }
0xa3: {  	_ =	strace $0x9000004A  }
0xa4: {  	s0 =	sadd.s32 @!p0 $0x100000, s0;
	[bflag:$0x2] =	sbarrier.arrive $0xFFFF  }
0xa5: {  	[sflag:s0] =	ssyncadd.tile.s32 @!p0 $0x1;
	_ =	shalt  }
.Lfunc_end2:
_tile_overlayer_lowered:
.L_overlay_start_2:
0xa6: {  	(tag) =	ssettag $0x2  }
0xa7: {  	s0 =	rddreg [dreg:$0x0];
	s2 =	stileid.u32  }
0xa8: {  	s1 =	rddreg [dreg:$0x1];
	p0 =	sne.s32 s2, $0x0  }
0xa9: {  	s3 =	rddreg [dreg:$0x2];
	[bflag:$0x3] =	sbarrier.arrive $0xFFFF;
	s2 =	simm.s32 @!p0 $0x1C02  }
0xaa: {  	[timem:s3], [sflag:s2] =	dma.local @!p0 [hbm:s0], s1  }
0xab: {  	s0 =	simm.s32 @!p0 $0x2  }
0xac: {  	_ =	swait.ge @!p0 [sflag:s0], s1  }
0xad: {  	s1 =	ssub.s32 @!p0 $0x0, s1;
	[sflag:s0] =	ssyncset.done @!p0 $0x0  }
0xae: {  	[sflag:s0] =	ssyncadd.s32 @!p0 s1  }
0xaf: {  	[bflag:$0x3] =	sbarrier.arrive $0xFFFF  }
0xb0: {  	_ =	shalt  }

// kernel: kernel.14.cloned.1.call-start
scs
__scs_entry_jumppad:
0x0: {  	(pc) =	sbr.rel $0x88, $3  }
0x1: {  	(tag) =	ssettag $0x0;
	lr =	simm.s32 $0x1  }
0x2: {  	[smem:$0x3F90] =	sst lr;
	_ =	strace $0xD0000000  }
0x3: {  	_ = 	snop  }
0x4: {  	_ = 	snop  }
0x5: {  	_ = 	snop  }
0x6: {  	_ = 	snop  }
0x7: {  	_ = 	snop  }
__scs_overlays_trampoline_lowered:
0x8: {  	[smem:$0x3F9F] =	sst s0  }
0x9: {  	[smem:$0x3FA0] =	sst s1  }
0xa: {  	[smem:$0x3FA1] =	sst s2  }
0xb: {  	[smem:$0x3FA2] =	sst s3  }
0xc: {  	[smem:$0x3FA3] =	sst s4  }
0xd: {  	[smem:$0x3FA4] =	sst s5  }
0xe: {  	[smem:$0x3FA5] =	sst s6  }
0xf: {  	[smem:$0x3FA6] =	sst s7  }
0x10: {  	[smem:$0x3FA7] =	sst s8  }
0x11: {  	[smem:$0x3FA8] =	sst s9;
	s0 =	simm.s32 @!p0 $0x0  }
0x12: {  	s1 =	sld [smem:$0x3F8E];
	s0 =	simm.s32 @p0 $0x1  }
0x13: {  	[smem:$0x3FA9] =	sst s0;
	s0 =	simm.s32 @!p1 $0x0  }
0x14: {  	s2 =	sld [smem:$0x3F8D];
	s0 =	simm.s32 @p1 $0x1  }
0x15: {  	[smem:$0x3FAA] =	sst s0;
	s0 =	simm.s32 @!p2 $0x0  }
0x16: {  	s3 =	sld [smem:$0x3FDB];
	s0 =	simm.s32 @p2 $0x1  }
0x17: {  	s4 =	simm.s32 $0x1BF5;
	[smem:$0x3FAC] =	sst s0  }
0x18: {  	s0 =	sld [smem:$0x3F8F];
	_ =	swait.ge [sflag:s4], $0x0  }
0x19: {  	s7 =	sld [smem:$0x3F90]  }
0x1a: {  	s8 =	sadd.s32 $0xFFFFE003, lr  }
0x1b: {  	s9 =	sadd.s32 $0xFFFFFEF7, lr;
	s5 =	simm.s32 $0xFFFFFFFF;
	p2 =	slt.u32 s8, $0xFFFFF086  }
0x1c: {  	p1 =	slt.u32 s9, $0xF7A;
	s5 =	simm.s32 @!p2 $0x0  }
0x1d: {  	s5 =	simm.s32 @p1 $0x1;
	p0 =	seq.s32 s7, s2  }
0x1e: {  	s7 =	smul.u32 @!p0 $0xF7A, s2;
	p2 =	seq.s32 @!p0 s5, $0x0  }
0x1f: {  	s9 =	smul.u32 $0xF7A, s1;
	s8 =	simm.s32 @!p0 $0x1BF5;
	p2 =	por !p2, p0  }
0x20: {  	[sflag:s8] =	ssyncset.s32 @!p0 $0xFFFFF086;
	s6 =	sadd.s32 @!p0 s3, s7;
	s7 =	simm.s32 @!p0 $0x108  }
0x21: {  	s3 =	sadd.s32 s3, s9;
	s6 =	sadd.s32 @!p0 $0x88, s6;
	s7 =	simm.s32 @p2 $0x1082  }
0x22: {  	[simem:s7], [sflag:s8] =	dma.local @!p0 [hbm:s6], $0xF7A  }
0x23: {  	s9 =	sor.u32 $0xD0000000, s2;
	s6 =	simm.s32 $0x108;
	_ =	swait.ge @!p0 [sflag:s8], $0x0  }
0x24: {  	s3 =	sadd.s32 $0x88, s3;
	s6 =	simm.s32 @!p1 $0x1082;
	[sflag:s4] =	ssyncset.s32 $0xFFFFF086  }
0x25: {  	[simem:s6], [sflag:s4] =	dma.local [hbm:s3], $0xF7A  }
0x26: {  	[smem:$0x3F90] =	sst s1;
	(tag) =	ssettag s2;
	_ =	strace s9  }
0x27: {  	s1 =	sld [smem:$0x3FA0]  }
0x28: {  	s2 =	sld [smem:$0x3FA1]  }
0x29: {  	s4 =	sld [smem:$0x3FA3]  }
0x2a: {  	p0 =	seq.s32 s5, $0x0;
	s5 =	sld [smem:$0x3FA4]  }
0x2b: {  	s6 =	sld [smem:$0x3FA5]  }
0x2c: {  	s7 =	sld [smem:$0x3FA6]  }
0x2d: {  	s3 =	simm.s32 $0x108;
	s8 =	sld [smem:$0x3FA7]  }
0x2e: {  	s3 =	simm.s32 @!p0 $0x1082;
	s9 =	sld [smem:$0x3FA8]  }
0x2f: {  	lr =	sadd.s32 s0, s3;
	s0 =	sld [smem:$0x3F9F]  }
0x30: {  	s3 =	sld [smem:$0x3FA2]  }
0x31: {  	[smem:$0x3FAB] =	sst s10  }
0x32: {  	s10 =	sld [smem:$0x3FA9];
	_ =	sdelay $0x3  }
0x33: {  	p0 =	seq.s32 s10, $0x1;
	s10 =	sld [smem:$0x3FAB];
	_ =	sdelay $0x3  }
0x34: {  	[smem:$0x3FAB] =	sst s10  }
0x35: {  	s10 =	sld [smem:$0x3FAA];
	_ =	sdelay $0x3  }
0x36: {  	p1 =	seq.s32 s10, $0x1;
	s10 =	sld [smem:$0x3FAB];
	_ =	sdelay $0x3  }
0x37: {  	[smem:$0x3FAB] =	sst s10  }
0x38: {  	s10 =	sld [smem:$0x3FAC]  }
0x39: {  	_ = 	snop;
	(pc) =	sbr.ind lr, $3  }
0x3a: {  	_ = 	snop  }
0x3b: {  	_ = 	snop  }
0x3c: {  	p2 =	seq.s32 s10, $0x1;
	s10 =	sld [smem:$0x3FAB]  }
0x3d: {  	_ =	shalt  }
0x3e: {  	_ =	shalt  }
0x3f: {  	_ =	shalt  }
0x40: {  	_ =	shalt  }
0x41: {  	_ =	shalt  }
0x42: {  	_ =	shalt  }
0x43: {  	_ =	shalt  }
0x44: {  	_ =	shalt  }
0x45: {  	_ =	shalt  }
0x46: {  	_ =	shalt  }
0x47: {  	_ =	shalt  }
0x48: {  	_ =	shalt  }
0x49: {  	_ =	shalt  }
0x4a: {  	_ =	shalt  }
0x4b: {  	_ =	shalt  }
0x4c: {  	_ =	shalt  }
0x4d: {  	_ =	shalt  }
0x4e: {  	_ =	shalt  }
0x4f: {  	_ =	shalt  }
0x50: {  	_ =	shalt  }
0x51: {  	_ =	shalt  }
0x52: {  	_ =	shalt  }
0x53: {  	_ =	shalt  }
0x54: {  	_ =	shalt  }
0x55: {  	_ =	shalt  }
0x56: {  	_ =	shalt  }
0x57: {  	_ =	shalt  }
0x58: {  	_ =	shalt  }
0x59: {  	_ =	shalt  }
0x5a: {  	_ =	shalt  }
0x5b: {  	_ =	shalt  }
0x5c: {  	_ =	shalt  }
0x5d: {  	_ =	shalt  }
0x5e: {  	_ =	shalt  }
0x5f: {  	_ =	shalt  }
0x60: {  	_ =	shalt  }
0x61: {  	_ =	shalt  }
0x62: {  	_ =	shalt  }
0x63: {  	_ =	shalt  }
0x64: {  	_ =	shalt  }
0x65: {  	_ =	shalt  }
0x66: {  	_ =	shalt  }
0x67: {  	_ =	shalt  }
0x68: {  	_ =	shalt  }
0x69: {  	_ =	shalt  }
0x6a: {  	_ =	shalt  }
0x6b: {  	_ =	shalt  }
0x6c: {  	_ =	shalt  }
0x6d: {  	_ =	shalt  }
0x6e: {  	_ =	shalt  }
0x6f: {  	_ =	shalt  }
0x70: {  	_ =	shalt  }
0x71: {  	_ =	shalt  }
0x72: {  	_ =	shalt  }
0x73: {  	_ =	shalt  }
0x74: {  	_ =	shalt  }
0x75: {  	_ =	shalt  }
0x76: {  	_ =	shalt  }
0x77: {  	_ =	shalt  }
0x78: {  	_ =	shalt  }
0x79: {  	_ =	shalt  }
0x7a: {  	_ =	shalt  }
0x7b: {  	_ =	shalt  }
0x7c: {  	_ =	shalt  }
0x7d: {  	_ =	shalt  }
0x7e: {  	_ =	shalt  }
0x7f: {  	_ =	shalt  }
0x80: {  	_ =	shalt  }
0x81: {  	_ =	shalt  }
0x82: {  	_ =	shalt  }
0x83: {  	_ =	shalt  }
0x84: {  	_ =	shalt  }
0x85: {  	_ =	shalt  }
0x86: {  	_ =	shalt  }
0x87: {  	_ =	shalt  }
.Lfunc_end0:
.L_simem_size_0:
called_computation.1_lowered:
.L_overlay_start_0:
0x88: {  	s2 =	sld [smem:$0x3FD9]  }
0x89: {  	s3 =	sld [smem:$0x3FFE];
	_ =	sdelay $0x1  }
0x8a: {  	s1 =	srdreg.scid  }
0x8b: {  	s0 =	sand.u32 $0x1, s1  }
0x8c: {  	s16 =	sshll.u32 s0, $0xA;
	s2 =	sadd.s32 s3, s2  }
0x8d: {  	s2 =	sadd.s32 s2, s16  }
0x8e: {  	[smem:$0x3FB7] =	sst s2  }
0x8f: {  	_ = 	snop  }
0x90: {  	(tm) =	ssettm $0x1  }
0x91: {  	s17 =	sld [smem:$0x3FFB];
	_ =	sdelay $0x3  }
0x92: {  	_ =	strace s17  }
0x93: {  	s2 =	sld [smem:$0x3FFC];
	_ =	sdelay $0x3  }
0x94: {  	_ =	strace s2  }
0x95: {  	s2 =	sld [smem:$0x3FFD];
	_ =	sdelay $0x3  }
0x96: {  	_ =	strace s2  }
0x97: {  	_ =	strace $0x8FFFFFFF  }
0x98: {  	s18 =	sld [smem:$0x3FDB];
	_ =	sdelay $0x1  }
0x99: {  	s19 =	simm.s32 $_scs_section_size  }
0x9a: {  	s4 =	simm.s32 $_size__tile_overlayer_lowered;
	s5 =	simm.s32 $_tile_overlayer_lowered  }
0x9b: {  	s22 =	simm.s32 $0x1BFF;
	s21 =	sshll.u32 s5, $0x1;
	s2 =	sadd.s32 s19, s18  }
0x9c: {  	s6 =	simm.s32 $0x0;
	s20 =	sshll.u32 s4, $0x1;
	s4 =	sadd.s32 s21, s2  }
0x9d: {  	[timem:s6], [sflag:s22] =	dma.local [hbm:s4], s20  }
0x9e: {  	_ =	swait.ge [sflag:s22], s20  }
0x9f: {  	s3 =	ssub.s32 $0x0, s20;
	[sflag:s22] =	ssyncset.done $0x0  }
0xa0: {  	[sflag:s22] =	ssyncadd.s32 s3;
	_ =	sdelay $0x1  }
0xa1: {  	s23 =	simm.s32 $0x1B8B  }
0xa2: {  	_ =	swait.ge [sflag:s23], $0x1  }
0xa3: {  	[sflag:s23] =	ssyncset.done $0x0  }
0xa4: {  	s25 =	simm.s32 $0x1B8E;
	s24 =	sld [smem:$0x3FFE];
	[sflag:s23] =	ssyncadd.s32 $0xFFFFFFFF  }
0xa5: {  	s26 =	simm.s32 $execute0_lowered;
	[smem:$0x3FD2] =	sst s25  }
0xa6: {  	s4 =	sshll.u32 s26, $0x1;
	_ =	strace $0x80000046;
	[dreg:$0x1] =	wrdreg $0xFFFFFFFF  }
0xa7: {  	s28 =	simm.s32 $_size_execute0_lowered;
	s2 =	sadd.s32 s2, s4;
	[dreg:$0x0] =	wrdreg $0x0  }
0xa8: {  	s4 =	sshll.u32 s28, $0x1;
	[dreg:$0x2] =	wrdreg s2  }
0xa9: {  	[dreg:$0x3] =	wrdreg s4  }
0xaa: {  	[dreg:$0x4] =	wrdreg $0xC0  }
0xab: {  	_ =	task [dreg:s6], $0x5FFFF  }
0xac: {  	[dreg:$0x1] =	wrdreg $0xFFFFFFFF  }
0xad: {  	[dreg:$0x0] =	wrdreg $0x60  }
0xae: {  	[dreg:$0x2] =	wrdreg s24  }
0xaf: {  	[dreg:$0x3] =	wrdreg $0x0  }
0xb0: {  	[dreg:$0x4] =	wrdreg $0xA  }
0xb1: {  	_ =	task.clear_ibuf [dreg:s6], $0x5FFFF;
	_ =	strace $0x90000046  }
0xb2: {  	s29 =	simm.s32 $0xA;
	_ =	strace $0x80000048  }
0xb3: {  	_ =	swait.ge [sflag:s29], $0x1  }
0xb4: {  	[sflag:s29] =	ssyncadd.s32 $0xFFFFFFFF  }
0xb5: {  	_ =	strace $0x90000048  }
0xb6: {  	_ =	sfence  }
0xb7: {  	s30 =	sld [smem:$0x0];
	_ =	sdelay $0x2  }
0xb8: {  	s31 =	sshll.u32 s1, $0xD;
	s1 =	sshrl.u32 s1, $0x2  }
0xb9: {  	s3 =	sand.u32 $0x4000, s31;
	s1 =	sadd.s32 s1, s30  }
0xba: {  	s0 =	sor.u32 s3, s0;
	s1 =	sshll.u32 s1, $0x11  }
0xbb: {  	s0 =	sor.u32 s1, s0  }
0xbc: {  	s0 =	sadd.s32 $0x8F2B, s0  }
0xbd: {  	[sflag:s0] =	ssyncadd.remote.s32 $0x1  }
0xbe: {  	_ =	sfence.sel $0xFFFF  }
0xbf: {  	[dreg:$0x0] =	wrdreg $0xFFFFFFFF;
	(pc) =	sbr.abs _section_cstart, $3  }
0xc0: {  	[dreg:$0x1] =	wrdreg $0xFFFFFFFF  }
0xc1: {  	_ =	task.clear_ibuf [dreg:s6], $0x2FFFF;
	_ =	strace $0x9FFFFFFF  }
0xc2: {  	(tm) =	ssettm $0x7FFFFFFF  }
0xc3: {  	_ =	shalt  }
tec
execute0_lowered:
.L_overlay_start_1:
0x0: {  	(tag) =	ssettag $0x1  }
0x1: {  	s0 =	srdreg.scid;
	s7 =	rddreg [dreg:$0x0]  }
0x2: {  	s1 =	rddreg [dreg:$0x1];
	s13 =	stileid.u32  }
0x3: {  	s2 =	simm.s32 $0x0;
	s17 =	simm.s32 $0x80;
	s18 =	simm.s32 $0xEC80  }
0x4: {  	s20 =	simm.s32 $0x12C80;
	s22 =	simm.s32 $0x16C80;
	s24 =	simm.s32 $0x1AC80  }
0x5: {  	s28 =	simm.s32 $0x3;
	s29 =	simm.s32 $0x4;
	s31 =	simm.s32 $0xEB00  }
0x6: {  	s19 =	simm.s32 $0x0;
	s0 =	sand.u32 $0x1, s0;
	s8 =	smul.u32 $0x1380, s13  }
0x7: {  	[smem:$0x7FF] =	sst s2;
	s10 =	smul.u32 $0x27000, s13;
	s11 =	sadd.s32 $0x53000, s7  }
0x8: {  	s16 =	sadd.s32 $0x9C000, s1;
	p0 =	sne.s32 s13, $0x0;
	s30 =	sshll.u32 s13, $0x6  }
0x9: {  	s3 =	sshll.u32 s0, $0x4;
	_ =	strace $0x80000047;
	s26 =	smul.u32 $0x13880, s0  }
0xa: {  	s25 =	ssub.s32 $0x2, s0;
	s0 =	smul.u32 $0x9C400, s0;
	s14 =	sor.u32 $0x1C05, s30  }
0xb: {  	s16 =	sshrl.u32 @!p0 s16, $0x3;
	s3 =	sor.u32 s13, s3;
	s6 =	sadd.s32 s8, s7  }
0xc: {  	s9 =	sshrl.u32 s25, $0x1;
	s10 =	sshrl.u32 s10, $0x2;
	s13 =	simm.s32 $0xEC00  }
0xd: {  	s4 =	smul.u32 $0x500, s3;
	s3 =	sadd.s32 $0x18400, s7;
	s12 =	ssub.s32 s25, s9  }
0xe: {  	s15 =	sadd.s32 s10, s1;
	s6 =	sadd.s32 $0x3F600, s6;
	s8 =	sadd.s32 s8, s26  }
0xf: {  	s0 =	sshrl.u32 s0, $0x3;
	s25 =	simm.s32 $0x1;
	s26 =	simm.s32 $0x2  }
0x10: {  	s8 =	sadd.s32 s11, s8;
	s0 =	sadd.s32 s11, s0;
	s10 =	smax.u32 s12, $0x1  }
0x11: {  	s11 =	simm.s32 $0x9C80;
	s12 =	simm.s32 $0x5;
	s15 =	sshrl.u32 s15, $0x3  }
0x12: {  	s5 =	sadd.s32 s4, s7;
	s7 =	sadd.s32 $0x52E00, s7;
	s9 =	sadd.s32 $0x13800, s0  }
0x13: {  	s0 =	simm.s32 $0xEB80;
	s4 =	sadd.s32 $0xE400, s5;
	s5 =	sadd.s32 $0x4400, s5  }
.LBB2_1:
0x14: {  	[tilespmem:s11], [sflag:$0x5] =	stream.linear.gather [hbm4b:s4+s2], $0x2800, $0x38;
	[tilespmem:$0x1EC80] =	vst v63  }
0x15: {  	_ =	swait.ge [sflag:s12], $0x2800  }
0x16: {  	[sflag:s12] =	ssyncset.done $0x0  }
0x17: {  	s21 =	simm.s32 $0xC480;
	[sflag:s12] =	ssyncadd.s32 $0xFFFFD800  }
0x18: {  	[tilespmem:s21], [sflag:$0x5] =	stream.linear.gather [hbm4b:s5+s2], $0x2800, $0x38;
	[tilespmem:$0x1EC80] =	vst v63  }
0x19: {  	_ =	swait.ge [sflag:s12], $0x2800  }
0x1a: {  	[sflag:s12] =	ssyncset.done $0x0  }
0x1b: {  	[sflag:s12] =	ssyncadd.s32 $0xFFFFD800  }
0x1c: {  	[spmem:s15], [sflag:s14] =	dma.local [hbm:s6], $0x1380  }
0x1d: {  	_ =	swait.ge [sflag:s12], $0x1380  }
0x1e: {  	[sflag:s12] =	ssyncset.done $0x0  }
0x1f: {  	s21 =	simm.s32 @!p0 $0x5;
	[sflag:s12] =	ssyncadd.s32 $0xFFFFEC80  }
0x20: {  	[spmem:s16], [sflag:s14] =	dma.local @!p0 [hbm:s7], $0x80  }
0x21: {  	_ =	swait.ge @!p0 [sflag:s21], $0x80  }
0x22: {  	[sflag:s21] =	ssyncset.done @!p0 $0x0  }
0x23: {  	[sflag:s21] =	ssyncadd.s32 @!p0 $0xFFFFFF80  }
0x24: {  	[bflag:$0x0] =	sbarrier.arrive $0xFFFF  }
0x25: {  	[tilespmem:s18], [sflag:$0x1] =	stream.indirect.gather [hbm4b:s3+s17], $0x80, s11, s17, $0xb8;
	[tilespmem:$0x1EC80] =	vst v63  }
0x26: {  	s23 =	simm.s32 $0x9D00  }
0x27: {  	[tilespmem:s20], [sflag:$0x2] =	stream.indirect.gather [hbm4b:s3+s17], $0x80, s23, s17, $0xb8;
	[tilespmem:$0x1EC80] =	vst v63  }
0x28: {  	s30 =	simm.s32 $0x9D80  }
0x29: {  	[tilespmem:s22], [sflag:$0x3] =	stream.indirect.gather [hbm4b:s3+s17], $0x80, s30, s17, $0xb8;
	[tilespmem:$0x1EC80] =	vst v63  }
0x2a: {  	s23 =	simm.s32 $0x9E00  }
0x2b: {  	[tilespmem:s24], [sflag:$0x4] =	stream.indirect.gather [hbm4b:s3+s17], $0x80, s23, s17, $0xb8;
	[tilespmem:$0x1EC80] =	vst v63  }
0x2c: {  	_ =	swait.ge [sflag:s25], $0x4000  }
0x2d: {  	[sflag:s25] =	ssyncset.done $0x0  }
0x2e: {  	s30 =	simm.s32 $0xC480;
	[sflag:s25] =	ssyncadd.s32 $0xFFFFC000  }
0x2f: {  	[spmem:s1] =	stream.indirect.scatter.add.f32 [tilespmem:s18], [sflag:$0x5], $0x80, s30, s17, $0xb8;
	[tilespmem:$0x1EC80] =	vst v63  }
0x30: {  	_ =	swait.ge [sflag:s12], $0x4000  }
0x31: {  	[sflag:s12] =	ssyncset.done $0x0  }
0x32: {  	s23 =	simm.s32 $0x9E80;
	[sflag:s12] =	ssyncadd.s32 $0xFFFFC000  }
0x33: {  	[tilespmem:s18], [sflag:$0x1] =	stream.indirect.gather [hbm4b:s3+s17], $0x80, s23, s17, $0xb8;
	[tilespmem:$0x1EC80] =	vst v63  }
0x34: {  	_ =	swait.ge [sflag:s26], $0x4000  }
0x35: {  	[sflag:s26] =	ssyncset.done $0x0  }
0x36: {  	s30 =	simm.s32 $0xC500;
	[sflag:s26] =	ssyncadd.s32 $0xFFFFC000  }
0x37: {  	[spmem:s1] =	stream.indirect.scatter.add.f32 [tilespmem:s20], [sflag:$0x5], $0x80, s30, s17, $0xb8;
	[tilespmem:$0x1EC80] =	vst v63  }
0x38: {  	_ =	swait.ge [sflag:s12], $0x4000  }
0x39: {  	[sflag:s12] =	ssyncset.done $0x0  }
0x3a: {  	s23 =	simm.s32 $0x9F00;
	[sflag:s12] =	ssyncadd.s32 $0xFFFFC000  }
0x3b: {  	[tilespmem:s20], [sflag:$0x2] =	stream.indirect.gather [hbm4b:s3+s17], $0x80, s23, s17, $0xb8;
	[tilespmem:$0x1EC80] =	vst v63  }
0x3c: {  	_ =	swait.ge [sflag:s28], $0x4000  }
0x3d: {  	[sflag:s28] =	ssyncset.done $0x0  }
0x3e: {  	s30 =	simm.s32 $0xC580;
	[sflag:s28] =	ssyncadd.s32 $0xFFFFC000  }
0x3f: {  	[spmem:s1] =	stream.indirect.scatter.add.f32 [tilespmem:s22], [sflag:$0x5], $0x80, s30, s17, $0xb8;
	[tilespmem:$0x1EC80] =	vst v63  }
0x40: {  	_ =	swait.ge [sflag:s12], $0x4000  }
0x41: {  	[sflag:s12] =	ssyncset.done $0x0  }
0x42: {  	s23 =	simm.s32 $0x9F80;
	[sflag:s12] =	ssyncadd.s32 $0xFFFFC000  }
0x43: {  	[tilespmem:s22], [sflag:$0x3] =	stream.indirect.gather [hbm4b:s3+s17], $0x80, s23, s17, $0xb8;
	[tilespmem:$0x1EC80] =	vst v63  }
0x44: {  	_ =	swait.ge [sflag:s29], $0x4000  }
0x45: {  	[sflag:s29] =	ssyncset.done $0x0  }
0x46: {  	s30 =	simm.s32 $0xC600;
	[sflag:s29] =	ssyncadd.s32 $0xFFFFC000  }
0x47: {  	[spmem:s1] =	stream.indirect.scatter.add.f32 [tilespmem:s24], [sflag:$0x5], $0x80, s30, s17, $0xb8;
	[tilespmem:$0x1EC80] =	vst v63  }
0x48: {  	_ =	swait.ge [sflag:s12], $0x4000  }
0x49: {  	[sflag:s12] =	ssyncset.done $0x0  }
0x4a: {  	s21 =	simm.s32 $0x800;
	s23 =	simm.s32 $0xA000;
	[sflag:s12] =	ssyncadd.s32 $0xFFFFC000  }
.LBB2_2:
0x4b: {  	[tilespmem:s24], [sflag:$0x4] =	stream.indirect.gather [hbm4b:s3+s17], $0x80, s23, s17, $0xb8;
	[tilespmem:$0x1EC80] =	vst v63  }
0x4c: {  	s23 =	smov.u32 s21  }
0x4d: {  	p1 =	sne.s32 s21, $0x9000;
	s21 =	sadd.s32 $0x800, s21;
	_ =	swait.ge [sflag:s25], $0x4000  }
0x4e: {  	s23 =	sshra.s32 s23, $0x2;
	[sflag:s25] =	ssyncset.done $0x0  }
0x4f: {  	s30 =	sadd.s32 $0xC480, s23;
	[sflag:s25] =	ssyncadd.s32 $0xFFFFC000  }
0x50: {  	[spmem:s1] =	stream.indirect.scatter.add.f32 [tilespmem:s18], [sflag:$0x5], $0x80, s30, s17, $0xb8;
	[tilespmem:$0x1EC80] =	vst v63  }
0x51: {  	_ =	swait.ge [sflag:s12], $0x4000  }
0x52: {  	[sflag:s12] =	ssyncset.done $0x0  }
0x53: {  	s30 =	sadd.s32 $0x9E80, s23;
	[sflag:s12] =	ssyncadd.s32 $0xFFFFC000  }
0x54: {  	[tilespmem:s18], [sflag:$0x1] =	stream.indirect.gather [hbm4b:s3+s17], $0x80, s30, s17, $0xb8;
	[tilespmem:$0x1EC80] =	vst v63  }
0x55: {  	_ =	swait.ge [sflag:s26], $0x4000  }
0x56: {  	[sflag:s26] =	ssyncset.done $0x0  }
0x57: {  	s30 =	sadd.s32 $0xC500, s23;
	[sflag:s26] =	ssyncadd.s32 $0xFFFFC000  }
0x58: {  	[spmem:s1] =	stream.indirect.scatter.add.f32 [tilespmem:s20], [sflag:$0x5], $0x80, s30, s17, $0xb8;
	[tilespmem:$0x1EC80] =	vst v63  }
0x59: {  	_ =	swait.ge [sflag:s12], $0x4000  }
0x5a: {  	[sflag:s12] =	ssyncset.done $0x0  }
0x5b: {  	s30 =	sadd.s32 $0x9F00, s23;
	[sflag:s12] =	ssyncadd.s32 $0xFFFFC000  }
0x5c: {  	[tilespmem:s20], [sflag:$0x2] =	stream.indirect.gather [hbm4b:s3+s17], $0x80, s30, s17, $0xb8;
	[tilespmem:$0x1EC80] =	vst v63  }
0x5d: {  	_ =	swait.ge [sflag:s28], $0x4000  }
0x5e: {  	[sflag:s28] =	ssyncset.done $0x0  }
0x5f: {  	s30 =	sadd.s32 $0xC580, s23;
	[sflag:s28] =	ssyncadd.s32 $0xFFFFC000  }
0x60: {  	[spmem:s1] =	stream.indirect.scatter.add.f32 [tilespmem:s22], [sflag:$0x5], $0x80, s30, s17, $0xb8;
	[tilespmem:$0x1EC80] =	vst v63  }
0x61: {  	_ =	swait.ge [sflag:s12], $0x4000  }
0x62: {  	[sflag:s12] =	ssyncset.done $0x0  }
0x63: {  	s30 =	sadd.s32 $0x9F80, s23;
	[sflag:s12] =	ssyncadd.s32 $0xFFFFC000  }
0x64: {  	[tilespmem:s22], [sflag:$0x3] =	stream.indirect.gather [hbm4b:s3+s17], $0x80, s30, s17, $0xb8;
	[tilespmem:$0x1EC80] =	vst v63  }
0x65: {  	_ =	swait.ge [sflag:s29], $0x4000  }
0x66: {  	[sflag:s29] =	ssyncset.done $0x0  }
.Ltmp0:
0x67: {  	s30 =	sadd.s32 $0xC600, s23;
	[sflag:s29] =	ssyncadd.s32 $0xFFFFC000;
	(pc) =	sbr.rel @p1 .LBB2_2-.Ltmp0, $4  }
0x68: {  	[spmem:s1] =	stream.indirect.scatter.add.f32 [tilespmem:s24], [sflag:$0x5], $0x80, s30, s17, $0xb8;
	[tilespmem:$0x1EC80] =	vst v63  }
0x69: {  	_ =	swait.ge [sflag:s12], $0x4000  }
0x6a: {  	[sflag:s12] =	ssyncset.done $0x0  }
0x6b: {  	s23 =	sadd.s32 $0xA000, s23;
	[sflag:s12] =	ssyncadd.s32 $0xFFFFC000  }
0x6c: {  	[tilespmem:s24], [sflag:$0x4] =	stream.indirect.gather [hbm4b:s3+s17], $0x80, s23, s17, $0xb8;
	[tilespmem:$0x1EC80] =	vst v63  }
0x6d: {  	_ =	swait.ge [sflag:s25], $0x4000  }
0x6e: {  	[sflag:s25] =	ssyncset.done $0x0  }
0x6f: {  	s21 =	simm.s32 $0xEA80;
	[sflag:s25] =	ssyncadd.s32 $0xFFFFC000  }
0x70: {  	[spmem:s1] =	stream.indirect.scatter.add.f32 [tilespmem:s18], [sflag:$0x5], $0x80, s21, s17, $0xb8;
	[tilespmem:$0x1EC80] =	vst v63  }
0x71: {  	_ =	swait.ge [sflag:s12], $0x4000  }
0x72: {  	[sflag:s12] =	ssyncset.done $0x0  }
0x73: {  	[sflag:s12] =	ssyncadd.s32 $0xFFFFC000  }
0x74: {  	_ =	swait.ge [sflag:s26], $0x4000  }
0x75: {  	[sflag:s26] =	ssyncset.done $0x0  }
0x76: {  	[sflag:s26] =	ssyncadd.s32 $0xFFFFC000  }
0x77: {  	[spmem:s1] =	stream.indirect.scatter.add.f32 [tilespmem:s20], [sflag:$0x5], $0x80, s31, s17, $0xb8;
	[tilespmem:$0x1EC80] =	vst v63  }
0x78: {  	_ =	swait.ge [sflag:s12], $0x4000  }
0x79: {  	[sflag:s12] =	ssyncset.done $0x0  }
0x7a: {  	[sflag:s12] =	ssyncadd.s32 $0xFFFFC000  }
0x7b: {  	_ =	swait.ge [sflag:s28], $0x4000  }
0x7c: {  	[sflag:s28] =	ssyncset.done $0x0  }
0x7d: {  	[sflag:s28] =	ssyncadd.s32 $0xFFFFC000  }
0x7e: {  	[spmem:s1] =	stream.indirect.scatter.add.f32 [tilespmem:s22], [sflag:$0x5], $0x80, s0, s17, $0xb8;
	[tilespmem:$0x1EC80] =	vst v63  }
0x7f: {  	_ =	swait.ge [sflag:s12], $0x4000  }
0x80: {  	[sflag:s12] =	ssyncset.done $0x0  }
0x81: {  	[sflag:s12] =	ssyncadd.s32 $0xFFFFC000  }
0x82: {  	_ =	swait.ge [sflag:s29], $0x4000  }
0x83: {  	[sflag:s29] =	ssyncset.done $0x0  }
0x84: {  	[sflag:s29] =	ssyncadd.s32 $0xFFFFC000  }
0x85: {  	[spmem:s1] =	stream.indirect.scatter.add.f32 [tilespmem:s24], [sflag:$0x5], $0x80, s13, s17, $0xb8;
	[tilespmem:$0x1EC80] =	vst v63  }
0x86: {  	_ =	swait.ge [sflag:s12], $0x4000  }
0x87: {  	[sflag:s12] =	ssyncset.done $0x0  }
0x88: {  	[sflag:s12] =	ssyncadd.s32 $0xFFFFC000  }
0x89: {  	[bflag:$0x0] =	sbarrier.arrive $0xFFFF  }
0x8a: {  	[hbm:s8], [sflag:s14] =	dma.local [spmem:s15], $0x1380  }
0x8b: {  	s19 =	sadd.s32 $0x1, s19;
	_ =	swait.ge [sflag:s12], $0x1380  }
0x8c: {  	p1 =	sne.s32 s19, s10;
	[sflag:s12] =	ssyncset.done $0x0  }
.Ltmp1:
0x8d: {  	s21 =	simm.s32 @!p0 $0x5;
	[sflag:s12] =	ssyncadd.s32 $0xFFFFEC80;
	(pc) =	sbr.rel @p1 .LBB2_1-.Ltmp1, $4  }
0x8e: {  	[hbm:s9], [sflag:s14] =	dma.local @!p0 [spmem:s16], $0x80  }
0x8f: {  	_ =	swait.ge @!p0 [sflag:s21], $0x80  }
0x90: {  	[sflag:s21] =	ssyncset.done @!p0 $0x0  }
0x91: {  	[sflag:s21] =	ssyncadd.s32 @!p0 $0xFFFFFF80  }
0x92: {  	_ =	sfence.sel $0x180000  }
0x93: {  	[bflag:$0x0] =	sbarrier.arrive $0xFFFF  }
0x94: {  	_ =	strace $0x90000047  }
0x95: {  	[bflag:$0x2] =	sbarrier.arrive $0xFFFF  }
0x96: {  	s0 =	rddreg [dreg:$0x2]  }
0x97: {  	s0 =	sadd.s32 @!p0 $0x100000, s0  }
0x98: {  	[sflag:s0] =	ssyncadd.tile.s32 @!p0 $0x1;
	_ =	shalt  }
.Lfunc_end2:
_tile_overlayer_lowered:
.L_overlay_start_2:
0x99: {  	(tag) =	ssettag $0x2  }
0x9a: {  	s0 =	rddreg [dreg:$0x0];
	s2 =	stileid.u32  }
0x9b: {  	s1 =	rddreg [dreg:$0x1];
	p0 =	sne.s32 s2, $0x0  }
0x9c: {  	s3 =	rddreg [dreg:$0x2];
	[bflag:$0x3] =	sbarrier.arrive $0xFFFF;
	s2 =	simm.s32 @!p0 $0x1C05  }
0x9d: {  	[timem:s3], [sflag:s2] =	dma.local @!p0 [hbm:s0], s1  }
0x9e: {  	s0 =	simm.s32 @!p0 $0x5  }
0x9f: {  	_ =	swait.ge @!p0 [sflag:s0], s1  }
0xa0: {  	s1 =	ssub.s32 @!p0 $0x0, s1;
	[sflag:s0] =	ssyncset.done @!p0 $0x0  }
0xa1: {  	[sflag:s0] =	ssyncadd.s32 @!p0 s1  }
0xa2: {  	[bflag:$0x3] =	sbarrier.arrive $0xFFFF  }
0xa3: {  	_ =	shalt  }

// kernel: kernel.17.cloned.1.call-start
scs
__scs_entry_jumppad:
0x0: {  	(pc) =	sbr.rel $0x88, $3  }
0x1: {  	(tag) =	ssettag $0x0;
	lr =	simm.s32 $0x1  }
0x2: {  	[smem:$0x3F90] =	sst lr;
	_ =	strace $0xD0000000  }
0x3: {  	_ = 	snop  }
0x4: {  	_ = 	snop  }
0x5: {  	_ = 	snop  }
0x6: {  	_ = 	snop  }
0x7: {  	_ = 	snop  }
__scs_overlays_trampoline_lowered:
0x8: {  	[smem:$0x3F9F] =	sst s0  }
0x9: {  	[smem:$0x3FA0] =	sst s1  }
0xa: {  	[smem:$0x3FA1] =	sst s2  }
0xb: {  	[smem:$0x3FA2] =	sst s3  }
0xc: {  	[smem:$0x3FA3] =	sst s4  }
0xd: {  	[smem:$0x3FA4] =	sst s5  }
0xe: {  	[smem:$0x3FA5] =	sst s6  }
0xf: {  	[smem:$0x3FA6] =	sst s7  }
0x10: {  	[smem:$0x3FA7] =	sst s8  }
0x11: {  	[smem:$0x3FA8] =	sst s9;
	s0 =	simm.s32 @!p0 $0x0  }
0x12: {  	s1 =	sld [smem:$0x3F8E];
	s0 =	simm.s32 @p0 $0x1  }
0x13: {  	[smem:$0x3FA9] =	sst s0;
	s0 =	simm.s32 @!p1 $0x0  }
0x14: {  	s2 =	sld [smem:$0x3F8D];
	s0 =	simm.s32 @p1 $0x1  }
0x15: {  	[smem:$0x3FAA] =	sst s0;
	s0 =	simm.s32 @!p2 $0x0  }
0x16: {  	s3 =	sld [smem:$0x3FDB];
	s0 =	simm.s32 @p2 $0x1  }
0x17: {  	s4 =	simm.s32 $0x1BF5;
	[smem:$0x3FAC] =	sst s0  }
0x18: {  	s0 =	sld [smem:$0x3F8F];
	_ =	swait.ge [sflag:s4], $0x0  }
0x19: {  	s7 =	sld [smem:$0x3F90]  }
0x1a: {  	s8 =	sadd.s32 $0xFFFFE003, lr  }
0x1b: {  	s9 =	sadd.s32 $0xFFFFFEF7, lr;
	s5 =	simm.s32 $0xFFFFFFFF;
	p2 =	slt.u32 s8, $0xFFFFF086  }
0x1c: {  	p1 =	slt.u32 s9, $0xF7A;
	s5 =	simm.s32 @!p2 $0x0  }
0x1d: {  	s5 =	simm.s32 @p1 $0x1;
	p0 =	seq.s32 s7, s2  }
0x1e: {  	s7 =	smul.u32 @!p0 $0xF7A, s2;
	p2 =	seq.s32 @!p0 s5, $0x0  }
0x1f: {  	s9 =	smul.u32 $0xF7A, s1;
	s8 =	simm.s32 @!p0 $0x1BF5;
	p2 =	por !p2, p0  }
0x20: {  	[sflag:s8] =	ssyncset.s32 @!p0 $0xFFFFF086;
	s6 =	sadd.s32 @!p0 s3, s7;
	s7 =	simm.s32 @!p0 $0x108  }
0x21: {  	s3 =	sadd.s32 s3, s9;
	s6 =	sadd.s32 @!p0 $0x88, s6;
	s7 =	simm.s32 @p2 $0x1082  }
0x22: {  	[simem:s7], [sflag:s8] =	dma.local @!p0 [hbm:s6], $0xF7A  }
0x23: {  	s9 =	sor.u32 $0xD0000000, s2;
	s6 =	simm.s32 $0x108;
	_ =	swait.ge @!p0 [sflag:s8], $0x0  }
0x24: {  	s3 =	sadd.s32 $0x88, s3;
	s6 =	simm.s32 @!p1 $0x1082;
	[sflag:s4] =	ssyncset.s32 $0xFFFFF086  }
0x25: {  	[simem:s6], [sflag:s4] =	dma.local [hbm:s3], $0xF7A  }
0x26: {  	[smem:$0x3F90] =	sst s1;
	(tag) =	ssettag s2;
	_ =	strace s9  }
0x27: {  	s1 =	sld [smem:$0x3FA0]  }
0x28: {  	s2 =	sld [smem:$0x3FA1]  }
0x29: {  	s4 =	sld [smem:$0x3FA3]  }
0x2a: {  	p0 =	seq.s32 s5, $0x0;
	s5 =	sld [smem:$0x3FA4]  }
0x2b: {  	s6 =	sld [smem:$0x3FA5]  }
0x2c: {  	s7 =	sld [smem:$0x3FA6]  }
0x2d: {  	s3 =	simm.s32 $0x108;
	s8 =	sld [smem:$0x3FA7]  }
0x2e: {  	s3 =	simm.s32 @!p0 $0x1082;
	s9 =	sld [smem:$0x3FA8]  }
0x2f: {  	lr =	sadd.s32 s0, s3;
	s0 =	sld [smem:$0x3F9F]  }
0x30: {  	s3 =	sld [smem:$0x3FA2]  }
0x31: {  	[smem:$0x3FAB] =	sst s10  }
0x32: {  	s10 =	sld [smem:$0x3FA9];
	_ =	sdelay $0x3  }
0x33: {  	p0 =	seq.s32 s10, $0x1;
	s10 =	sld [smem:$0x3FAB];
	_ =	sdelay $0x3  }
0x34: {  	[smem:$0x3FAB] =	sst s10  }
0x35: {  	s10 =	sld [smem:$0x3FAA];
	_ =	sdelay $0x3  }
0x36: {  	p1 =	seq.s32 s10, $0x1;
	s10 =	sld [smem:$0x3FAB];
	_ =	sdelay $0x3  }
0x37: {  	[smem:$0x3FAB] =	sst s10  }
0x38: {  	s10 =	sld [smem:$0x3FAC]  }
0x39: {  	_ = 	snop;
	(pc) =	sbr.ind lr, $3  }
0x3a: {  	_ = 	snop  }
0x3b: {  	_ = 	snop  }
0x3c: {  	p2 =	seq.s32 s10, $0x1;
	s10 =	sld [smem:$0x3FAB]  }
0x3d: {  	_ =	shalt  }
0x3e: {  	_ =	shalt  }
0x3f: {  	_ =	shalt  }
0x40: {  	_ =	shalt  }
0x41: {  	_ =	shalt  }
0x42: {  	_ =	shalt  }
0x43: {  	_ =	shalt  }
0x44: {  	_ =	shalt  }
0x45: {  	_ =	shalt  }
0x46: {  	_ =	shalt  }
0x47: {  	_ =	shalt  }
0x48: {  	_ =	shalt  }
0x49: {  	_ =	shalt  }
0x4a: {  	_ =	shalt  }
0x4b: {  	_ =	shalt  }
0x4c: {  	_ =	shalt  }
0x4d: {  	_ =	shalt  }
0x4e: {  	_ =	shalt  }
0x4f: {  	_ =	shalt  }
0x50: {  	_ =	shalt  }
0x51: {  	_ =	shalt  }
0x52: {  	_ =	shalt  }
0x53: {  	_ =	shalt  }
0x54: {  	_ =	shalt  }
0x55: {  	_ =	shalt  }
0x56: {  	_ =	shalt  }
0x57: {  	_ =	shalt  }
0x58: {  	_ =	shalt  }
0x59: {  	_ =	shalt  }
0x5a: {  	_ =	shalt  }
0x5b: {  	_ =	shalt  }
0x5c: {  	_ =	shalt  }
0x5d: {  	_ =	shalt  }
0x5e: {  	_ =	shalt  }
0x5f: {  	_ =	shalt  }
0x60: {  	_ =	shalt  }
0x61: {  	_ =	shalt  }
0x62: {  	_ =	shalt  }
0x63: {  	_ =	shalt  }
0x64: {  	_ =	shalt  }
0x65: {  	_ =	shalt  }
0x66: {  	_ =	shalt  }
0x67: {  	_ =	shalt  }
0x68: {  	_ =	shalt  }
0x69: {  	_ =	shalt  }
0x6a: {  	_ =	shalt  }
0x6b: {  	_ =	shalt  }
0x6c: {  	_ =	shalt  }
0x6d: {  	_ =	shalt  }
0x6e: {  	_ =	shalt  }
0x6f: {  	_ =	shalt  }
0x70: {  	_ =	shalt  }
0x71: {  	_ =	shalt  }
0x72: {  	_ =	shalt  }
0x73: {  	_ =	shalt  }
0x74: {  	_ =	shalt  }
0x75: {  	_ =	shalt  }
0x76: {  	_ =	shalt  }
0x77: {  	_ =	shalt  }
0x78: {  	_ =	shalt  }
0x79: {  	_ =	shalt  }
0x7a: {  	_ =	shalt  }
0x7b: {  	_ =	shalt  }
0x7c: {  	_ =	shalt  }
0x7d: {  	_ =	shalt  }
0x7e: {  	_ =	shalt  }
0x7f: {  	_ =	shalt  }
0x80: {  	_ =	shalt  }
0x81: {  	_ =	shalt  }
0x82: {  	_ =	shalt  }
0x83: {  	_ =	shalt  }
0x84: {  	_ =	shalt  }
0x85: {  	_ =	shalt  }
0x86: {  	_ =	shalt  }
0x87: {  	_ =	shalt  }
.Lfunc_end0:
.L_simem_size_0:
called_computation.2_lowered:
.L_overlay_start_0:
0x88: {  	s2 =	sld [smem:$0x3FD9]  }
0x89: {  	s3 =	sld [smem:$0x3FFE];
	_ =	sdelay $0x1  }
0x8a: {  	s1 =	srdreg.scid  }
0x8b: {  	s0 =	sand.u32 $0x1, s1  }
0x8c: {  	s16 =	sshll.u32 s0, $0xA;
	s2 =	sadd.s32 s3, s2  }
0x8d: {  	s2 =	sadd.s32 s2, s16  }
0x8e: {  	[smem:$0x3FB7] =	sst s2  }
0x8f: {  	_ = 	snop  }
0x90: {  	(tm) =	ssettm $0x1  }
0x91: {  	s17 =	sld [smem:$0x3FFB];
	_ =	sdelay $0x3  }
0x92: {  	_ =	strace s17  }
0x93: {  	s2 =	sld [smem:$0x3FFC];
	_ =	sdelay $0x3  }
0x94: {  	_ =	strace s2  }
0x95: {  	s2 =	sld [smem:$0x3FFD];
	_ =	sdelay $0x3  }
0x96: {  	_ =	strace s2  }
0x97: {  	_ =	strace $0x8FFFFFFF  }
0x98: {  	s18 =	sld [smem:$0x3FDB];
	_ =	sdelay $0x1  }
0x99: {  	s19 =	simm.s32 $_scs_section_size  }
0x9a: {  	s4 =	simm.s32 $_size__tile_overlayer_lowered;
	s5 =	simm.s32 $_tile_overlayer_lowered  }
0x9b: {  	s22 =	simm.s32 $0x1BFF;
	s21 =	sshll.u32 s5, $0x1;
	s2 =	sadd.s32 s19, s18  }
0x9c: {  	s6 =	simm.s32 $0x0;
	s20 =	sshll.u32 s4, $0x1;
	s4 =	sadd.s32 s21, s2  }
0x9d: {  	[timem:s6], [sflag:s22] =	dma.local [hbm:s4], s20  }
0x9e: {  	_ =	swait.ge [sflag:s22], s20  }
0x9f: {  	s3 =	ssub.s32 $0x0, s20;
	[sflag:s22] =	ssyncset.done $0x0  }
0xa0: {  	[sflag:s22] =	ssyncadd.s32 s3;
	_ =	sdelay $0x1  }
0xa1: {  	s23 =	simm.s32 $0x1B8B  }
0xa2: {  	_ =	swait.ge [sflag:s23], $0x1  }
0xa3: {  	[sflag:s23] =	ssyncset.done $0x0  }
0xa4: {  	s25 =	simm.s32 $0x1B8E;
	s24 =	sld [smem:$0x3FFE];
	[sflag:s23] =	ssyncadd.s32 $0xFFFFFFFF  }
0xa5: {  	s26 =	simm.s32 $execute0_lowered;
	[smem:$0x3FD2] =	sst s25  }
0xa6: {  	s4 =	sshll.u32 s26, $0x1;
	_ =	strace $0x8000004C;
	[dreg:$0x1] =	wrdreg $0xFFFFFFFF  }
0xa7: {  	s28 =	simm.s32 $_size_execute0_lowered;
	s2 =	sadd.s32 s2, s4;
	[dreg:$0x0] =	wrdreg $0x0  }
0xa8: {  	s4 =	sshll.u32 s28, $0x1;
	[dreg:$0x2] =	wrdreg s2  }
0xa9: {  	[dreg:$0x3] =	wrdreg s4  }
0xaa: {  	[dreg:$0x4] =	wrdreg $0xC0  }
0xab: {  	_ =	task [dreg:s6], $0x5FFFF  }
0xac: {  	[dreg:$0x1] =	wrdreg $0xFFFFFFFF  }
0xad: {  	[dreg:$0x0] =	wrdreg $0x60  }
0xae: {  	[dreg:$0x2] =	wrdreg s24  }
0xaf: {  	[dreg:$0x3] =	wrdreg $0x0  }
0xb0: {  	[dreg:$0x4] =	wrdreg $0x9  }
0xb1: {  	_ =	task.clear_ibuf [dreg:s6], $0x5FFFF;
	_ =	strace $0x9000004C  }
0xb2: {  	s29 =	simm.s32 $0x9;
	_ =	strace $0x8000004E  }
0xb3: {  	_ =	swait.ge [sflag:s29], $0x1  }
0xb4: {  	[sflag:s29] =	ssyncadd.s32 $0xFFFFFFFF  }
0xb5: {  	_ =	strace $0x9000004E  }
0xb6: {  	_ =	sfence  }
0xb7: {  	s30 =	sld [smem:$0x0];
	_ =	sdelay $0x2  }
0xb8: {  	s31 =	sshll.u32 s1, $0xD;
	s1 =	sshrl.u32 s1, $0x2  }
0xb9: {  	s3 =	sand.u32 $0x4000, s31;
	s1 =	sadd.s32 s1, s30  }
0xba: {  	s0 =	sor.u32 s3, s0;
	s1 =	sshll.u32 s1, $0x11  }
0xbb: {  	s0 =	sor.u32 s1, s0  }
0xbc: {  	s0 =	sadd.s32 $0x8F2B, s0  }
0xbd: {  	[sflag:s0] =	ssyncadd.remote.s32 $0x1  }
0xbe: {  	_ =	sfence.sel $0xFFFF  }
0xbf: {  	[dreg:$0x0] =	wrdreg $0xFFFFFFFF;
	(pc) =	sbr.abs _section_cstart, $3  }
0xc0: {  	[dreg:$0x1] =	wrdreg $0xFFFFFFFF  }
0xc1: {  	_ =	task.clear_ibuf [dreg:s6], $0x2FFFF;
	_ =	strace $0x9FFFFFFF  }
0xc2: {  	(tm) =	ssettm $0x7FFFFFFF  }
0xc3: {  	_ =	shalt  }
tec
execute0_lowered:
.L_overlay_start_1:
0x0: {  	(tag) =	ssettag $0x1  }
0x1: {  	s0 =	srdreg.scid;
	s7 =	rddreg [dreg:$0x0]  }
0x2: {  	s1 =	rddreg [dreg:$0x1];
	s13 =	stileid.u32  }
0x3: {  	s2 =	simm.s32 $0x0;
	s17 =	simm.s32 $0x80;
	s18 =	simm.s32 $0xEC80  }
0x4: {  	s20 =	simm.s32 $0x12C80;
	s22 =	simm.s32 $0x16C80;
	s24 =	simm.s32 $0x1AC80  }
0x5: {  	s28 =	simm.s32 $0x3;
	s29 =	simm.s32 $0x4;
	s31 =	simm.s32 $0xEB00  }
0x6: {  	s19 =	simm.s32 $0x0;
	s0 =	sand.u32 $0x1, s0;
	s8 =	smul.u32 $0x1380, s13  }
0x7: {  	[smem:$0x7FF] =	sst s2;
	s10 =	smul.u32 $0x27000, s13;
	s11 =	sadd.s32 $0x53000, s7  }
0x8: {  	s16 =	sadd.s32 $0x9C000, s1;
	p0 =	sne.s32 s13, $0x0;
	s30 =	sshll.u32 s13, $0x6  }
0x9: {  	s3 =	sshll.u32 s0, $0x4;
	_ =	strace $0x8000004D;
	s26 =	smul.u32 $0x13880, s0  }
0xa: {  	s25 =	ssub.s32 $0x2, s0;
	s0 =	smul.u32 $0x9C400, s0;
	s14 =	sor.u32 $0x1C05, s30  }
0xb: {  	s16 =	sshrl.u32 @!p0 s16, $0x3;
	s3 =	sor.u32 s13, s3;
	s6 =	sadd.s32 s8, s7  }
0xc: {  	s9 =	sshrl.u32 s25, $0x1;
	s10 =	sshrl.u32 s10, $0x2;
	s13 =	simm.s32 $0xEC00  }
0xd: {  	s4 =	smul.u32 $0x500, s3;
	s3 =	sadd.s32 $0x18400, s7;
	s12 =	ssub.s32 s25, s9  }
0xe: {  	s15 =	sadd.s32 s10, s1;
	s6 =	sadd.s32 $0x3F600, s6;
	s8 =	sadd.s32 s8, s26  }
0xf: {  	s0 =	sshrl.u32 s0, $0x3;
	s25 =	simm.s32 $0x1;
	s26 =	simm.s32 $0x2  }
0x10: {  	s8 =	sadd.s32 s11, s8;
	s0 =	sadd.s32 s11, s0;
	s10 =	smax.u32 s12, $0x1  }
0x11: {  	s11 =	simm.s32 $0x9C80;
	s12 =	simm.s32 $0x5;
	s15 =	sshrl.u32 s15, $0x3  }
0x12: {  	s5 =	sadd.s32 s4, s7;
	s7 =	sadd.s32 $0x52E00, s7;
	s9 =	sadd.s32 $0x13800, s0  }
0x13: {  	s0 =	simm.s32 $0xEB80;
	s4 =	sadd.s32 $0xE400, s5;
	s5 =	sadd.s32 $0x4400, s5  }
.LBB2_1:
0x14: {  	[tilespmem:s11], [sflag:$0x5] =	stream.linear.gather [hbm4b:s4+s2], $0x2800, $0x38;
	[tilespmem:$0x1EC80] =	vst v63  }
0x15: {  	_ =	swait.ge [sflag:s12], $0x2800  }
0x16: {  	[sflag:s12] =	ssyncset.done $0x0  }
0x17: {  	s21 =	simm.s32 $0xC480;
	[sflag:s12] =	ssyncadd.s32 $0xFFFFD800  }
0x18: {  	[tilespmem:s21], [sflag:$0x5] =	stream.linear.gather [hbm4b:s5+s2], $0x2800, $0x38;
	[tilespmem:$0x1EC80] =	vst v63  }
0x19: {  	_ =	swait.ge [sflag:s12], $0x2800  }
0x1a: {  	[sflag:s12] =	ssyncset.done $0x0  }
0x1b: {  	[sflag:s12] =	ssyncadd.s32 $0xFFFFD800  }
0x1c: {  	[spmem:s15], [sflag:s14] =	dma.local [hbm:s6], $0x1380  }
0x1d: {  	_ =	swait.ge [sflag:s12], $0x1380  }
0x1e: {  	[sflag:s12] =	ssyncset.done $0x0  }
0x1f: {  	s21 =	simm.s32 @!p0 $0x5;
	[sflag:s12] =	ssyncadd.s32 $0xFFFFEC80  }
0x20: {  	[spmem:s16], [sflag:s14] =	dma.local @!p0 [hbm:s7], $0x80  }
0x21: {  	_ =	swait.ge @!p0 [sflag:s21], $0x80  }
0x22: {  	[sflag:s21] =	ssyncset.done @!p0 $0x0  }
0x23: {  	[sflag:s21] =	ssyncadd.s32 @!p0 $0xFFFFFF80  }
0x24: {  	[bflag:$0x0] =	sbarrier.arrive $0xFFFF  }
0x25: {  	[tilespmem:s18], [sflag:$0x1] =	stream.indirect.gather [hbm4b:s3+s17], $0x80, s11, s17, $0xb8;
	[tilespmem:$0x1EC80] =	vst v63  }
0x26: {  	s23 =	simm.s32 $0x9D00  }
0x27: {  	[tilespmem:s20], [sflag:$0x2] =	stream.indirect.gather [hbm4b:s3+s17], $0x80, s23, s17, $0xb8;
	[tilespmem:$0x1EC80] =	vst v63  }
0x28: {  	s30 =	simm.s32 $0x9D80  }
0x29: {  	[tilespmem:s22], [sflag:$0x3] =	stream.indirect.gather [hbm4b:s3+s17], $0x80, s30, s17, $0xb8;
	[tilespmem:$0x1EC80] =	vst v63  }
0x2a: {  	s23 =	simm.s32 $0x9E00  }
0x2b: {  	[tilespmem:s24], [sflag:$0x4] =	stream.indirect.gather [hbm4b:s3+s17], $0x80, s23, s17, $0xb8;
	[tilespmem:$0x1EC80] =	vst v63  }
0x2c: {  	_ =	swait.ge [sflag:s25], $0x4000  }
0x2d: {  	[sflag:s25] =	ssyncset.done $0x0  }
0x2e: {  	s30 =	simm.s32 $0xC480;
	[sflag:s25] =	ssyncadd.s32 $0xFFFFC000  }
0x2f: {  	[spmem:s1] =	stream.indirect.scatter.add.f32 [tilespmem:s18], [sflag:$0x5], $0x80, s30, s17, $0xb8;
	[tilespmem:$0x1EC80] =	vst v63  }
0x30: {  	_ =	swait.ge [sflag:s12], $0x4000  }
0x31: {  	[sflag:s12] =	ssyncset.done $0x0  }
0x32: {  	s23 =	simm.s32 $0x9E80;
	[sflag:s12] =	ssyncadd.s32 $0xFFFFC000  }
0x33: {  	[tilespmem:s18], [sflag:$0x1] =	stream.indirect.gather [hbm4b:s3+s17], $0x80, s23, s17, $0xb8;
	[tilespmem:$0x1EC80] =	vst v63  }
0x34: {  	_ =	swait.ge [sflag:s26], $0x4000  }
0x35: {  	[sflag:s26] =	ssyncset.done $0x0  }
0x36: {  	s30 =	simm.s32 $0xC500;
	[sflag:s26] =	ssyncadd.s32 $0xFFFFC000  }
0x37: {  	[spmem:s1] =	stream.indirect.scatter.add.f32 [tilespmem:s20], [sflag:$0x5], $0x80, s30, s17, $0xb8;
	[tilespmem:$0x1EC80] =	vst v63  }
0x38: {  	_ =	swait.ge [sflag:s12], $0x4000  }
0x39: {  	[sflag:s12] =	ssyncset.done $0x0  }
0x3a: {  	s23 =	simm.s32 $0x9F00;
	[sflag:s12] =	ssyncadd.s32 $0xFFFFC000  }
0x3b: {  	[tilespmem:s20], [sflag:$0x2] =	stream.indirect.gather [hbm4b:s3+s17], $0x80, s23, s17, $0xb8;
	[tilespmem:$0x1EC80] =	vst v63  }
0x3c: {  	_ =	swait.ge [sflag:s28], $0x4000  }
0x3d: {  	[sflag:s28] =	ssyncset.done $0x0  }
0x3e: {  	s30 =	simm.s32 $0xC580;
	[sflag:s28] =	ssyncadd.s32 $0xFFFFC000  }
0x3f: {  	[spmem:s1] =	stream.indirect.scatter.add.f32 [tilespmem:s22], [sflag:$0x5], $0x80, s30, s17, $0xb8;
	[tilespmem:$0x1EC80] =	vst v63  }
0x40: {  	_ =	swait.ge [sflag:s12], $0x4000  }
0x41: {  	[sflag:s12] =	ssyncset.done $0x0  }
0x42: {  	s23 =	simm.s32 $0x9F80;
	[sflag:s12] =	ssyncadd.s32 $0xFFFFC000  }
0x43: {  	[tilespmem:s22], [sflag:$0x3] =	stream.indirect.gather [hbm4b:s3+s17], $0x80, s23, s17, $0xb8;
	[tilespmem:$0x1EC80] =	vst v63  }
0x44: {  	_ =	swait.ge [sflag:s29], $0x4000  }
0x45: {  	[sflag:s29] =	ssyncset.done $0x0  }
0x46: {  	s30 =	simm.s32 $0xC600;
	[sflag:s29] =	ssyncadd.s32 $0xFFFFC000  }
0x47: {  	[spmem:s1] =	stream.indirect.scatter.add.f32 [tilespmem:s24], [sflag:$0x5], $0x80, s30, s17, $0xb8;
	[tilespmem:$0x1EC80] =	vst v63  }
0x48: {  	_ =	swait.ge [sflag:s12], $0x4000  }
0x49: {  	[sflag:s12] =	ssyncset.done $0x0  }
0x4a: {  	s21 =	simm.s32 $0x800;
	s23 =	simm.s32 $0xA000;
	[sflag:s12] =	ssyncadd.s32 $0xFFFFC000  }
.LBB2_2:
0x4b: {  	[tilespmem:s24], [sflag:$0x4] =	stream.indirect.gather [hbm4b:s3+s17], $0x80, s23, s17, $0xb8;
	[tilespmem:$0x1EC80] =	vst v63  }
0x4c: {  	s23 =	smov.u32 s21  }
0x4d: {  	p1 =	sne.s32 s21, $0x9000;
	s21 =	sadd.s32 $0x800, s21;
	_ =	swait.ge [sflag:s25], $0x4000  }
0x4e: {  	s23 =	sshra.s32 s23, $0x2;
	[sflag:s25] =	ssyncset.done $0x0  }
0x4f: {  	s30 =	sadd.s32 $0xC480, s23;
	[sflag:s25] =	ssyncadd.s32 $0xFFFFC000  }
0x50: {  	[spmem:s1] =	stream.indirect.scatter.add.f32 [tilespmem:s18], [sflag:$0x5], $0x80, s30, s17, $0xb8;
	[tilespmem:$0x1EC80] =	vst v63  }
0x51: {  	_ =	swait.ge [sflag:s12], $0x4000  }
0x52: {  	[sflag:s12] =	ssyncset.done $0x0  }
0x53: {  	s30 =	sadd.s32 $0x9E80, s23;
	[sflag:s12] =	ssyncadd.s32 $0xFFFFC000  }
0x54: {  	[tilespmem:s18], [sflag:$0x1] =	stream.indirect.gather [hbm4b:s3+s17], $0x80, s30, s17, $0xb8;
	[tilespmem:$0x1EC80] =	vst v63  }
0x55: {  	_ =	swait.ge [sflag:s26], $0x4000  }
0x56: {  	[sflag:s26] =	ssyncset.done $0x0  }
0x57: {  	s30 =	sadd.s32 $0xC500, s23;
	[sflag:s26] =	ssyncadd.s32 $0xFFFFC000  }
0x58: {  	[spmem:s1] =	stream.indirect.scatter.add.f32 [tilespmem:s20], [sflag:$0x5], $0x80, s30, s17, $0xb8;
	[tilespmem:$0x1EC80] =	vst v63  }
0x59: {  	_ =	swait.ge [sflag:s12], $0x4000  }
0x5a: {  	[sflag:s12] =	ssyncset.done $0x0  }
0x5b: {  	s30 =	sadd.s32 $0x9F00, s23;
	[sflag:s12] =	ssyncadd.s32 $0xFFFFC000  }
0x5c: {  	[tilespmem:s20], [sflag:$0x2] =	stream.indirect.gather [hbm4b:s3+s17], $0x80, s30, s17, $0xb8;
	[tilespmem:$0x1EC80] =	vst v63  }
0x5d: {  	_ =	swait.ge [sflag:s28], $0x4000  }
0x5e: {  	[sflag:s28] =	ssyncset.done $0x0  }
0x5f: {  	s30 =	sadd.s32 $0xC580, s23;
	[sflag:s28] =	ssyncadd.s32 $0xFFFFC000  }
0x60: {  	[spmem:s1] =	stream.indirect.scatter.add.f32 [tilespmem:s22], [sflag:$0x5], $0x80, s30, s17, $0xb8;
	[tilespmem:$0x1EC80] =	vst v63  }
0x61: {  	_ =	swait.ge [sflag:s12], $0x4000  }
0x62: {  	[sflag:s12] =	ssyncset.done $0x0  }
0x63: {  	s30 =	sadd.s32 $0x9F80, s23;
	[sflag:s12] =	ssyncadd.s32 $0xFFFFC000  }
0x64: {  	[tilespmem:s22], [sflag:$0x3] =	stream.indirect.gather [hbm4b:s3+s17], $0x80, s30, s17, $0xb8;
	[tilespmem:$0x1EC80] =	vst v63  }
0x65: {  	_ =	swait.ge [sflag:s29], $0x4000  }
0x66: {  	[sflag:s29] =	ssyncset.done $0x0  }
.Ltmp0:
0x67: {  	s30 =	sadd.s32 $0xC600, s23;
	[sflag:s29] =	ssyncadd.s32 $0xFFFFC000;
	(pc) =	sbr.rel @p1 .LBB2_2-.Ltmp0, $4  }
0x68: {  	[spmem:s1] =	stream.indirect.scatter.add.f32 [tilespmem:s24], [sflag:$0x5], $0x80, s30, s17, $0xb8;
	[tilespmem:$0x1EC80] =	vst v63  }
0x69: {  	_ =	swait.ge [sflag:s12], $0x4000  }
0x6a: {  	[sflag:s12] =	ssyncset.done $0x0  }
0x6b: {  	s23 =	sadd.s32 $0xA000, s23;
	[sflag:s12] =	ssyncadd.s32 $0xFFFFC000  }
0x6c: {  	[tilespmem:s24], [sflag:$0x4] =	stream.indirect.gather [hbm4b:s3+s17], $0x80, s23, s17, $0xb8;
	[tilespmem:$0x1EC80] =	vst v63  }
0x6d: {  	_ =	swait.ge [sflag:s25], $0x4000  }
0x6e: {  	[sflag:s25] =	ssyncset.done $0x0  }
0x6f: {  	s21 =	simm.s32 $0xEA80;
	[sflag:s25] =	ssyncadd.s32 $0xFFFFC000  }
0x70: {  	[spmem:s1] =	stream.indirect.scatter.add.f32 [tilespmem:s18], [sflag:$0x5], $0x80, s21, s17, $0xb8;
	[tilespmem:$0x1EC80] =	vst v63  }
0x71: {  	_ =	swait.ge [sflag:s12], $0x4000  }
0x72: {  	[sflag:s12] =	ssyncset.done $0x0  }
0x73: {  	[sflag:s12] =	ssyncadd.s32 $0xFFFFC000  }
0x74: {  	_ =	swait.ge [sflag:s26], $0x4000  }
0x75: {  	[sflag:s26] =	ssyncset.done $0x0  }
0x76: {  	[sflag:s26] =	ssyncadd.s32 $0xFFFFC000  }
0x77: {  	[spmem:s1] =	stream.indirect.scatter.add.f32 [tilespmem:s20], [sflag:$0x5], $0x80, s31, s17, $0xb8;
	[tilespmem:$0x1EC80] =	vst v63  }
0x78: {  	_ =	swait.ge [sflag:s12], $0x4000  }
0x79: {  	[sflag:s12] =	ssyncset.done $0x0  }
0x7a: {  	[sflag:s12] =	ssyncadd.s32 $0xFFFFC000  }
0x7b: {  	_ =	swait.ge [sflag:s28], $0x4000  }
0x7c: {  	[sflag:s28] =	ssyncset.done $0x0  }
0x7d: {  	[sflag:s28] =	ssyncadd.s32 $0xFFFFC000  }
0x7e: {  	[spmem:s1] =	stream.indirect.scatter.add.f32 [tilespmem:s22], [sflag:$0x5], $0x80, s0, s17, $0xb8;
	[tilespmem:$0x1EC80] =	vst v63  }
0x7f: {  	_ =	swait.ge [sflag:s12], $0x4000  }
0x80: {  	[sflag:s12] =	ssyncset.done $0x0  }
0x81: {  	[sflag:s12] =	ssyncadd.s32 $0xFFFFC000  }
0x82: {  	_ =	swait.ge [sflag:s29], $0x4000  }
0x83: {  	[sflag:s29] =	ssyncset.done $0x0  }
0x84: {  	[sflag:s29] =	ssyncadd.s32 $0xFFFFC000  }
0x85: {  	[spmem:s1] =	stream.indirect.scatter.add.f32 [tilespmem:s24], [sflag:$0x5], $0x80, s13, s17, $0xb8;
	[tilespmem:$0x1EC80] =	vst v63  }
0x86: {  	_ =	swait.ge [sflag:s12], $0x4000  }
0x87: {  	[sflag:s12] =	ssyncset.done $0x0  }
0x88: {  	[sflag:s12] =	ssyncadd.s32 $0xFFFFC000  }
0x89: {  	[bflag:$0x0] =	sbarrier.arrive $0xFFFF  }
0x8a: {  	[hbm:s8], [sflag:s14] =	dma.local [spmem:s15], $0x1380  }
0x8b: {  	s19 =	sadd.s32 $0x1, s19;
	_ =	swait.ge [sflag:s12], $0x1380  }
0x8c: {  	p1 =	sne.s32 s19, s10;
	[sflag:s12] =	ssyncset.done $0x0  }
.Ltmp1:
0x8d: {  	s21 =	simm.s32 @!p0 $0x5;
	[sflag:s12] =	ssyncadd.s32 $0xFFFFEC80;
	(pc) =	sbr.rel @p1 .LBB2_1-.Ltmp1, $4  }
0x8e: {  	[hbm:s9], [sflag:s14] =	dma.local @!p0 [spmem:s16], $0x80  }
0x8f: {  	_ =	swait.ge @!p0 [sflag:s21], $0x80  }
0x90: {  	[sflag:s21] =	ssyncset.done @!p0 $0x0  }
0x91: {  	[sflag:s21] =	ssyncadd.s32 @!p0 $0xFFFFFF80  }
0x92: {  	_ =	sfence.sel $0x180000  }
0x93: {  	[bflag:$0x0] =	sbarrier.arrive $0xFFFF  }
0x94: {  	_ =	strace $0x9000004D  }
0x95: {  	[bflag:$0x2] =	sbarrier.arrive $0xFFFF  }
0x96: {  	s0 =	rddreg [dreg:$0x2]  }
0x97: {  	s0 =	sadd.s32 @!p0 $0x100000, s0  }
0x98: {  	[sflag:s0] =	ssyncadd.tile.s32 @!p0 $0x1;
	_ =	shalt  }
.Lfunc_end2:
_tile_overlayer_lowered:
.L_overlay_start_2:
0x99: {  	(tag) =	ssettag $0x2  }
0x9a: {  	s0 =	rddreg [dreg:$0x0];
	s2 =	stileid.u32  }
0x9b: {  	s1 =	rddreg [dreg:$0x1];
	p0 =	sne.s32 s2, $0x0  }
0x9c: {  	s3 =	rddreg [dreg:$0x2];
	[bflag:$0x3] =	sbarrier.arrive $0xFFFF;
	s2 =	simm.s32 @!p0 $0x1C05  }
0x9d: {  	[timem:s3], [sflag:s2] =	dma.local @!p0 [hbm:s0], s1  }
0x9e: {  	s0 =	simm.s32 @!p0 $0x5  }
0x9f: {  	_ =	swait.ge @!p0 [sflag:s0], s1  }
0xa0: {  	s1 =	ssub.s32 @!p0 $0x0, s1;
	[sflag:s0] =	ssyncset.done @!p0 $0x0  }
0xa1: {  	[sflag:s0] =	ssyncadd.s32 @!p0 s1  }
0xa2: {  	[bflag:$0x3] =	sbarrier.arrive $0xFFFF  }
0xa3: {  	_ =	shalt  }

// kernel: kernel.20.cloned.1.call-start
scs
__scs_entry_jumppad:
0x0: {  	(pc) =	sbr.rel $0x88, $3  }
0x1: {  	(tag) =	ssettag $0x0;
	lr =	simm.s32 $0x1  }
0x2: {  	[smem:$0x3F90] =	sst lr;
	_ =	strace $0xD0000000  }
0x3: {  	_ = 	snop  }
0x4: {  	_ = 	snop  }
0x5: {  	_ = 	snop  }
0x6: {  	_ = 	snop  }
0x7: {  	_ = 	snop  }
__scs_overlays_trampoline_lowered:
0x8: {  	[smem:$0x3F9F] =	sst s0  }
0x9: {  	[smem:$0x3FA0] =	sst s1  }
0xa: {  	[smem:$0x3FA1] =	sst s2  }
0xb: {  	[smem:$0x3FA2] =	sst s3  }
0xc: {  	[smem:$0x3FA3] =	sst s4  }
0xd: {  	[smem:$0x3FA4] =	sst s5  }
0xe: {  	[smem:$0x3FA5] =	sst s6  }
0xf: {  	[smem:$0x3FA6] =	sst s7  }
0x10: {  	[smem:$0x3FA7] =	sst s8  }
0x11: {  	[smem:$0x3FA8] =	sst s9;
	s0 =	simm.s32 @!p0 $0x0  }
0x12: {  	s1 =	sld [smem:$0x3F8E];
	s0 =	simm.s32 @p0 $0x1  }
0x13: {  	[smem:$0x3FA9] =	sst s0;
	s0 =	simm.s32 @!p1 $0x0  }
0x14: {  	s2 =	sld [smem:$0x3F8D];
	s0 =	simm.s32 @p1 $0x1  }
0x15: {  	[smem:$0x3FAA] =	sst s0;
	s0 =	simm.s32 @!p2 $0x0  }
0x16: {  	s3 =	sld [smem:$0x3FDB];
	s0 =	simm.s32 @p2 $0x1  }
0x17: {  	s4 =	simm.s32 $0x1BF5;
	[smem:$0x3FAC] =	sst s0  }
0x18: {  	s0 =	sld [smem:$0x3F8F];
	_ =	swait.ge [sflag:s4], $0x0  }
0x19: {  	s7 =	sld [smem:$0x3F90]  }
0x1a: {  	s8 =	sadd.s32 $0xFFFFE003, lr  }
0x1b: {  	s9 =	sadd.s32 $0xFFFFFEF7, lr;
	s5 =	simm.s32 $0xFFFFFFFF;
	p2 =	slt.u32 s8, $0xFFFFF086  }
0x1c: {  	p1 =	slt.u32 s9, $0xF7A;
	s5 =	simm.s32 @!p2 $0x0  }
0x1d: {  	s5 =	simm.s32 @p1 $0x1;
	p0 =	seq.s32 s7, s2  }
0x1e: {  	s7 =	smul.u32 @!p0 $0xF7A, s2;
	p2 =	seq.s32 @!p0 s5, $0x0  }
0x1f: {  	s9 =	smul.u32 $0xF7A, s1;
	s8 =	simm.s32 @!p0 $0x1BF5;
	p2 =	por !p2, p0  }
0x20: {  	[sflag:s8] =	ssyncset.s32 @!p0 $0xFFFFF086;
	s6 =	sadd.s32 @!p0 s3, s7;
	s7 =	simm.s32 @!p0 $0x108  }
0x21: {  	s3 =	sadd.s32 s3, s9;
	s6 =	sadd.s32 @!p0 $0x88, s6;
	s7 =	simm.s32 @p2 $0x1082  }
0x22: {  	[simem:s7], [sflag:s8] =	dma.local @!p0 [hbm:s6], $0xF7A  }
0x23: {  	s9 =	sor.u32 $0xD0000000, s2;
	s6 =	simm.s32 $0x108;
	_ =	swait.ge @!p0 [sflag:s8], $0x0  }
0x24: {  	s3 =	sadd.s32 $0x88, s3;
	s6 =	simm.s32 @!p1 $0x1082;
	[sflag:s4] =	ssyncset.s32 $0xFFFFF086  }
0x25: {  	[simem:s6], [sflag:s4] =	dma.local [hbm:s3], $0xF7A  }
0x26: {  	[smem:$0x3F90] =	sst s1;
	(tag) =	ssettag s2;
	_ =	strace s9  }
0x27: {  	s1 =	sld [smem:$0x3FA0]  }
0x28: {  	s2 =	sld [smem:$0x3FA1]  }
0x29: {  	s4 =	sld [smem:$0x3FA3]  }
0x2a: {  	p0 =	seq.s32 s5, $0x0;
	s5 =	sld [smem:$0x3FA4]  }
0x2b: {  	s6 =	sld [smem:$0x3FA5]  }
0x2c: {  	s7 =	sld [smem:$0x3FA6]  }
0x2d: {  	s3 =	simm.s32 $0x108;
	s8 =	sld [smem:$0x3FA7]  }
0x2e: {  	s3 =	simm.s32 @!p0 $0x1082;
	s9 =	sld [smem:$0x3FA8]  }
0x2f: {  	lr =	sadd.s32 s0, s3;
	s0 =	sld [smem:$0x3F9F]  }
0x30: {  	s3 =	sld [smem:$0x3FA2]  }
0x31: {  	[smem:$0x3FAB] =	sst s10  }
0x32: {  	s10 =	sld [smem:$0x3FA9];
	_ =	sdelay $0x3  }
0x33: {  	p0 =	seq.s32 s10, $0x1;
	s10 =	sld [smem:$0x3FAB];
	_ =	sdelay $0x3  }
0x34: {  	[smem:$0x3FAB] =	sst s10  }
0x35: {  	s10 =	sld [smem:$0x3FAA];
	_ =	sdelay $0x3  }
0x36: {  	p1 =	seq.s32 s10, $0x1;
	s10 =	sld [smem:$0x3FAB];
	_ =	sdelay $0x3  }
0x37: {  	[smem:$0x3FAB] =	sst s10  }
0x38: {  	s10 =	sld [smem:$0x3FAC]  }
0x39: {  	_ = 	snop;
	(pc) =	sbr.ind lr, $3  }
0x3a: {  	_ = 	snop  }
0x3b: {  	_ = 	snop  }
0x3c: {  	p2 =	seq.s32 s10, $0x1;
	s10 =	sld [smem:$0x3FAB]  }
0x3d: {  	_ =	shalt  }
0x3e: {  	_ =	shalt  }
0x3f: {  	_ =	shalt  }
0x40: {  	_ =	shalt  }
0x41: {  	_ =	shalt  }
0x42: {  	_ =	shalt  }
0x43: {  	_ =	shalt  }
0x44: {  	_ =	shalt  }
0x45: {  	_ =	shalt  }
0x46: {  	_ =	shalt  }
0x47: {  	_ =	shalt  }
0x48: {  	_ =	shalt  }
0x49: {  	_ =	shalt  }
0x4a: {  	_ =	shalt  }
0x4b: {  	_ =	shalt  }
0x4c: {  	_ =	shalt  }
0x4d: {  	_ =	shalt  }
0x4e: {  	_ =	shalt  }
0x4f: {  	_ =	shalt  }
0x50: {  	_ =	shalt  }
0x51: {  	_ =	shalt  }
0x52: {  	_ =	shalt  }
0x53: {  	_ =	shalt  }
0x54: {  	_ =	shalt  }
0x55: {  	_ =	shalt  }
0x56: {  	_ =	shalt  }
0x57: {  	_ =	shalt  }
0x58: {  	_ =	shalt  }
0x59: {  	_ =	shalt  }
0x5a: {  	_ =	shalt  }
0x5b: {  	_ =	shalt  }
0x5c: {  	_ =	shalt  }
0x5d: {  	_ =	shalt  }
0x5e: {  	_ =	shalt  }
0x5f: {  	_ =	shalt  }
0x60: {  	_ =	shalt  }
0x61: {  	_ =	shalt  }
0x62: {  	_ =	shalt  }
0x63: {  	_ =	shalt  }
0x64: {  	_ =	shalt  }
0x65: {  	_ =	shalt  }
0x66: {  	_ =	shalt  }
0x67: {  	_ =	shalt  }
0x68: {  	_ =	shalt  }
0x69: {  	_ =	shalt  }
0x6a: {  	_ =	shalt  }
0x6b: {  	_ =	shalt  }
0x6c: {  	_ =	shalt  }
0x6d: {  	_ =	shalt  }
0x6e: {  	_ =	shalt  }
0x6f: {  	_ =	shalt  }
0x70: {  	_ =	shalt  }
0x71: {  	_ =	shalt  }
0x72: {  	_ =	shalt  }
0x73: {  	_ =	shalt  }
0x74: {  	_ =	shalt  }
0x75: {  	_ =	shalt  }
0x76: {  	_ =	shalt  }
0x77: {  	_ =	shalt  }
0x78: {  	_ =	shalt  }
0x79: {  	_ =	shalt  }
0x7a: {  	_ =	shalt  }
0x7b: {  	_ =	shalt  }
0x7c: {  	_ =	shalt  }
0x7d: {  	_ =	shalt  }
0x7e: {  	_ =	shalt  }
0x7f: {  	_ =	shalt  }
0x80: {  	_ =	shalt  }
0x81: {  	_ =	shalt  }
0x82: {  	_ =	shalt  }
0x83: {  	_ =	shalt  }
0x84: {  	_ =	shalt  }
0x85: {  	_ =	shalt  }
0x86: {  	_ =	shalt  }
0x87: {  	_ =	shalt  }
.Lfunc_end0:
.L_simem_size_0:
called_computation.3_lowered:
.L_overlay_start_0:
0x88: {  	s2 =	sld [smem:$0x3FD9]  }
0x89: {  	s3 =	sld [smem:$0x3FFE];
	_ =	sdelay $0x1  }
0x8a: {  	s1 =	srdreg.scid  }
0x8b: {  	s0 =	sand.u32 $0x1, s1  }
0x8c: {  	s16 =	sshll.u32 s0, $0xA;
	s2 =	sadd.s32 s3, s2  }
0x8d: {  	s2 =	sadd.s32 s2, s16  }
0x8e: {  	[smem:$0x3FB7] =	sst s2  }
0x8f: {  	_ = 	snop  }
0x90: {  	(tm) =	ssettm $0x1  }
0x91: {  	s17 =	sld [smem:$0x3FFB];
	_ =	sdelay $0x3  }
0x92: {  	_ =	strace s17  }
0x93: {  	s2 =	sld [smem:$0x3FFC];
	_ =	sdelay $0x3  }
0x94: {  	_ =	strace s2  }
0x95: {  	s2 =	sld [smem:$0x3FFD];
	_ =	sdelay $0x3  }
0x96: {  	_ =	strace s2  }
0x97: {  	_ =	strace $0x8FFFFFFF  }
0x98: {  	s18 =	sld [smem:$0x3FDB];
	_ =	sdelay $0x1  }
0x99: {  	s19 =	simm.s32 $_scs_section_size  }
0x9a: {  	s4 =	simm.s32 $_size__tile_overlayer_lowered;
	s5 =	simm.s32 $_tile_overlayer_lowered  }
0x9b: {  	s22 =	simm.s32 $0x1BFF;
	s21 =	sshll.u32 s5, $0x1;
	s2 =	sadd.s32 s19, s18  }
0x9c: {  	s6 =	simm.s32 $0x0;
	s20 =	sshll.u32 s4, $0x1;
	s4 =	sadd.s32 s21, s2  }
0x9d: {  	[timem:s6], [sflag:s22] =	dma.local [hbm:s4], s20  }
0x9e: {  	_ =	swait.ge [sflag:s22], s20  }
0x9f: {  	s3 =	ssub.s32 $0x0, s20;
	[sflag:s22] =	ssyncset.done $0x0  }
0xa0: {  	[sflag:s22] =	ssyncadd.s32 s3;
	_ =	sdelay $0x1  }
0xa1: {  	s23 =	simm.s32 $0x1B8B  }
0xa2: {  	_ =	swait.ge [sflag:s23], $0x1  }
0xa3: {  	[sflag:s23] =	ssyncset.done $0x0  }
0xa4: {  	s25 =	simm.s32 $0x1B8E;
	s24 =	sld [smem:$0x3FFE];
	[sflag:s23] =	ssyncadd.s32 $0xFFFFFFFF  }
0xa5: {  	s26 =	simm.s32 $execute0_lowered;
	[smem:$0x3FD2] =	sst s25  }
0xa6: {  	s4 =	sshll.u32 s26, $0x1;
	_ =	strace $0x8000004F;
	[dreg:$0x1] =	wrdreg $0xFFFFFFFF  }
0xa7: {  	s28 =	simm.s32 $_size_execute0_lowered;
	s2 =	sadd.s32 s2, s4;
	[dreg:$0x0] =	wrdreg $0x0  }
0xa8: {  	s4 =	sshll.u32 s28, $0x1;
	[dreg:$0x2] =	wrdreg s2  }
0xa9: {  	[dreg:$0x3] =	wrdreg s4  }
0xaa: {  	[dreg:$0x4] =	wrdreg $0xC0  }
0xab: {  	_ =	task [dreg:s6], $0x5FFFF  }
0xac: {  	[dreg:$0x1] =	wrdreg $0xFFFFFFFF  }
0xad: {  	[dreg:$0x0] =	wrdreg $0x60  }
0xae: {  	[dreg:$0x2] =	wrdreg s24  }
0xaf: {  	[dreg:$0x3] =	wrdreg $0x0  }
0xb0: {  	[dreg:$0x4] =	wrdreg $0x9  }
0xb1: {  	_ =	task.clear_ibuf [dreg:s6], $0x5FFFF;
	_ =	strace $0x9000004F  }
0xb2: {  	s29 =	simm.s32 $0x9;
	_ =	strace $0x80000051  }
0xb3: {  	_ =	swait.ge [sflag:s29], $0x1  }
0xb4: {  	[sflag:s29] =	ssyncadd.s32 $0xFFFFFFFF  }
0xb5: {  	_ =	strace $0x90000051  }
0xb6: {  	_ =	sfence  }
0xb7: {  	s30 =	sld [smem:$0x0];
	_ =	sdelay $0x2  }
0xb8: {  	s31 =	sshll.u32 s1, $0xD;
	s1 =	sshrl.u32 s1, $0x2  }
0xb9: {  	s3 =	sand.u32 $0x4000, s31;
	s1 =	sadd.s32 s1, s30  }
0xba: {  	s0 =	sor.u32 s3, s0;
	s1 =	sshll.u32 s1, $0x11  }
0xbb: {  	s0 =	sor.u32 s1, s0  }
0xbc: {  	s0 =	sadd.s32 $0x8F2B, s0  }
0xbd: {  	[sflag:s0] =	ssyncadd.remote.s32 $0x1  }
0xbe: {  	_ =	sfence.sel $0xFFFF  }
0xbf: {  	[dreg:$0x0] =	wrdreg $0xFFFFFFFF;
	(pc) =	sbr.abs _section_cstart, $3  }
0xc0: {  	[dreg:$0x1] =	wrdreg $0xFFFFFFFF  }
0xc1: {  	_ =	task.clear_ibuf [dreg:s6], $0x2FFFF;
	_ =	strace $0x9FFFFFFF  }
0xc2: {  	(tm) =	ssettm $0x7FFFFFFF  }
0xc3: {  	_ =	shalt  }
tec
execute0_lowered:
.L_overlay_start_1:
0x0: {  	(tag) =	ssettag $0x1  }
0x1: {  	s0 =	srdreg.scid;
	s7 =	rddreg [dreg:$0x0]  }
0x2: {  	s1 =	rddreg [dreg:$0x1];
	s13 =	stileid.u32  }
0x3: {  	s2 =	simm.s32 $0x0;
	s17 =	simm.s32 $0x80;
	s18 =	simm.s32 $0xEC80  }
0x4: {  	s20 =	simm.s32 $0x12C80;
	s22 =	simm.s32 $0x16C80;
	s24 =	simm.s32 $0x1AC80  }
0x5: {  	s28 =	simm.s32 $0x3;
	s29 =	simm.s32 $0x4;
	s31 =	simm.s32 $0xEB00  }
0x6: {  	s19 =	simm.s32 $0x0;
	s0 =	sand.u32 $0x1, s0;
	s8 =	smul.u32 $0x1380, s13  }
0x7: {  	[smem:$0x7FF] =	sst s2;
	s10 =	smul.u32 $0x27000, s13;
	s11 =	sadd.s32 $0x53000, s7  }
0x8: {  	s16 =	sadd.s32 $0x9C000, s1;
	p0 =	sne.s32 s13, $0x0;
	s30 =	sshll.u32 s13, $0x6  }
0x9: {  	s3 =	sshll.u32 s0, $0x4;
	_ =	strace $0x80000050;
	s26 =	smul.u32 $0x13880, s0  }
0xa: {  	s25 =	ssub.s32 $0x2, s0;
	s0 =	smul.u32 $0x9C400, s0;
	s14 =	sor.u32 $0x1C05, s30  }
0xb: {  	s16 =	sshrl.u32 @!p0 s16, $0x3;
	s3 =	sor.u32 s13, s3;
	s6 =	sadd.s32 s8, s7  }
0xc: {  	s9 =	sshrl.u32 s25, $0x1;
	s10 =	sshrl.u32 s10, $0x2;
	s13 =	simm.s32 $0xEC00  }
0xd: {  	s4 =	smul.u32 $0x500, s3;
	s3 =	sadd.s32 $0x18400, s7;
	s12 =	ssub.s32 s25, s9  }
0xe: {  	s15 =	sadd.s32 s10, s1;
	s6 =	sadd.s32 $0x3F600, s6;
	s8 =	sadd.s32 s8, s26  }
0xf: {  	s0 =	sshrl.u32 s0, $0x3;
	s25 =	simm.s32 $0x1;
	s26 =	simm.s32 $0x2  }
0x10: {  	s8 =	sadd.s32 s11, s8;
	s0 =	sadd.s32 s11, s0;
	s10 =	smax.u32 s12, $0x1  }
0x11: {  	s11 =	simm.s32 $0x9C80;
	s12 =	simm.s32 $0x5;
	s15 =	sshrl.u32 s15, $0x3  }
0x12: {  	s5 =	sadd.s32 s4, s7;
	s7 =	sadd.s32 $0x52E00, s7;
	s9 =	sadd.s32 $0x13800, s0  }
0x13: {  	s0 =	simm.s32 $0xEB80;
	s4 =	sadd.s32 $0xE400, s5;
	s5 =	sadd.s32 $0x4400, s5  }
.LBB2_1:
0x14: {  	[tilespmem:s11], [sflag:$0x5] =	stream.linear.gather [hbm4b:s4+s2], $0x2800, $0x38;
	[tilespmem:$0x1EC80] =	vst v63  }
0x15: {  	_ =	swait.ge [sflag:s12], $0x2800  }
0x16: {  	[sflag:s12] =	ssyncset.done $0x0  }
0x17: {  	s21 =	simm.s32 $0xC480;
	[sflag:s12] =	ssyncadd.s32 $0xFFFFD800  }
0x18: {  	[tilespmem:s21], [sflag:$0x5] =	stream.linear.gather [hbm4b:s5+s2], $0x2800, $0x38;
	[tilespmem:$0x1EC80] =	vst v63  }
0x19: {  	_ =	swait.ge [sflag:s12], $0x2800  }
0x1a: {  	[sflag:s12] =	ssyncset.done $0x0  }
0x1b: {  	[sflag:s12] =	ssyncadd.s32 $0xFFFFD800  }
0x1c: {  	[spmem:s15], [sflag:s14] =	dma.local [hbm:s6], $0x1380  }
0x1d: {  	_ =	swait.ge [sflag:s12], $0x1380  }
0x1e: {  	[sflag:s12] =	ssyncset.done $0x0  }
0x1f: {  	s21 =	simm.s32 @!p0 $0x5;
	[sflag:s12] =	ssyncadd.s32 $0xFFFFEC80  }
0x20: {  	[spmem:s16], [sflag:s14] =	dma.local @!p0 [hbm:s7], $0x80  }
0x21: {  	_ =	swait.ge @!p0 [sflag:s21], $0x80  }
0x22: {  	[sflag:s21] =	ssyncset.done @!p0 $0x0  }
0x23: {  	[sflag:s21] =	ssyncadd.s32 @!p0 $0xFFFFFF80  }
0x24: {  	[bflag:$0x0] =	sbarrier.arrive $0xFFFF  }
0x25: {  	[tilespmem:s18], [sflag:$0x1] =	stream.indirect.gather [hbm4b:s3+s17], $0x80, s11, s17, $0xb8;
	[tilespmem:$0x1EC80] =	vst v63  }
0x26: {  	s23 =	simm.s32 $0x9D00  }
0x27: {  	[tilespmem:s20], [sflag:$0x2] =	stream.indirect.gather [hbm4b:s3+s17], $0x80, s23, s17, $0xb8;
	[tilespmem:$0x1EC80] =	vst v63  }
0x28: {  	s30 =	simm.s32 $0x9D80  }
0x29: {  	[tilespmem:s22], [sflag:$0x3] =	stream.indirect.gather [hbm4b:s3+s17], $0x80, s30, s17, $0xb8;
	[tilespmem:$0x1EC80] =	vst v63  }
0x2a: {  	s23 =	simm.s32 $0x9E00  }
0x2b: {  	[tilespmem:s24], [sflag:$0x4] =	stream.indirect.gather [hbm4b:s3+s17], $0x80, s23, s17, $0xb8;
	[tilespmem:$0x1EC80] =	vst v63  }
0x2c: {  	_ =	swait.ge [sflag:s25], $0x4000  }
0x2d: {  	[sflag:s25] =	ssyncset.done $0x0  }
0x2e: {  	s30 =	simm.s32 $0xC480;
	[sflag:s25] =	ssyncadd.s32 $0xFFFFC000  }
0x2f: {  	[spmem:s1] =	stream.indirect.scatter.add.f32 [tilespmem:s18], [sflag:$0x5], $0x80, s30, s17, $0xb8;
	[tilespmem:$0x1EC80] =	vst v63  }
0x30: {  	_ =	swait.ge [sflag:s12], $0x4000  }
0x31: {  	[sflag:s12] =	ssyncset.done $0x0  }
0x32: {  	s23 =	simm.s32 $0x9E80;
	[sflag:s12] =	ssyncadd.s32 $0xFFFFC000  }
0x33: {  	[tilespmem:s18], [sflag:$0x1] =	stream.indirect.gather [hbm4b:s3+s17], $0x80, s23, s17, $0xb8;
	[tilespmem:$0x1EC80] =	vst v63  }
0x34: {  	_ =	swait.ge [sflag:s26], $0x4000  }
0x35: {  	[sflag:s26] =	ssyncset.done $0x0  }
0x36: {  	s30 =	simm.s32 $0xC500;
	[sflag:s26] =	ssyncadd.s32 $0xFFFFC000  }
0x37: {  	[spmem:s1] =	stream.indirect.scatter.add.f32 [tilespmem:s20], [sflag:$0x5], $0x80, s30, s17, $0xb8;
	[tilespmem:$0x1EC80] =	vst v63  }
0x38: {  	_ =	swait.ge [sflag:s12], $0x4000  }
0x39: {  	[sflag:s12] =	ssyncset.done $0x0  }
0x3a: {  	s23 =	simm.s32 $0x9F00;
	[sflag:s12] =	ssyncadd.s32 $0xFFFFC000  }
0x3b: {  	[tilespmem:s20], [sflag:$0x2] =	stream.indirect.gather [hbm4b:s3+s17], $0x80, s23, s17, $0xb8;
	[tilespmem:$0x1EC80] =	vst v63  }
0x3c: {  	_ =	swait.ge [sflag:s28], $0x4000  }
0x3d: {  	[sflag:s28] =	ssyncset.done $0x0  }
0x3e: {  	s30 =	simm.s32 $0xC580;
	[sflag:s28] =	ssyncadd.s32 $0xFFFFC000  }
0x3f: {  	[spmem:s1] =	stream.indirect.scatter.add.f32 [tilespmem:s22], [sflag:$0x5], $0x80, s30, s17, $0xb8;
	[tilespmem:$0x1EC80] =	vst v63  }
0x40: {  	_ =	swait.ge [sflag:s12], $0x4000  }
0x41: {  	[sflag:s12] =	ssyncset.done $0x0  }
0x42: {  	s23 =	simm.s32 $0x9F80;
	[sflag:s12] =	ssyncadd.s32 $0xFFFFC000  }
0x43: {  	[tilespmem:s22], [sflag:$0x3] =	stream.indirect.gather [hbm4b:s3+s17], $0x80, s23, s17, $0xb8;
	[tilespmem:$0x1EC80] =	vst v63  }
0x44: {  	_ =	swait.ge [sflag:s29], $0x4000  }
0x45: {  	[sflag:s29] =	ssyncset.done $0x0  }
0x46: {  	s30 =	simm.s32 $0xC600;
	[sflag:s29] =	ssyncadd.s32 $0xFFFFC000  }
0x47: {  	[spmem:s1] =	stream.indirect.scatter.add.f32 [tilespmem:s24], [sflag:$0x5], $0x80, s30, s17, $0xb8;
	[tilespmem:$0x1EC80] =	vst v63  }
0x48: {  	_ =	swait.ge [sflag:s12], $0x4000  }
0x49: {  	[sflag:s12] =	ssyncset.done $0x0  }
0x4a: {  	s21 =	simm.s32 $0x800;
	s23 =	simm.s32 $0xA000;
	[sflag:s12] =	ssyncadd.s32 $0xFFFFC000  }
.LBB2_2:
0x4b: {  	[tilespmem:s24], [sflag:$0x4] =	stream.indirect.gather [hbm4b:s3+s17], $0x80, s23, s17, $0xb8;
	[tilespmem:$0x1EC80] =	vst v63  }
0x4c: {  	s23 =	smov.u32 s21  }
0x4d: {  	p1 =	sne.s32 s21, $0x9000;
	s21 =	sadd.s32 $0x800, s21;
	_ =	swait.ge [sflag:s25], $0x4000  }
0x4e: {  	s23 =	sshra.s32 s23, $0x2;
	[sflag:s25] =	ssyncset.done $0x0  }
0x4f: {  	s30 =	sadd.s32 $0xC480, s23;
	[sflag:s25] =	ssyncadd.s32 $0xFFFFC000  }
0x50: {  	[spmem:s1] =	stream.indirect.scatter.add.f32 [tilespmem:s18], [sflag:$0x5], $0x80, s30, s17, $0xb8;
	[tilespmem:$0x1EC80] =	vst v63  }
0x51: {  	_ =	swait.ge [sflag:s12], $0x4000  }
0x52: {  	[sflag:s12] =	ssyncset.done $0x0  }
0x53: {  	s30 =	sadd.s32 $0x9E80, s23;
	[sflag:s12] =	ssyncadd.s32 $0xFFFFC000  }
0x54: {  	[tilespmem:s18], [sflag:$0x1] =	stream.indirect.gather [hbm4b:s3+s17], $0x80, s30, s17, $0xb8;
	[tilespmem:$0x1EC80] =	vst v63  }
0x55: {  	_ =	swait.ge [sflag:s26], $0x4000  }
0x56: {  	[sflag:s26] =	ssyncset.done $0x0  }
0x57: {  	s30 =	sadd.s32 $0xC500, s23;
	[sflag:s26] =	ssyncadd.s32 $0xFFFFC000  }
0x58: {  	[spmem:s1] =	stream.indirect.scatter.add.f32 [tilespmem:s20], [sflag:$0x5], $0x80, s30, s17, $0xb8;
	[tilespmem:$0x1EC80] =	vst v63  }
0x59: {  	_ =	swait.ge [sflag:s12], $0x4000  }
0x5a: {  	[sflag:s12] =	ssyncset.done $0x0  }
0x5b: {  	s30 =	sadd.s32 $0x9F00, s23;
	[sflag:s12] =	ssyncadd.s32 $0xFFFFC000  }
0x5c: {  	[tilespmem:s20], [sflag:$0x2] =	stream.indirect.gather [hbm4b:s3+s17], $0x80, s30, s17, $0xb8;
	[tilespmem:$0x1EC80] =	vst v63  }
0x5d: {  	_ =	swait.ge [sflag:s28], $0x4000  }
0x5e: {  	[sflag:s28] =	ssyncset.done $0x0  }
0x5f: {  	s30 =	sadd.s32 $0xC580, s23;
	[sflag:s28] =	ssyncadd.s32 $0xFFFFC000  }
0x60: {  	[spmem:s1] =	stream.indirect.scatter.add.f32 [tilespmem:s22], [sflag:$0x5], $0x80, s30, s17, $0xb8;
	[tilespmem:$0x1EC80] =	vst v63  }
0x61: {  	_ =	swait.ge [sflag:s12], $0x4000  }
0x62: {  	[sflag:s12] =	ssyncset.done $0x0  }
0x63: {  	s30 =	sadd.s32 $0x9F80, s23;
	[sflag:s12] =	ssyncadd.s32 $0xFFFFC000  }
0x64: {  	[tilespmem:s22], [sflag:$0x3] =	stream.indirect.gather [hbm4b:s3+s17], $0x80, s30, s17, $0xb8;
	[tilespmem:$0x1EC80] =	vst v63  }
0x65: {  	_ =	swait.ge [sflag:s29], $0x4000  }
0x66: {  	[sflag:s29] =	ssyncset.done $0x0  }
.Ltmp0:
0x67: {  	s30 =	sadd.s32 $0xC600, s23;
	[sflag:s29] =	ssyncadd.s32 $0xFFFFC000;
	(pc) =	sbr.rel @p1 .LBB2_2-.Ltmp0, $4  }
0x68: {  	[spmem:s1] =	stream.indirect.scatter.add.f32 [tilespmem:s24], [sflag:$0x5], $0x80, s30, s17, $0xb8;
	[tilespmem:$0x1EC80] =	vst v63  }
0x69: {  	_ =	swait.ge [sflag:s12], $0x4000  }
0x6a: {  	[sflag:s12] =	ssyncset.done $0x0  }
0x6b: {  	s23 =	sadd.s32 $0xA000, s23;
	[sflag:s12] =	ssyncadd.s32 $0xFFFFC000  }
0x6c: {  	[tilespmem:s24], [sflag:$0x4] =	stream.indirect.gather [hbm4b:s3+s17], $0x80, s23, s17, $0xb8;
	[tilespmem:$0x1EC80] =	vst v63  }
0x6d: {  	_ =	swait.ge [sflag:s25], $0x4000  }
0x6e: {  	[sflag:s25] =	ssyncset.done $0x0  }
0x6f: {  	s21 =	simm.s32 $0xEA80;
	[sflag:s25] =	ssyncadd.s32 $0xFFFFC000  }
0x70: {  	[spmem:s1] =	stream.indirect.scatter.add.f32 [tilespmem:s18], [sflag:$0x5], $0x80, s21, s17, $0xb8;
	[tilespmem:$0x1EC80] =	vst v63  }
0x71: {  	_ =	swait.ge [sflag:s12], $0x4000  }
0x72: {  	[sflag:s12] =	ssyncset.done $0x0  }
0x73: {  	[sflag:s12] =	ssyncadd.s32 $0xFFFFC000  }
0x74: {  	_ =	swait.ge [sflag:s26], $0x4000  }
0x75: {  	[sflag:s26] =	ssyncset.done $0x0  }
0x76: {  	[sflag:s26] =	ssyncadd.s32 $0xFFFFC000  }
0x77: {  	[spmem:s1] =	stream.indirect.scatter.add.f32 [tilespmem:s20], [sflag:$0x5], $0x80, s31, s17, $0xb8;
	[tilespmem:$0x1EC80] =	vst v63  }
0x78: {  	_ =	swait.ge [sflag:s12], $0x4000  }
0x79: {  	[sflag:s12] =	ssyncset.done $0x0  }
0x7a: {  	[sflag:s12] =	ssyncadd.s32 $0xFFFFC000  }
0x7b: {  	_ =	swait.ge [sflag:s28], $0x4000  }
0x7c: {  	[sflag:s28] =	ssyncset.done $0x0  }
0x7d: {  	[sflag:s28] =	ssyncadd.s32 $0xFFFFC000  }
0x7e: {  	[spmem:s1] =	stream.indirect.scatter.add.f32 [tilespmem:s22], [sflag:$0x5], $0x80, s0, s17, $0xb8;
	[tilespmem:$0x1EC80] =	vst v63  }
0x7f: {  	_ =	swait.ge [sflag:s12], $0x4000  }
0x80: {  	[sflag:s12] =	ssyncset.done $0x0  }
0x81: {  	[sflag:s12] =	ssyncadd.s32 $0xFFFFC000  }
0x82: {  	_ =	swait.ge [sflag:s29], $0x4000  }
0x83: {  	[sflag:s29] =	ssyncset.done $0x0  }
0x84: {  	[sflag:s29] =	ssyncadd.s32 $0xFFFFC000  }
0x85: {  	[spmem:s1] =	stream.indirect.scatter.add.f32 [tilespmem:s24], [sflag:$0x5], $0x80, s13, s17, $0xb8;
	[tilespmem:$0x1EC80] =	vst v63  }
0x86: {  	_ =	swait.ge [sflag:s12], $0x4000  }
0x87: {  	[sflag:s12] =	ssyncset.done $0x0  }
0x88: {  	[sflag:s12] =	ssyncadd.s32 $0xFFFFC000  }
0x89: {  	[bflag:$0x0] =	sbarrier.arrive $0xFFFF  }
0x8a: {  	[hbm:s8], [sflag:s14] =	dma.local [spmem:s15], $0x1380  }
0x8b: {  	s19 =	sadd.s32 $0x1, s19;
	_ =	swait.ge [sflag:s12], $0x1380  }
0x8c: {  	p1 =	sne.s32 s19, s10;
	[sflag:s12] =	ssyncset.done $0x0  }
.Ltmp1:
0x8d: {  	s21 =	simm.s32 @!p0 $0x5;
	[sflag:s12] =	ssyncadd.s32 $0xFFFFEC80;
	(pc) =	sbr.rel @p1 .LBB2_1-.Ltmp1, $4  }
0x8e: {  	[hbm:s9], [sflag:s14] =	dma.local @!p0 [spmem:s16], $0x80  }
0x8f: {  	_ =	swait.ge @!p0 [sflag:s21], $0x80  }
0x90: {  	[sflag:s21] =	ssyncset.done @!p0 $0x0  }
0x91: {  	[sflag:s21] =	ssyncadd.s32 @!p0 $0xFFFFFF80  }
0x92: {  	_ =	sfence.sel $0x180000  }
0x93: {  	[bflag:$0x0] =	sbarrier.arrive $0xFFFF  }
0x94: {  	_ =	strace $0x90000050  }
0x95: {  	[bflag:$0x2] =	sbarrier.arrive $0xFFFF  }
0x96: {  	s0 =	rddreg [dreg:$0x2]  }
0x97: {  	s0 =	sadd.s32 @!p0 $0x100000, s0  }
0x98: {  	[sflag:s0] =	ssyncadd.tile.s32 @!p0 $0x1;
	_ =	shalt  }
.Lfunc_end2:
_tile_overlayer_lowered:
.L_overlay_start_2:
0x99: {  	(tag) =	ssettag $0x2  }
0x9a: {  	s0 =	rddreg [dreg:$0x0];
	s2 =	stileid.u32  }
0x9b: {  	s1 =	rddreg [dreg:$0x1];
	p0 =	sne.s32 s2, $0x0  }
0x9c: {  	s3 =	rddreg [dreg:$0x2];
	[bflag:$0x3] =	sbarrier.arrive $0xFFFF;
	s2 =	simm.s32 @!p0 $0x1C05  }
0x9d: {  	[timem:s3], [sflag:s2] =	dma.local @!p0 [hbm:s0], s1  }
0x9e: {  	s0 =	simm.s32 @!p0 $0x5  }
0x9f: {  	_ =	swait.ge @!p0 [sflag:s0], s1  }
0xa0: {  	s1 =	ssub.s32 @!p0 $0x0, s1;
	[sflag:s0] =	ssyncset.done @!p0 $0x0  }
0xa1: {  	[sflag:s0] =	ssyncadd.s32 @!p0 s1  }
0xa2: {  	[bflag:$0x3] =	sbarrier.arrive $0xFFFF  }
0xa3: {  	_ =	shalt  }

</sc_bundles>
